<compile_context>
chip_gen: v7x
topology: tpu7x:2x2x1
jax: 0.10.2.dev20260603
libtpu: 0.0.44.dev20260713+nightly
codegen_flags: <defaults>
</compile_context>

<pallas_src>
import functools

import jax
import jax.numpy as jnp
from jax import lax
from jax.experimental import pallas as pl
from jax.experimental.pallas import tpu as pltpu
from jax.experimental.pallas import tpu_sc as plsc

Q = 4096
K = 100000
D = 128
KP = 102400
TOPK = 64

QB = 512
KB = 2048

NC = 2
NS = 16
NW = NC * NS
ROWS_PER_W = Q // NW
NVEC = KP // 16
CAP = 256
HIGH = 128
UNROLL = 8
NBLK = KP // D
BIG = 0x7FFFFFFF


def _norm_body(x_ref, o_ref):
    x = x_ref[...]
    n = jnp.sqrt(jnp.sum(x * x, axis=1, keepdims=True))
    o_ref[...] = x / jnp.maximum(n, 1e-12)


def _normalize(x, rb):
    r = x.shape[0]
    return pl.pallas_call(
        _norm_body,
        grid=(r // rb,),
        in_specs=[pl.BlockSpec((rb, D), lambda i: (i, 0))],
        out_specs=pl.BlockSpec((rb, D), lambda i: (i, 0)),
        out_shape=jax.ShapeDtypeStruct((r, D), jnp.float32),
    )(x)


def _w_body(qn_ref, kn_ref, w_ref):
    sim = jax.lax.dot_general(
        qn_ref[...], kn_ref[...],
        dimension_numbers=(((1,), (1,)), ((), ())),
        preferred_element_type=jnp.float32,
    )
    w_ref[...] = jnp.clip((sim + 1.0) * 0.5, 1e-6, 1.0)


def _weights(qn, kn):
    return pl.pallas_call(
        _w_body,
        grid=(Q // QB, KP // KB),
        in_specs=[
            pl.BlockSpec((QB, D), lambda i, j: (i, 0)),
            pl.BlockSpec((KB, D), lambda i, j: (j, 0)),
        ],
        out_specs=pl.BlockSpec((QB, KB), lambda i, j: (i, j)),
        out_shape=jax.ShapeDtypeStruct((Q, KP), jnp.float32),
    )(qn, kn)


def _full16(x, dtype=None):
    if dtype is not None:
        x = jnp.asarray(x, dtype)
    return jnp.broadcast_to(x, (16,))


def _sc_select(w):
    mesh = plsc.VectorSubcoreMesh(core_axis_name="c", subcore_axis_name="s")

    @functools.partial(
        pl.kernel,
        out_type=(jax.ShapeDtypeStruct((Q, TOPK), jnp.float32),
                  jax.ShapeDtypeStruct((Q, TOPK), jnp.int32)),
        mesh=mesh,
        compiler_params=pltpu.CompilerParams(needs_layout_passes=False),
        scratch_types=[
            pltpu.VMEM((KP,), jnp.float32),
            pltpu.VMEM((CAP,), jnp.float32),
            pltpu.VMEM((CAP,), jnp.int32),
            pltpu.VMEM((TOPK,), jnp.float32),
            pltpu.VMEM((TOPK,), jnp.int32),
            pltpu.VMEM((16,), jnp.float32),
            pltpu.VMEM((16,), jnp.int32),
        ],
    )
    def sel(w_hbm, vals_hbm, idx_hbm, row_v, cv, ci, ov, oi, sv, si):
        wid = lax.axis_index("s") * NC + lax.axis_index("c")

        del sv, si

        def s_i32(vec):
            return vec[0]

        def s_f32(vec):
            return vec[0]

        def popcnt_s(m):
            return s_i32(plsc.all_reduce_population_count(m))

        def rebuild():
            def bs_step(_, lohi):
                lo, hi = lohi
                mid = lo + (hi - lo) // 2
                cvec = jnp.zeros((16,), jnp.int32)
                for b in range(CAP // 16):
                    vb = plsc.bitcast(cv[pl.ds(b * 16, 16)], jnp.int32)
                    cvec = cvec + plsc.all_reduce_population_count(
                        vb >= _full16(mid))
                c = s_i32(cvec)
                return lax.cond(c >= TOPK,
                                lambda: (mid, hi), lambda: (lo, mid))

            lo, _ = lax.fori_loop(0, 31, bs_step,
                                  (jnp.int32(0), jnp.int32(0x40000000)))
            t = lo

            nvec = jnp.zeros((16,), jnp.int32)
            for b in range(CAP // 16):
                vb = plsc.bitcast(cv[pl.ds(b * 16, 16)], jnp.int32)
                nvec = nvec + plsc.all_reduce_population_count(
                    vb > _full16(t))
            need = TOPK - s_i32(nvec)

            c = jnp.int32(0)
            e = jnp.int32(0)
            for b in range(CAP // 16):
                v = cv[pl.ds(b * 16, 16)]
                ii = ci[pl.ds(b * 16, 16)]
                vb = plsc.bitcast(v, jnp.int32)
                gt = vb > _full16(t)
                eq = vb == _full16(t)
                ecum = plsc.cumsum(eq.astype(jnp.int32)) + _full16(e)
                keep = gt | (eq & (ecum <= _full16(need)))
                plsc.store_compressed(cv.at[pl.ds(c, 16)], v, mask=keep)
                plsc.store_compressed(ci.at[pl.ds(c, 16)], ii, mask=keep)
                c = c + popcnt_s(keep)
                e = e + popcnt_s(eq)

            zf = jnp.zeros((16,), jnp.float32)
            for b in range(TOPK // 16, CAP // 16):
                cv[pl.ds(b * 16, 16)] = zf
            return lax.bitcast_convert_type(t, jnp.float32)

        def do_row(j, carry):
            r = wid * ROWS_PER_W + j
            pltpu.sync_copy(w_hbm.at[r], row_v)

            zf = jnp.zeros((16,), jnp.float32)
            for b in range(CAP // 16):
                cv[pl.ds(b * 16, 16)] = zf

            def scan_block(ib, state):
                cnt, tau = state
                tauv = _full16(tau)
                anym = row_v[pl.ds(ib * D, 16)] > tauv
                for u in range(1, UNROLL):
                    anym = anym | (row_v[pl.ds(ib * D + u * 16, 16)] > tauv)
                hit = s_i32(plsc.all_reduce_population_count(anym))

                def append_block(st):
                    cnt, tau = st
                    tauv2 = _full16(tau)
                    base = _full16(cnt)
                    acc = jnp.zeros((16,), jnp.int32)
                    for u in range(UNROLL):
                        v = row_v[pl.ds(ib * D + u * 16, 16)]
                        m = v > tauv2
                        pos = (base + acc + plsc.cumsum(m.astype(jnp.int32))
                               - _full16(1, jnp.int32))
                        idxv = lax.iota(jnp.int32, 16) + (ib * D + u * 16)
                        plsc.store_scatter(cv, [pos], v, mask=m)
                        plsc.store_scatter(ci, [pos], idxv, mask=m)
                        acc = acc + plsc.all_reduce_population_count(m)
                    cnt2 = cnt + s_i32(acc)
                    return lax.cond(
                        cnt2 > HIGH,
                        lambda: (jnp.int32(TOPK), rebuild()),
                        lambda: (cnt2, tau))

                return lax.cond(hit > 0, append_block, lambda st: st,
                                (cnt, tau))

            lax.fori_loop(0, NBLK, scan_block,
                          (jnp.int32(0), jnp.float32(-1.0)))

            rebuild()

            def extract(kk, _):
                m4 = cv[pl.ds(0, 16)]
                for b in range(1, TOPK // 16):
                    m4 = jnp.maximum(m4, cv[pl.ds(b * 16, 16)])
                sk, _unused = plsc.sort_key_val(m4, m4, descending=True)
                mx = _full16(s_f32(sk))

                m4i = _full16(BIG, jnp.int32)
                for b in range(TOPK // 16):
                    v = cv[pl.ds(b * 16, 16)]
                    ii = ci[pl.ds(b * 16, 16)]
                    m4i = jnp.minimum(
                        m4i, jnp.where(v == mx, ii, _full16(BIG, jnp.int32)))
                ski, _unused2 = plsc.sort_key_val(m4i, m4i, descending=False)
                imin = _full16(s_i32(ski))

                lane0 = lax.iota(jnp.int32, 16) == 0
                kkv = _full16(kk)
                plsc.store_scatter(ov, [kkv], mx, mask=lane0)
                plsc.store_scatter(oi, [kkv], imin, mask=lane0)

                for b in range(TOPK // 16):
                    v = cv[pl.ds(b * 16, 16)]
                    ii = ci[pl.ds(b * 16, 16)]
                    cv[pl.ds(b * 16, 16)] = jnp.where(
                        ii == imin, _full16(-1.0, jnp.float32), v)
                return 0

            lax.fori_loop(0, TOPK, extract, 0)

            pltpu.sync_copy(ov, vals_hbm.at[r])
            pltpu.sync_copy(oi, idx_hbm.at[r])
            return carry

        lax.fori_loop(0, ROWS_PER_W, do_row, 0)

    return sel(w)


def kernel(queries, keys, k):
    del k
    qn = _normalize(queries, 512)
    keys_p = jnp.pad(keys, ((0, KP - K), (0, 0)))
    kn = _normalize(keys_p, 1024)
    w = _weights(qn, kn)
    vals, idx = _sc_select(w)
    return vals, idx

# --- scband reference (transcript-rebuilt; emitter-appended) ---
"""Pipeline reference for scband-fsgnn-learner-14534169330296 (READ-ONLY COPY).

The authoritative reference and input builder live on the scoring server;
editing this copy changes nothing except your own understanding.
"""

import jax, jax.numpy as jnp
import numpy as np


def setup_inputs(seed: int = 0) -> dict:
    key = jax.random.key(seed)
    k1, k2 = jax.random.split(key)
    queries = jax.random.normal(k1, (4096, 128), dtype=jnp.float32)
    keys = jax.random.normal(k2, (100000, 128), dtype=jnp.float32)
    return {"queries": queries, "keys": keys, "k": 64}


def reference(queries, keys, k):
    # Faithful to FSGNN _cosine_knn_graph core (Eq.9-11):
    # cosine-normalize, similarity matmul, map sim -> [1e-6, 1] weight, top-k neighbors.
    qn = queries / jnp.maximum(jnp.linalg.norm(queries, axis=1, keepdims=True), 1e-12)
    kn = keys / jnp.maximum(jnp.linalg.norm(keys, axis=1, keepdims=True), 1e-12)
    sim = qn @ kn.T  # [Q, K]
    # weighted edge strength: clip((s+1)/2, 1e-6, 1.0) as in _cosine_knn_graph(weighted=True)
    w = jnp.clip((sim + 1.0) * 0.5, 1e-6, 1.0)
    vals, idx = jax.lax.top_k(w, 64)
    idx = idx + jnp.asarray(k - k, dtype=idx.dtype)
    return vals, idx

if __name__ == "__main__":
    import jax
    _d = setup_inputs()
    print(jax.jit(kernel)(*tuple(_d.values())))

</pallas_src>

<mosaic_0001>
#map = affine_map<(d0, d1) -> (0, 0)>
module attributes {stable_mosaic.version = 14 : i64} {
  func.func @sel(%arg0: i32, %arg1: i32, %arg2: memref<4096x102400xf32, #tpu.memory_space<hbm>>, %arg3: memref<4096x64xf32, #tpu.memory_space<hbm>>, %arg4: memref<4096x64xi32, #tpu.memory_space<hbm>>, %arg5: memref<102400xf32, #tpu.memory_space<vmem>>, %arg6: memref<256xf32, #tpu.memory_space<vmem>>, %arg7: memref<256xi32, #tpu.memory_space<vmem>>, %arg8: memref<64xf32, #tpu.memory_space<vmem>>, %arg9: memref<64xi32, #tpu.memory_space<vmem>>, %arg10: memref<16xf32, #tpu.memory_space<vmem>>, %arg11: memref<16xi32, #tpu.memory_space<vmem>>) attributes {dimension_semantics = [#tpu.dimension_semantics<core_parallel>, #tpu.dimension_semantics<subcore_parallel>], iteration_bounds = array<i64: 2, 16>, scalar_prefetch = 0 : i64, scratch_operands = 7 : i64, tpu.core_type = #tpu.core_type<sc_vector_subcore>, window_params = [{transform_indices = #map}, {transform_indices = #map}, {transform_indices = #map}]} {
    %mul3A = arith.constant 2 : i32
    %mul3A_0 = arith.muli %arg1, %mul3A : i32
    %add3A = arith.addi %mul3A_0, %arg0 : i32
    %scan3A = arith.constant 0 : i32
    %scan3A_1 = arith.constant 0 : i32
    %scan3A_2 = arith.constant 128 : i32
    %scan3A_3 = arith.addi %scan3A_1, %scan3A_2 : i32
    %scan3A_4 = arith.constant 1 : i32
    scf.for %scan3A_6 = %scan3A_1 to %scan3A_3 step %scan3A_4  : i32 {
      %mul3A_7 = arith.constant 128 : i32
      %mul3A_8 = arith.muli %add3A, %mul3A_7 : i32
      %add3A_9 = arith.addi %mul3A_8, %scan3A_6 : i32
      "tpu.region"() ({
        %run_scoped3A = tpu.sem_alloc : memref<!tpu.dma_semaphore, #tpu.memory_space<semaphore_mem>>
        %dma_start3A = arith.constant 0 : i32
        %dma_start3A_697 = tpu.memref_slice %arg2[%add3A_9, %dma_start3A] : memref<4096x102400xf32, #tpu.memory_space<hbm>> -> memref<1x102400xf32, #tpu.memory_space<hbm>>
        %dma_start3A_698 = tpu.memref_squeeze %dma_start3A_697 : memref<1x102400xf32, #tpu.memory_space<hbm>> -> memref<102400xf32, #tpu.memory_space<hbm>>
        %dma_start3A_699 = arith.constant 0 : i32
        %dma_start3A_700 = tpu.memref_slice %arg2[%add3A_9, %dma_start3A_699] : memref<4096x102400xf32, #tpu.memory_space<hbm>> -> memref<1x102400xf32, #tpu.memory_space<hbm>>
        %dma_start3A_701 = tpu.memref_squeeze %dma_start3A_700 : memref<1x102400xf32, #tpu.memory_space<hbm>> -> memref<102400xf32, #tpu.memory_space<hbm>>
        tpu.enqueue_dma source(%dma_start3A_701 : memref<102400xf32, #tpu.memory_space<hbm>>) target(%arg5 : memref<102400xf32, #tpu.memory_space<vmem>>) target_semaphore(%run_scoped3A : memref<!tpu.dma_semaphore, #tpu.memory_space<semaphore_mem>>)
        %dma_wait3A = arith.constant 0 : i32
        %dma_wait3A_702 = tpu.memref_slice %arg2[%add3A_9, %dma_wait3A] : memref<4096x102400xf32, #tpu.memory_space<hbm>> -> memref<1x102400xf32, #tpu.memory_space<hbm>>
        %dma_wait3A_703 = tpu.memref_squeeze %dma_wait3A_702 : memref<1x102400xf32, #tpu.memory_space<hbm>> -> memref<102400xf32, #tpu.memory_space<hbm>>
        %dma_wait3A_704 = arith.constant 0 : i32
        %dma_wait3A_705 = tpu.memref_slice %arg2[%add3A_9, %dma_wait3A_704] : memref<4096x102400xf32, #tpu.memory_space<hbm>> -> memref<1x102400xf32, #tpu.memory_space<hbm>>
        %dma_wait3A_706 = tpu.memref_squeeze %dma_wait3A_705 : memref<1x102400xf32, #tpu.memory_space<hbm>> -> memref<102400xf32, #tpu.memory_space<hbm>>
        tpu.wait_dma2 semaphore(%run_scoped3A : memref<!tpu.dma_semaphore, #tpu.memory_space<semaphore_mem>>) src(%dma_wait3A_706 : memref<102400xf32, #tpu.memory_space<hbm>>) dst(%arg5 : memref<102400xf32, #tpu.memory_space<vmem>>)
        tpu.yield
      }) : () -> ()
      %broadcast_in_dim3A = arith.constant 0.000000e+00 : f32
      %broadcast_in_dim3A_10 = vector.broadcast %broadcast_in_dim3A : f32 to vector<16xf32>
      %swap3A = arith.constant 0 : index
      %swap3A_11 = tpu.vector_load %arg6[%swap3A] {strides = array<i32>} : memref<256xf32, #tpu.memory_space<vmem>>, vector<16xf32>,
      tpu.vector_store %arg6[%swap3A], %broadcast_in_dim3A_10 {strides = array<i32>} : memref<256xf32, #tpu.memory_space<vmem>>, vector<16xf32>,
      %swap3A_12 = arith.constant 16 : index
      %swap3A_13 = tpu.vector_load %arg6[%swap3A_12] {strides = array<i32>} : memref<256xf32, #tpu.memory_space<vmem>>, vector<16xf32>,
      tpu.vector_store %arg6[%swap3A_12], %broadcast_in_dim3A_10 {strides = array<i32>} : memref<256xf32, #tpu.memory_space<vmem>>, vector<16xf32>,
      %swap3A_14 = arith.constant 32 : index
      %swap3A_15 = tpu.vector_load %arg6[%swap3A_14] {strides = array<i32>} : memref<256xf32, #tpu.memory_space<vmem>>, vector<16xf32>,
      tpu.vector_store %arg6[%swap3A_14], %broadcast_in_dim3A_10 {strides = array<i32>} : memref<256xf32, #tpu.memory_space<vmem>>, vector<16xf32>,
      %swap3A_16 = arith.constant 48 : index
      %swap3A_17 = tpu.vector_load %arg6[%swap3A_16] {strides = array<i32>} : memref<256xf32, #tpu.memory_space<vmem>>, vector<16xf32>,
      tpu.vector_store %arg6[%swap3A_16], %broadcast_in_dim3A_10 {strides = array<i32>} : memref<256xf32, #tpu.memory_space<vmem>>, vector<16xf32>,
      %swap3A_18 = arith.constant 64 : index
      %swap3A_19 = tpu.vector_load %arg6[%swap3A_18] {strides = array<i32>} : memref<256xf32, #tpu.memory_space<vmem>>, vector<16xf32>,
      tpu.vector_store %arg6[%swap3A_18], %broadcast_in_dim3A_10 {strides = array<i32>} : memref<256xf32, #tpu.memory_space<vmem>>, vector<16xf32>,
      %swap3A_20 = arith.constant 80 : index
      %swap3A_21 = tpu.vector_load %arg6[%swap3A_20] {strides = array<i32>} : memref<256xf32, #tpu.memory_space<vmem>>, vector<16xf32>,
      tpu.vector_store %arg6[%swap3A_20], %broadcast_in_dim3A_10 {strides = array<i32>} : memref<256xf32, #tpu.memory_space<vmem>>, vector<16xf32>,
      %swap3A_22 = arith.constant 96 : index
      %swap3A_23 = tpu.vector_load %arg6[%swap3A_22] {strides = array<i32>} : memref<256xf32, #tpu.memory_space<vmem>>, vector<16xf32>,
      tpu.vector_store %arg6[%swap3A_22], %broadcast_in_dim3A_10 {strides = array<i32>} : memref<256xf32, #tpu.memory_space<vmem>>, vector<16xf32>,
      %swap3A_24 = arith.constant 112 : index
      %swap3A_25 = tpu.vector_load %arg6[%swap3A_24] {strides = array<i32>} : memref<256xf32, #tpu.memory_space<vmem>>, vector<16xf32>,
      tpu.vector_store %arg6[%swap3A_24], %broadcast_in_dim3A_10 {strides = array<i32>} : memref<256xf32, #tpu.memory_space<vmem>>, vector<16xf32>,
      %swap3A_26 = arith.constant 128 : index
      %swap3A_27 = tpu.vector_load %arg6[%swap3A_26] {strides = array<i32>} : memref<256xf32, #tpu.memory_space<vmem>>, vector<16xf32>,
      tpu.vector_store %arg6[%swap3A_26], %broadcast_in_dim3A_10 {strides = array<i32>} : memref<256xf32, #tpu.memory_space<vmem>>, vector<16xf32>,
      %swap3A_28 = arith.constant 144 : index
      %swap3A_29 = tpu.vector_load %arg6[%swap3A_28] {strides = array<i32>} : memref<256xf32, #tpu.memory_space<vmem>>, vector<16xf32>,
      tpu.vector_store %arg6[%swap3A_28], %broadcast_in_dim3A_10 {strides = array<i32>} : memref<256xf32, #tpu.memory_space<vmem>>, vector<16xf32>,
      %swap3A_30 = arith.constant 160 : index
      %swap3A_31 = tpu.vector_load %arg6[%swap3A_30] {strides = array<i32>} : memref<256xf32, #tpu.memory_space<vmem>>, vector<16xf32>,
      tpu.vector_store %arg6[%swap3A_30], %broadcast_in_dim3A_10 {strides = array<i32>} : memref<256xf32, #tpu.memory_space<vmem>>, vector<16xf32>,
      %swap3A_32 = arith.constant 176 : index
      %swap3A_33 = tpu.vector_load %arg6[%swap3A_32] {strides = array<i32>} : memref<256xf32, #tpu.memory_space<vmem>>, vector<16xf32>,
      tpu.vector_store %arg6[%swap3A_32], %broadcast_in_dim3A_10 {strides = array<i32>} : memref<256xf32, #tpu.memory_space<vmem>>, vector<16xf32>,
      %swap3A_34 = arith.constant 192 : index
      %swap3A_35 = tpu.vector_load %arg6[%swap3A_34] {strides = array<i32>} : memref<256xf32, #tpu.memory_space<vmem>>, vector<16xf32>,
      tpu.vector_store %arg6[%swap3A_34], %broadcast_in_dim3A_10 {strides = array<i32>} : memref<256xf32, #tpu.memory_space<vmem>>, vector<16xf32>,
      %swap3A_36 = arith.constant 208 : index
      %swap3A_37 = tpu.vector_load %arg6[%swap3A_36] {strides = array<i32>} : memref<256xf32, #tpu.memory_space<vmem>>, vector<16xf32>,
      tpu.vector_store %arg6[%swap3A_36], %broadcast_in_dim3A_10 {strides = array<i32>} : memref<256xf32, #tpu.memory_space<vmem>>, vector<16xf32>,
      %swap3A_38 = arith.constant 224 : index
      %swap3A_39 = tpu.vector_load %arg6[%swap3A_38] {strides = array<i32>} : memref<256xf32, #tpu.memory_space<vmem>>, vector<16xf32>,
      tpu.vector_store %arg6[%swap3A_38], %broadcast_in_dim3A_10 {strides = array<i32>} : memref<256xf32, #tpu.memory_space<vmem>>, vector<16xf32>,
      %swap3A_40 = arith.constant 240 : index
      %swap3A_41 = tpu.vector_load %arg6[%swap3A_40] {strides = array<i32>} : memref<256xf32, #tpu.memory_space<vmem>>, vector<16xf32>,
      tpu.vector_store %arg6[%swap3A_40], %broadcast_in_dim3A_10 {strides = array<i32>} : memref<256xf32, #tpu.memory_space<vmem>>, vector<16xf32>,
      %scan3A_42 = arith.constant 0 : i32
      %scan3A_43 = arith.constant -1.000000e+00 : f32
      %scan3A_44 = arith.constant 0 : i32
      %scan3A_45 = arith.constant 800 : i32
      %scan3A_46 = arith.addi %scan3A_44, %scan3A_45 : i32
      %scan3A_47 = arith.constant 1 : i32
      %scan3A_48:2 = scf.for %scan3A_697 = %scan3A_44 to %scan3A_46 step %scan3A_47 iter_args(%scan3A_698 = %scan3A_42, %scan3A_699 = %scan3A_43) -> (i32, f32)  : i32 {
        %broadcast_in_dim3A_700 = vector.broadcast %scan3A_699 : f32 to vector<16xf32>
        %mul3A_701 = arith.constant 128 : i32
        %mul3A_702 = arith.muli %scan3A_697, %mul3A_701 : i32
        %get3A_703 = arith.index_cast %mul3A_702 : i32 to index
        %get3A_704 = tpu.vector_load %arg5[%get3A_703] {strides = array<i32>} : memref<102400xf32, #tpu.memory_space<vmem>>, vector<16xf32>,
        %gt3A_705 = arith.cmpf ogt, %get3A_704, %broadcast_in_dim3A_700 : vector<16xf32>
        %mul3A_706 = arith.constant 128 : i32
        %mul3A_707 = arith.muli %scan3A_697, %mul3A_706 : i32
        %add3A_708 = arith.constant 16 : i32
        %add3A_709 = arith.addi %mul3A_707, %add3A_708 : i32
        %get3A_710 = arith.index_cast %add3A_709 : i32 to index
        %get3A_711 = tpu.vector_load %arg5[%get3A_710] {strides = array<i32>} : memref<102400xf32, #tpu.memory_space<vmem>>, vector<16xf32>,
        %gt3A_712 = arith.cmpf ogt, %get3A_711, %broadcast_in_dim3A_700 : vector<16xf32>
        %or3A_713 = arith.ori %gt3A_705, %gt3A_712 : vector<16xi1>
        %mul3A_714 = arith.constant 128 : i32
        %mul3A_715 = arith.muli %scan3A_697, %mul3A_714 : i32
        %add3A_716 = arith.constant 32 : i32
        %add3A_717 = arith.addi %mul3A_715, %add3A_716 : i32
        %get3A_718 = arith.index_cast %add3A_717 : i32 to index
        %get3A_719 = tpu.vector_load %arg5[%get3A_718] {strides = array<i32>} : memref<102400xf32, #tpu.memory_space<vmem>>, vector<16xf32>,
        %gt3A_720 = arith.cmpf ogt, %get3A_719, %broadcast_in_dim3A_700 : vector<16xf32>
        %or3A_721 = arith.ori %or3A_713, %gt3A_720 : vector<16xi1>
        %mul3A_722 = arith.constant 128 : i32
        %mul3A_723 = arith.muli %scan3A_697, %mul3A_722 : i32
        %add3A_724 = arith.constant 48 : i32
        %add3A_725 = arith.addi %mul3A_723, %add3A_724 : i32
        %get3A_726 = arith.index_cast %add3A_725 : i32 to index
        %get3A_727 = tpu.vector_load %arg5[%get3A_726] {strides = array<i32>} : memref<102400xf32, #tpu.memory_space<vmem>>, vector<16xf32>,
        %gt3A_728 = arith.cmpf ogt, %get3A_727, %broadcast_in_dim3A_700 : vector<16xf32>
        %or3A_729 = arith.ori %or3A_721, %gt3A_728 : vector<16xi1>
        %mul3A_730 = arith.constant 128 : i32
        %mul3A_731 = arith.muli %scan3A_697, %mul3A_730 : i32
        %add3A_732 = arith.constant 64 : i32
        %add3A_733 = arith.addi %mul3A_731, %add3A_732 : i32
        %get3A_734 = arith.index_cast %add3A_733 : i32 to index
        %get3A_735 = tpu.vector_load %arg5[%get3A_734] {strides = array<i32>} : memref<102400xf32, #tpu.memory_space<vmem>>, vector<16xf32>,
        %gt3A_736 = arith.cmpf ogt, %get3A_735, %broadcast_in_dim3A_700 : vector<16xf32>
        %or3A_737 = arith.ori %or3A_729, %gt3A_736 : vector<16xi1>
        %mul3A_738 = arith.constant 128 : i32
        %mul3A_739 = arith.muli %scan3A_697, %mul3A_738 : i32
        %add3A_740 = arith.constant 80 : i32
        %add3A_741 = arith.addi %mul3A_739, %add3A_740 : i32
        %get3A_742 = arith.index_cast %add3A_741 : i32 to index
        %get3A_743 = tpu.vector_load %arg5[%get3A_742] {strides = array<i32>} : memref<102400xf32, #tpu.memory_space<vmem>>, vector<16xf32>,
        %gt3A_744 = arith.cmpf ogt, %get3A_743, %broadcast_in_dim3A_700 : vector<16xf32>
        %or3A_745 = arith.ori %or3A_737, %gt3A_744 : vector<16xi1>
        %mul3A_746 = arith.constant 128 : i32
        %mul3A_747 = arith.muli %scan3A_697, %mul3A_746 : i32
        %add3A_748 = arith.constant 96 : i32
        %add3A_749 = arith.addi %mul3A_747, %add3A_748 : i32
        %get3A_750 = arith.index_cast %add3A_749 : i32 to index
        %get3A_751 = tpu.vector_load %arg5[%get3A_750] {strides = array<i32>} : memref<102400xf32, #tpu.memory_space<vmem>>, vector<16xf32>,
        %gt3A_752 = arith.cmpf ogt, %get3A_751, %broadcast_in_dim3A_700 : vector<16xf32>
        %or3A_753 = arith.ori %or3A_745, %gt3A_752 : vector<16xi1>
        %mul3A_754 = arith.constant 128 : i32
        %mul3A_755 = arith.muli %scan3A_697, %mul3A_754 : i32
        %add3A_756 = arith.constant 112 : i32
        %add3A_757 = arith.addi %mul3A_755, %add3A_756 : i32
        %get3A_758 = arith.index_cast %add3A_757 : i32 to index
        %get3A_759 = tpu.vector_load %arg5[%get3A_758] {strides = array<i32>} : memref<102400xf32, #tpu.memory_space<vmem>>, vector<16xf32>,
        %gt3A_760 = arith.cmpf ogt, %get3A_759, %broadcast_in_dim3A_700 : vector<16xf32>
        %or3A_761 = arith.ori %or3A_753, %gt3A_760 : vector<16xi1>
        %all_reduce_population_count3A_762 = tpu.all_reduce %or3A_761 {dim = 0 : i64, kind = #tpu.reduction_kind<sum>} : vector<16xi1> -> vector<16xi32>
        %slice3A_763 = vector.extract_strided_slice %all_reduce_population_count3A_762 {offsets = [0], sizes = [1], strides = [1]} : vector<16xi32> to vector<1xi32>
        %squeeze3A_764 = vector.extract %slice3A_763[0] : i32 from vector<1xi32>
        %gt3A_765 = arith.constant 0 : i32
        %gt3A_766 = arith.cmpi sgt, %squeeze3A_764, %gt3A_765 : i32
        %convert_element_type3A_767 = arith.extui %gt3A_766 : i1 to i32
        %cond3A = arith.constant 0 : i32
        %cond3A_768 = arith.cmpi ne, %convert_element_type3A_767, %cond3A : i32
        %cond3A_769:2 = scf.if %cond3A_768 -> (i32, f32) {
          %broadcast_in_dim3A_770 = vector.broadcast %scan3A_699 : f32 to vector<16xf32>
          %broadcast_in_dim3A_771 = vector.broadcast %scan3A_698 : i32 to vector<16xi32>
          %broadcast_in_dim3A_772 = arith.constant 0 : i32
          %broadcast_in_dim3A_773 = vector.broadcast %broadcast_in_dim3A_772 : i32 to vector<16xi32>
          %mul3A_774 = arith.constant 128 : i32
          %mul3A_775 = arith.muli %scan3A_697, %mul3A_774 : i32
          %add3A_776 = arith.constant 0 : i32
          %add3A_777 = arith.addi %mul3A_775, %add3A_776 : i32
          %get3A_778 = arith.index_cast %add3A_777 : i32 to index
          %get3A_779 = tpu.vector_load %arg5[%get3A_778] {strides = array<i32>} : memref<102400xf32, #tpu.memory_space<vmem>>, vector<16xf32>,
          %gt3A_780 = arith.cmpf ogt, %get3A_779, %broadcast_in_dim3A_770 : vector<16xf32>
          %add3A_781 = arith.addi %broadcast_in_dim3A_771, %broadcast_in_dim3A_773 : vector<16xi32>
          %convert_element_type3A_782 = arith.extui %gt3A_780 : vector<16xi1> to vector<16xi32>
          %broadcast_in_dim3A_783 = arith.constant true
          %broadcast_in_dim3A_784 = vector.broadcast %broadcast_in_dim3A_783 : i1 to vector<16xi1>
          %masked_cumsum3A_785 = tpu.scan <sum>, %convert_element_type3A_782 masked %broadcast_in_dim3A_784 : vector<16xi32>, vector<16xi1> -> vector<16xi32>
          %add3A_786 = arith.addi %add3A_781, %masked_cumsum3A_785 : vector<16xi32>
          %broadcast_in_dim3A_787 = arith.constant 1 : i32
          %broadcast_in_dim3A_788 = vector.broadcast %broadcast_in_dim3A_787 : i32 to vector<16xi32>
          %sub3A_789 = arith.subi %add3A_786, %broadcast_in_dim3A_788 : vector<16xi32>
          %iota3A = tpu.iota {dimensions = array<i32: 0>} : vector<16xi32>
          %mul3A_790 = arith.constant 128 : i32
          %mul3A_791 = arith.muli %scan3A_697, %mul3A_790 : i32
          %add3A_792 = arith.constant 0 : i32
          %add3A_793 = arith.addi %mul3A_791, %add3A_792 : i32
          %add3A_794 = vector.broadcast %add3A_793 : i32 to vector<16xi32>
          %add3A_795 = arith.addi %iota3A, %add3A_794 : vector<16xi32>
          tpu.vector_store_idx %arg6[%sub3A_789], %get3A_779 masked %gt3A_780 : memref<256xf32, #tpu.memory_space<vmem>>[vector<16xi32>], vector<16xf32>, vector<16xi1>
          tpu.vector_store_idx %arg7[%sub3A_789], %add3A_795 masked %gt3A_780 : memref<256xi32, #tpu.memory_space<vmem>>[vector<16xi32>], vector<16xi32>, vector<16xi1>
          %all_reduce_population_count3A_796 = tpu.all_reduce %gt3A_780 {dim = 0 : i64, kind = #tpu.reduction_kind<sum>} : vector<16xi1> -> vector<16xi32>
          %add3A_797 = arith.addi %broadcast_in_dim3A_773, %all_reduce_population_count3A_796 : vector<16xi32>
          %mul3A_798 = arith.constant 128 : i32
          %mul3A_799 = arith.muli %scan3A_697, %mul3A_798 : i32
          %add3A_800 = arith.constant 16 : i32
          %add3A_801 = arith.addi %mul3A_799, %add3A_800 : i32
          %get3A_802 = arith.index_cast %add3A_801 : i32 to index
          %get3A_803 = tpu.vector_load %arg5[%get3A_802] {strides = array<i32>} : memref<102400xf32, #tpu.memory_space<vmem>>, vector<16xf32>,
          %gt3A_804 = arith.cmpf ogt, %get3A_803, %broadcast_in_dim3A_770 : vector<16xf32>
          %add3A_805 = arith.addi %broadcast_in_dim3A_771, %add3A_797 : vector<16xi32>
          %convert_element_type3A_806 = arith.extui %gt3A_804 : vector<16xi1> to vector<16xi32>
          %broadcast_in_dim3A_807 = arith.constant true
          %broadcast_in_dim3A_808 = vector.broadcast %broadcast_in_dim3A_807 : i1 to vector<16xi1>
          %masked_cumsum3A_809 = tpu.scan <sum>, %convert_element_type3A_806 masked %broadcast_in_dim3A_808 : vector<16xi32>, vector<16xi1> -> vector<16xi32>
          %add3A_810 = arith.addi %add3A_805, %masked_cumsum3A_809 : vector<16xi32>
          %broadcast_in_dim3A_811 = arith.constant 1 : i32
          %broadcast_in_dim3A_812 = vector.broadcast %broadcast_in_dim3A_811 : i32 to vector<16xi32>
          %sub3A_813 = arith.subi %add3A_810, %broadcast_in_dim3A_812 : vector<16xi32>
          %iota3A_814 = tpu.iota {dimensions = array<i32: 0>} : vector<16xi32>
          %mul3A_815 = arith.constant 128 : i32
          %mul3A_816 = arith.muli %scan3A_697, %mul3A_815 : i32
          %add3A_817 = arith.constant 16 : i32
          %add3A_818 = arith.addi %mul3A_816, %add3A_817 : i32
          %add3A_819 = vector.broadcast %add3A_818 : i32 to vector<16xi32>
          %add3A_820 = arith.addi %iota3A_814, %add3A_819 : vector<16xi32>
          tpu.vector_store_idx %arg6[%sub3A_813], %get3A_803 masked %gt3A_804 : memref<256xf32, #tpu.memory_space<vmem>>[vector<16xi32>], vector<16xf32>, vector<16xi1>
          tpu.vector_store_idx %arg7[%sub3A_813], %add3A_820 masked %gt3A_804 : memref<256xi32, #tpu.memory_space<vmem>>[vector<16xi32>], vector<16xi32>, vector<16xi1>
          %all_reduce_population_count3A_821 = tpu.all_reduce %gt3A_804 {dim = 0 : i64, kind = #tpu.reduction_kind<sum>} : vector<16xi1> -> vector<16xi32>
          %add3A_822 = arith.addi %add3A_797, %all_reduce_population_count3A_821 : vector<16xi32>
          %mul3A_823 = arith.constant 128 : i32
          %mul3A_824 = arith.muli %scan3A_697, %mul3A_823 : i32
          %add3A_825 = arith.constant 32 : i32
          %add3A_826 = arith.addi %mul3A_824, %add3A_825 : i32
          %get3A_827 = arith.index_cast %add3A_826 : i32 to index
          %get3A_828 = tpu.vector_load %arg5[%get3A_827] {strides = array<i32>} : memref<102400xf32, #tpu.memory_space<vmem>>, vector<16xf32>,
          %gt3A_829 = arith.cmpf ogt, %get3A_828, %broadcast_in_dim3A_770 : vector<16xf32>
          %add3A_830 = arith.addi %broadcast_in_dim3A_771, %add3A_822 : vector<16xi32>
          %convert_element_type3A_831 = arith.extui %gt3A_829 : vector<16xi1> to vector<16xi32>
          %broadcast_in_dim3A_832 = arith.constant true
          %broadcast_in_dim3A_833 = vector.broadcast %broadcast_in_dim3A_832 : i1 to vector<16xi1>
          %masked_cumsum3A_834 = tpu.scan <sum>, %convert_element_type3A_831 masked %broadcast_in_dim3A_833 : vector<16xi32>, vector<16xi1> -> vector<16xi32>
          %add3A_835 = arith.addi %add3A_830, %masked_cumsum3A_834 : vector<16xi32>
          %broadcast_in_dim3A_836 = arith.constant 1 : i32
          %broadcast_in_dim3A_837 = vector.broadcast %broadcast_in_dim3A_836 : i32 to vector<16xi32>
          %sub3A_838 = arith.subi %add3A_835, %broadcast_in_dim3A_837 : vector<16xi32>
          %iota3A_839 = tpu.iota {dimensions = array<i32: 0>} : vector<16xi32>
          %mul3A_840 = arith.constant 128 : i32
          %mul3A_841 = arith.muli %scan3A_697, %mul3A_840 : i32
          %add3A_842 = arith.constant 32 : i32
          %add3A_843 = arith.addi %mul3A_841, %add3A_842 : i32
          %add3A_844 = vector.broadcast %add3A_843 : i32 to vector<16xi32>
          %add3A_845 = arith.addi %iota3A_839, %add3A_844 : vector<16xi32>
          tpu.vector_store_idx %arg6[%sub3A_838], %get3A_828 masked %gt3A_829 : memref<256xf32, #tpu.memory_space<vmem>>[vector<16xi32>], vector<16xf32>, vector<16xi1>
          tpu.vector_store_idx %arg7[%sub3A_838], %add3A_845 masked %gt3A_829 : memref<256xi32, #tpu.memory_space<vmem>>[vector<16xi32>], vector<16xi32>, vector<16xi1>
          %all_reduce_population_count3A_846 = tpu.all_reduce %gt3A_829 {dim = 0 : i64, kind = #tpu.reduction_kind<sum>} : vector<16xi1> -> vector<16xi32>
          %add3A_847 = arith.addi %add3A_822, %all_reduce_population_count3A_846 : vector<16xi32>
          %mul3A_848 = arith.constant 128 : i32
          %mul3A_849 = arith.muli %scan3A_697, %mul3A_848 : i32
          %add3A_850 = arith.constant 48 : i32
          %add3A_851 = arith.addi %mul3A_849, %add3A_850 : i32
          %get3A_852 = arith.index_cast %add3A_851 : i32 to index
          %get3A_853 = tpu.vector_load %arg5[%get3A_852] {strides = array<i32>} : memref<102400xf32, #tpu.memory_space<vmem>>, vector<16xf32>,
          %gt3A_854 = arith.cmpf ogt, %get3A_853, %broadcast_in_dim3A_770 : vector<16xf32>
          %add3A_855 = arith.addi %broadcast_in_dim3A_771, %add3A_847 : vector<16xi32>
          %convert_element_type3A_856 = arith.extui %gt3A_854 : vector<16xi1> to vector<16xi32>
          %broadcast_in_dim3A_857 = arith.constant true
          %broadcast_in_dim3A_858 = vector.broadcast %broadcast_in_dim3A_857 : i1 to vector<16xi1>
          %masked_cumsum3A_859 = tpu.scan <sum>, %convert_element_type3A_856 masked %broadcast_in_dim3A_858 : vector<16xi32>, vector<16xi1> -> vector<16xi32>
          %add3A_860 = arith.addi %add3A_855, %masked_cumsum3A_859 : vector<16xi32>
          %broadcast_in_dim3A_861 = arith.constant 1 : i32
          %broadcast_in_dim3A_862 = vector.broadcast %broadcast_in_dim3A_861 : i32 to vector<16xi32>
          %sub3A_863 = arith.subi %add3A_860, %broadcast_in_dim3A_862 : vector<16xi32>
          %iota3A_864 = tpu.iota {dimensions = array<i32: 0>} : vector<16xi32>
          %mul3A_865 = arith.constant 128 : i32
          %mul3A_866 = arith.muli %scan3A_697, %mul3A_865 : i32
          %add3A_867 = arith.constant 48 : i32
          %add3A_868 = arith.addi %mul3A_866, %add3A_867 : i32
          %add3A_869 = vector.broadcast %add3A_868 : i32 to vector<16xi32>
          %add3A_870 = arith.addi %iota3A_864, %add3A_869 : vector<16xi32>
          tpu.vector_store_idx %arg6[%sub3A_863], %get3A_853 masked %gt3A_854 : memref<256xf32, #tpu.memory_space<vmem>>[vector<16xi32>], vector<16xf32>, vector<16xi1>
          tpu.vector_store_idx %arg7[%sub3A_863], %add3A_870 masked %gt3A_854 : memref<256xi32, #tpu.memory_space<vmem>>[vector<16xi32>], vector<16xi32>, vector<16xi1>
          %all_reduce_population_count3A_871 = tpu.all_reduce %gt3A_854 {dim = 0 : i64, kind = #tpu.reduction_kind<sum>} : vector<16xi1> -> vector<16xi32>
          %add3A_872 = arith.addi %add3A_847, %all_reduce_population_count3A_871 : vector<16xi32>
          %mul3A_873 = arith.constant 128 : i32
          %mul3A_874 = arith.muli %scan3A_697, %mul3A_873 : i32
          %add3A_875 = arith.constant 64 : i32
          %add3A_876 = arith.addi %mul3A_874, %add3A_875 : i32
          %get3A_877 = arith.index_cast %add3A_876 : i32 to index
          %get3A_878 = tpu.vector_load %arg5[%get3A_877] {strides = array<i32>} : memref<102400xf32, #tpu.memory_space<vmem>>, vector<16xf32>,
          %gt3A_879 = arith.cmpf ogt, %get3A_878, %broadcast_in_dim3A_770 : vector<16xf32>
          %add3A_880 = arith.addi %broadcast_in_dim3A_771, %add3A_872 : vector<16xi32>
          %convert_element_type3A_881 = arith.extui %gt3A_879 : vector<16xi1> to vector<16xi32>
          %broadcast_in_dim3A_882 = arith.constant true
          %broadcast_in_dim3A_883 = vector.broadcast %broadcast_in_dim3A_882 : i1 to vector<16xi1>
          %masked_cumsum3A_884 = tpu.scan <sum>, %convert_element_type3A_881 masked %broadcast_in_dim3A_883 : vector<16xi32>, vector<16xi1> -> vector<16xi32>
          %add3A_885 = arith.addi %add3A_880, %masked_cumsum3A_884 : vector<16xi32>
          %broadcast_in_dim3A_886 = arith.constant 1 : i32
          %broadcast_in_dim3A_887 = vector.broadcast %broadcast_in_dim3A_886 : i32 to vector<16xi32>
          %sub3A_888 = arith.subi %add3A_885, %broadcast_in_dim3A_887 : vector<16xi32>
          %iota3A_889 = tpu.iota {dimensions = array<i32: 0>} : vector<16xi32>
          %mul3A_890 = arith.constant 128 : i32
          %mul3A_891 = arith.muli %scan3A_697, %mul3A_890 : i32
          %add3A_892 = arith.constant 64 : i32
          %add3A_893 = arith.addi %mul3A_891, %add3A_892 : i32
          %add3A_894 = vector.broadcast %add3A_893 : i32 to vector<16xi32>
          %add3A_895 = arith.addi %iota3A_889, %add3A_894 : vector<16xi32>
          tpu.vector_store_idx %arg6[%sub3A_888], %get3A_878 masked %gt3A_879 : memref<256xf32, #tpu.memory_space<vmem>>[vector<16xi32>], vector<16xf32>, vector<16xi1>
          tpu.vector_store_idx %arg7[%sub3A_888], %add3A_895 masked %gt3A_879 : memref<256xi32, #tpu.memory_space<vmem>>[vector<16xi32>], vector<16xi32>, vector<16xi1>
          %all_reduce_population_count3A_896 = tpu.all_reduce %gt3A_879 {dim = 0 : i64, kind = #tpu.reduction_kind<sum>} : vector<16xi1> -> vector<16xi32>
          %add3A_897 = arith.addi %add3A_872, %all_reduce_population_count3A_896 : vector<16xi32>
          %mul3A_898 = arith.constant 128 : i32
          %mul3A_899 = arith.muli %scan3A_697, %mul3A_898 : i32
          %add3A_900 = arith.constant 80 : i32
          %add3A_901 = arith.addi %mul3A_899, %add3A_900 : i32
          %get3A_902 = arith.index_cast %add3A_901 : i32 to index
          %get3A_903 = tpu.vector_load %arg5[%get3A_902] {strides = array<i32>} : memref<102400xf32, #tpu.memory_space<vmem>>, vector<16xf32>,
          %gt3A_904 = arith.cmpf ogt, %get3A_903, %broadcast_in_dim3A_770 : vector<16xf32>
          %add3A_905 = arith.addi %broadcast_in_dim3A_771, %add3A_897 : vector<16xi32>
          %convert_element_type3A_906 = arith.extui %gt3A_904 : vector<16xi1> to vector<16xi32>
          %broadcast_in_dim3A_907 = arith.constant true
          %broadcast_in_dim3A_908 = vector.broadcast %broadcast_in_dim3A_907 : i1 to vector<16xi1>
          %masked_cumsum3A_909 = tpu.scan <sum>, %convert_element_type3A_906 masked %broadcast_in_dim3A_908 : vector<16xi32>, vector<16xi1> -> vector<16xi32>
          %add3A_910 = arith.addi %add3A_905, %masked_cumsum3A_909 : vector<16xi32>
          %broadcast_in_dim3A_911 = arith.constant 1 : i32
          %broadcast_in_dim3A_912 = vector.broadcast %broadcast_in_dim3A_911 : i32 to vector<16xi32>
          %sub3A_913 = arith.subi %add3A_910, %broadcast_in_dim3A_912 : vector<16xi32>
          %iota3A_914 = tpu.iota {dimensions = array<i32: 0>} : vector<16xi32>
          %mul3A_915 = arith.constant 128 : i32
          %mul3A_916 = arith.muli %scan3A_697, %mul3A_915 : i32
          %add3A_917 = arith.constant 80 : i32
          %add3A_918 = arith.addi %mul3A_916, %add3A_917 : i32
          %add3A_919 = vector.broadcast %add3A_918 : i32 to vector<16xi32>
          %add3A_920 = arith.addi %iota3A_914, %add3A_919 : vector<16xi32>
          tpu.vector_store_idx %arg6[%sub3A_913], %get3A_903 masked %gt3A_904 : memref<256xf32, #tpu.memory_space<vmem>>[vector<16xi32>], vector<16xf32>, vector<16xi1>
          tpu.vector_store_idx %arg7[%sub3A_913], %add3A_920 masked %gt3A_904 : memref<256xi32, #tpu.memory_space<vmem>>[vector<16xi32>], vector<16xi32>, vector<16xi1>
          %all_reduce_population_count3A_921 = tpu.all_reduce %gt3A_904 {dim = 0 : i64, kind = #tpu.reduction_kind<sum>} : vector<16xi1> -> vector<16xi32>
          %add3A_922 = arith.addi %add3A_897, %all_reduce_population_count3A_921 : vector<16xi32>
          %mul3A_923 = arith.constant 128 : i32
          %mul3A_924 = arith.muli %scan3A_697, %mul3A_923 : i32
          %add3A_925 = arith.constant 96 : i32
          %add3A_926 = arith.addi %mul3A_924, %add3A_925 : i32
          %get3A_927 = arith.index_cast %add3A_926 : i32 to index
          %get3A_928 = tpu.vector_load %arg5[%get3A_927] {strides = array<i32>} : memref<102400xf32, #tpu.memory_space<vmem>>, vector<16xf32>,
          %gt3A_929 = arith.cmpf ogt, %get3A_928, %broadcast_in_dim3A_770 : vector<16xf32>
          %add3A_930 = arith.addi %broadcast_in_dim3A_771, %add3A_922 : vector<16xi32>
          %convert_element_type3A_931 = arith.extui %gt3A_929 : vector<16xi1> to vector<16xi32>
          %broadcast_in_dim3A_932 = arith.constant true
          %broadcast_in_dim3A_933 = vector.broadcast %broadcast_in_dim3A_932 : i1 to vector<16xi1>
          %masked_cumsum3A_934 = tpu.scan <sum>, %convert_element_type3A_931 masked %broadcast_in_dim3A_933 : vector<16xi32>, vector<16xi1> -> vector<16xi32>
          %add3A_935 = arith.addi %add3A_930, %masked_cumsum3A_934 : vector<16xi32>
          %broadcast_in_dim3A_936 = arith.constant 1 : i32
          %broadcast_in_dim3A_937 = vector.broadcast %broadcast_in_dim3A_936 : i32 to vector<16xi32>
          %sub3A_938 = arith.subi %add3A_935, %broadcast_in_dim3A_937 : vector<16xi32>
          %iota3A_939 = tpu.iota {dimensions = array<i32: 0>} : vector<16xi32>
          %mul3A_940 = arith.constant 128 : i32
          %mul3A_941 = arith.muli %scan3A_697, %mul3A_940 : i32
          %add3A_942 = arith.constant 96 : i32
          %add3A_943 = arith.addi %mul3A_941, %add3A_942 : i32
          %add3A_944 = vector.broadcast %add3A_943 : i32 to vector<16xi32>
          %add3A_945 = arith.addi %iota3A_939, %add3A_944 : vector<16xi32>
          tpu.vector_store_idx %arg6[%sub3A_938], %get3A_928 masked %gt3A_929 : memref<256xf32, #tpu.memory_space<vmem>>[vector<16xi32>], vector<16xf32>, vector<16xi1>
          tpu.vector_store_idx %arg7[%sub3A_938], %add3A_945 masked %gt3A_929 : memref<256xi32, #tpu.memory_space<vmem>>[vector<16xi32>], vector<16xi32>, vector<16xi1>
          %all_reduce_population_count3A_946 = tpu.all_reduce %gt3A_929 {dim = 0 : i64, kind = #tpu.reduction_kind<sum>} : vector<16xi1> -> vector<16xi32>
          %add3A_947 = arith.addi %add3A_922, %all_reduce_population_count3A_946 : vector<16xi32>
          %mul3A_948 = arith.constant 128 : i32
          %mul3A_949 = arith.muli %scan3A_697, %mul3A_948 : i32
          %add3A_950 = arith.constant 112 : i32
          %add3A_951 = arith.addi %mul3A_949, %add3A_950 : i32
          %get3A_952 = arith.index_cast %add3A_951 : i32 to index
          %get3A_953 = tpu.vector_load %arg5[%get3A_952] {strides = array<i32>} : memref<102400xf32, #tpu.memory_space<vmem>>, vector<16xf32>,
          %gt3A_954 = arith.cmpf ogt, %get3A_953, %broadcast_in_dim3A_770 : vector<16xf32>
          %add3A_955 = arith.addi %broadcast_in_dim3A_771, %add3A_947 : vector<16xi32>
          %convert_element_type3A_956 = arith.extui %gt3A_954 : vector<16xi1> to vector<16xi32>
          %broadcast_in_dim3A_957 = arith.constant true
          %broadcast_in_dim3A_958 = vector.broadcast %broadcast_in_dim3A_957 : i1 to vector<16xi1>
          %masked_cumsum3A_959 = tpu.scan <sum>, %convert_element_type3A_956 masked %broadcast_in_dim3A_958 : vector<16xi32>, vector<16xi1> -> vector<16xi32>
          %add3A_960 = arith.addi %add3A_955, %masked_cumsum3A_959 : vector<16xi32>
          %broadcast_in_dim3A_961 = arith.constant 1 : i32
          %broadcast_in_dim3A_962 = vector.broadcast %broadcast_in_dim3A_961 : i32 to vector<16xi32>
          %sub3A_963 = arith.subi %add3A_960, %broadcast_in_dim3A_962 : vector<16xi32>
          %iota3A_964 = tpu.iota {dimensions = array<i32: 0>} : vector<16xi32>
          %mul3A_965 = arith.constant 128 : i32
          %mul3A_966 = arith.muli %scan3A_697, %mul3A_965 : i32
          %add3A_967 = arith.constant 112 : i32
          %add3A_968 = arith.addi %mul3A_966, %add3A_967 : i32
          %add3A_969 = vector.broadcast %add3A_968 : i32 to vector<16xi32>
          %add3A_970 = arith.addi %iota3A_964, %add3A_969 : vector<16xi32>
          tpu.vector_store_idx %arg6[%sub3A_963], %get3A_953 masked %gt3A_954 : memref<256xf32, #tpu.memory_space<vmem>>[vector<16xi32>], vector<16xf32>, vector<16xi1>
          tpu.vector_store_idx %arg7[%sub3A_963], %add3A_970 masked %gt3A_954 : memref<256xi32, #tpu.memory_space<vmem>>[vector<16xi32>], vector<16xi32>, vector<16xi1>
          %all_reduce_population_count3A_971 = tpu.all_reduce %gt3A_954 {dim = 0 : i64, kind = #tpu.reduction_kind<sum>} : vector<16xi1> -> vector<16xi32>
          %add3A_972 = arith.addi %add3A_947, %all_reduce_population_count3A_971 : vector<16xi32>
          %slice3A_973 = vector.extract_strided_slice %add3A_972 {offsets = [0], sizes = [1], strides = [1]} : vector<16xi32> to vector<1xi32>
          %squeeze3A_974 = vector.extract %slice3A_973[0] : i32 from vector<1xi32>
          %add3A_975 = arith.addi %scan3A_698, %squeeze3A_974 : i32
          %gt3A_976 = arith.constant 128 : i32
          %gt3A_977 = arith.cmpi sgt, %add3A_975, %gt3A_976 : i32
          %convert_element_type3A_978 = arith.extui %gt3A_977 : i1 to i32
          %cond3A_979 = arith.constant 0 : i32
          %cond3A_980 = arith.cmpi ne, %convert_element_type3A_978, %cond3A_979 : i32
          %cond3A_981:2 = scf.if %cond3A_980 -> (i32, f32) {
            %scan3A_982 = arith.constant 0 : i32
            %scan3A_983 = arith.constant 1073741824 : i32
            %scan3A_984 = arith.constant 0 : i32
            %scan3A_985 = arith.constant 31 : i32
            %scan3A_986 = arith.addi %scan3A_984, %scan3A_985 : i32
            %scan3A_987 = arith.constant 1 : i32
            %scan3A_988:2 = scf.for %scan3A_1637 = %scan3A_984 to %scan3A_986 step %scan3A_987 iter_args(%scan3A_1638 = %scan3A_982, %scan3A_1639 = %scan3A_983) -> (i32, i32)  : i32 {
              %sub3A_1640 = arith.subi %scan3A_1639, %scan3A_1638 : i32
              %jit3A = arith.constant 2 : i32
              %div3A = arith.divsi %sub3A_1640, %jit3A : i32
              %sign3A = arith.constant 0 : i32
              %sign3A_1641 = arith.cmpi sgt, %sub3A_1640, %sign3A : i32
              %sign3A_1642 = arith.extui %sign3A_1641 : i1 to i32
              %sign3A_1643 = arith.constant 0 : i32
              %sign3A_1644 = arith.cmpi slt, %sub3A_1640, %sign3A_1643 : i32
              %sign3A_1645 = arith.extui %sign3A_1644 : i1 to i32
              %sign3A_1646 = arith.subi %sign3A_1642, %sign3A_1645 : i32
              %sign3A_1647 = arith.constant 0 : i32
              %sign3A_1648 = arith.cmpi sgt, %jit3A, %sign3A_1647 : i32
              %sign3A_1649 = arith.extui %sign3A_1648 : i1 to i32
              %sign3A_1650 = arith.constant 0 : i32
              %sign3A_1651 = arith.cmpi slt, %jit3A, %sign3A_1650 : i32
              %sign3A_1652 = arith.extui %sign3A_1651 : i1 to i32
              %sign3A_1653 = arith.subi %sign3A_1649, %sign3A_1652 : i32
              %ne3A = arith.cmpi ne, %sign3A_1646, %sign3A_1653 : i32
              %rem3A = arith.remsi %sub3A_1640, %jit3A : i32
              %ne3A_1654 = arith.constant 0 : i32
              %ne3A_1655 = arith.cmpi ne, %rem3A, %ne3A_1654 : i32
              %and3A_1656 = arith.andi %ne3A, %ne3A_1655 : i1
              %sub3A_1657 = arith.constant 1 : i32
              %sub3A_1658 = arith.subi %div3A, %sub3A_1657 : i32
              %select_n3A = arith.select %and3A_1656, %sub3A_1658, %div3A : i32
              %add3A_1659 = arith.addi %scan3A_1638, %select_n3A : i32
              %broadcast_in_dim3A_1660 = arith.constant 0 : i32
              %broadcast_in_dim3A_1661 = vector.broadcast %broadcast_in_dim3A_1660 : i32 to vector<16xi32>
              %get3A_1662 = arith.constant 0 : index
              %get3A_1663 = tpu.vector_load %arg6[%get3A_1662] {strides = array<i32>} : memref<256xf32, #tpu.memory_space<vmem>>, vector<16xf32>,
              %bitcast3A_1664 = vector.bitcast %get3A_1663 : vector<16xf32> to vector<16xi32>
              %broadcast_in_dim3A_1665 = vector.broadcast %add3A_1659 : i32 to vector<16xi32>
              %ge3A = arith.cmpi sge, %bitcast3A_1664, %broadcast_in_dim3A_1665 : vector<16xi32>
              %all_reduce_population_count3A_1666 = tpu.all_reduce %ge3A {dim = 0 : i64, kind = #tpu.reduction_kind<sum>} : vector<16xi1> -> vector<16xi32>
              %add3A_1667 = arith.addi %broadcast_in_dim3A_1661, %all_reduce_population_count3A_1666 : vector<16xi32>
              %get3A_1668 = arith.constant 16 : index
              %get3A_1669 = tpu.vector_load %arg6[%get3A_1668] {strides = array<i32>} : memref<256xf32, #tpu.memory_space<vmem>>, vector<16xf32>,
              %bitcast3A_1670 = vector.bitcast %get3A_1669 : vector<16xf32> to vector<16xi32>
              %broadcast_in_dim3A_1671 = vector.broadcast %add3A_1659 : i32 to vector<16xi32>
              %ge3A_1672 = arith.cmpi sge, %bitcast3A_1670, %broadcast_in_dim3A_1671 : vector<16xi32>
              %all_reduce_population_count3A_1673 = tpu.all_reduce %ge3A_1672 {dim = 0 : i64, kind = #tpu.reduction_kind<sum>} : vector<16xi1> -> vector<16xi32>
              %add3A_1674 = arith.addi %add3A_1667, %all_reduce_population_count3A_1673 : vector<16xi32>
              %get3A_1675 = arith.constant 32 : index
              %get3A_1676 = tpu.vector_load %arg6[%get3A_1675] {strides = array<i32>} : memref<256xf32, #tpu.memory_space<vmem>>, vector<16xf32>,
              %bitcast3A_1677 = vector.bitcast %get3A_1676 : vector<16xf32> to vector<16xi32>
              %broadcast_in_dim3A_1678 = vector.broadcast %add3A_1659 : i32 to vector<16xi32>
              %ge3A_1679 = arith.cmpi sge, %bitcast3A_1677, %broadcast_in_dim3A_1678 : vector<16xi32>
              %all_reduce_population_count3A_1680 = tpu.all_reduce %ge3A_1679 {dim = 0 : i64, kind = #tpu.reduction_kind<sum>} : vector<16xi1> -> vector<16xi32>
              %add3A_1681 = arith.addi %add3A_1674, %all_reduce_population_count3A_1680 : vector<16xi32>
              %get3A_1682 = arith.constant 48 : index
              %get3A_1683 = tpu.vector_load %arg6[%get3A_1682] {strides = array<i32>} : memref<256xf32, #tpu.memory_space<vmem>>, vector<16xf32>,
              %bitcast3A_1684 = vector.bitcast %get3A_1683 : vector<16xf32> to vector<16xi32>
              %broadcast_in_dim3A_1685 = vector.broadcast %add3A_1659 : i32 to vector<16xi32>
              %ge3A_1686 = arith.cmpi sge, %bitcast3A_1684, %broadcast_in_dim3A_1685 : vector<16xi32>
              %all_reduce_population_count3A_1687 = tpu.all_reduce %ge3A_1686 {dim = 0 : i64, kind = #tpu.reduction_kind<sum>} : vector<16xi1> -> vector<16xi32>
              %add3A_1688 = arith.addi %add3A_1681, %all_reduce_population_count3A_1687 : vector<16xi32>
              %get3A_1689 = arith.constant 64 : index
              %get3A_1690 = tpu.vector_load %arg6[%get3A_1689] {strides = array<i32>} : memref<256xf32, #tpu.memory_space<vmem>>, vector<16xf32>,
              %bitcast3A_1691 = vector.bitcast %get3A_1690 : vector<16xf32> to vector<16xi32>
              %broadcast_in_dim3A_1692 = vector.broadcast %add3A_1659 : i32 to vector<16xi32>
              %ge3A_1693 = arith.cmpi sge, %bitcast3A_1691, %broadcast_in_dim3A_1692 : vector<16xi32>
              %all_reduce_population_count3A_1694 = tpu.all_reduce %ge3A_1693 {dim = 0 : i64, kind = #tpu.reduction_kind<sum>} : vector<16xi1> -> vector<16xi32>
              %add3A_1695 = arith.addi %add3A_1688, %all_reduce_population_count3A_1694 : vector<16xi32>
              %get3A_1696 = arith.constant 80 : index
              %get3A_1697 = tpu.vector_load %arg6[%get3A_1696] {strides = array<i32>} : memref<256xf32, #tpu.memory_space<vmem>>, vector<16xf32>,
              %bitcast3A_1698 = vector.bitcast %get3A_1697 : vector<16xf32> to vector<16xi32>
              %broadcast_in_dim3A_1699 = vector.broadcast %add3A_1659 : i32 to vector<16xi32>
              %ge3A_1700 = arith.cmpi sge, %bitcast3A_1698, %broadcast_in_dim3A_1699 : vector<16xi32>
              %all_reduce_population_count3A_1701 = tpu.all_reduce %ge3A_1700 {dim = 0 : i64, kind = #tpu.reduction_kind<sum>} : vector<16xi1> -> vector<16xi32>
              %add3A_1702 = arith.addi %add3A_1695, %all_reduce_population_count3A_1701 : vector<16xi32>
              %get3A_1703 = arith.constant 96 : index
              %get3A_1704 = tpu.vector_load %arg6[%get3A_1703] {strides = array<i32>} : memref<256xf32, #tpu.memory_space<vmem>>, vector<16xf32>,
              %bitcast3A_1705 = vector.bitcast %get3A_1704 : vector<16xf32> to vector<16xi32>
              %broadcast_in_dim3A_1706 = vector.broadcast %add3A_1659 : i32 to vector<16xi32>
              %ge3A_1707 = arith.cmpi sge, %bitcast3A_1705, %broadcast_in_dim3A_1706 : vector<16xi32>
              %all_reduce_population_count3A_1708 = tpu.all_reduce %ge3A_1707 {dim = 0 : i64, kind = #tpu.reduction_kind<sum>} : vector<16xi1> -> vector<16xi32>
              %add3A_1709 = arith.addi %add3A_1702, %all_reduce_population_count3A_1708 : vector<16xi32>
              %get3A_1710 = arith.constant 112 : index
              %get3A_1711 = tpu.vector_load %arg6[%get3A_1710] {strides = array<i32>} : memref<256xf32, #tpu.memory_space<vmem>>, vector<16xf32>,
              %bitcast3A_1712 = vector.bitcast %get3A_1711 : vector<16xf32> to vector<16xi32>
              %broadcast_in_dim3A_1713 = vector.broadcast %add3A_1659 : i32 to vector<16xi32>
              %ge3A_1714 = arith.cmpi sge, %bitcast3A_1712, %broadcast_in_dim3A_1713 : vector<16xi32>
              %all_reduce_population_count3A_1715 = tpu.all_reduce %ge3A_1714 {dim = 0 : i64, kind = #tpu.reduction_kind<sum>} : vector<16xi1> -> vector<16xi32>
              %add3A_1716 = arith.addi %add3A_1709, %all_reduce_population_count3A_1715 : vector<16xi32>
              %get3A_1717 = arith.constant 128 : index
              %get3A_1718 = tpu.vector_load %arg6[%get3A_1717] {strides = array<i32>} : memref<256xf32, #tpu.memory_space<vmem>>, vector<16xf32>,
              %bitcast3A_1719 = vector.bitcast %get3A_1718 : vector<16xf32> to vector<16xi32>
              %broadcast_in_dim3A_1720 = vector.broadcast %add3A_1659 : i32 to vector<16xi32>
              %ge3A_1721 = arith.cmpi sge, %bitcast3A_1719, %broadcast_in_dim3A_1720 : vector<16xi32>
              %all_reduce_population_count3A_1722 = tpu.all_reduce %ge3A_1721 {dim = 0 : i64, kind = #tpu.reduction_kind<sum>} : vector<16xi1> -> vector<16xi32>
              %add3A_1723 = arith.addi %add3A_1716, %all_reduce_population_count3A_1722 : vector<16xi32>
              %get3A_1724 = arith.constant 144 : index
              %get3A_1725 = tpu.vector_load %arg6[%get3A_1724] {strides = array<i32>} : memref<256xf32, #tpu.memory_space<vmem>>, vector<16xf32>,
              %bitcast3A_1726 = vector.bitcast %get3A_1725 : vector<16xf32> to vector<16xi32>
              %broadcast_in_dim3A_1727 = vector.broadcast %add3A_1659 : i32 to vector<16xi32>
              %ge3A_1728 = arith.cmpi sge, %bitcast3A_1726, %broadcast_in_dim3A_1727 : vector<16xi32>
              %all_reduce_population_count3A_1729 = tpu.all_reduce %ge3A_1728 {dim = 0 : i64, kind = #tpu.reduction_kind<sum>} : vector<16xi1> -> vector<16xi32>
              %add3A_1730 = arith.addi %add3A_1723, %all_reduce_population_count3A_1729 : vector<16xi32>
              %get3A_1731 = arith.constant 160 : index
              %get3A_1732 = tpu.vector_load %arg6[%get3A_1731] {strides = array<i32>} : memref<256xf32, #tpu.memory_space<vmem>>, vector<16xf32>,
              %bitcast3A_1733 = vector.bitcast %get3A_1732 : vector<16xf32> to vector<16xi32>
              %broadcast_in_dim3A_1734 = vector.broadcast %add3A_1659 : i32 to vector<16xi32>
              %ge3A_1735 = arith.cmpi sge, %bitcast3A_1733, %broadcast_in_dim3A_1734 : vector<16xi32>
              %all_reduce_population_count3A_1736 = tpu.all_reduce %ge3A_1735 {dim = 0 : i64, kind = #tpu.reduction_kind<sum>} : vector<16xi1> -> vector<16xi32>
              %add3A_1737 = arith.addi %add3A_1730, %all_reduce_population_count3A_1736 : vector<16xi32>
              %get3A_1738 = arith.constant 176 : index
              %get3A_1739 = tpu.vector_load %arg6[%get3A_1738] {strides = array<i32>} : memref<256xf32, #tpu.memory_space<vmem>>, vector<16xf32>,
              %bitcast3A_1740 = vector.bitcast %get3A_1739 : vector<16xf32> to vector<16xi32>
              %broadcast_in_dim3A_1741 = vector.broadcast %add3A_1659 : i32 to vector<16xi32>
              %ge3A_1742 = arith.cmpi sge, %bitcast3A_1740, %broadcast_in_dim3A_1741 : vector<16xi32>
              %all_reduce_population_count3A_1743 = tpu.all_reduce %ge3A_1742 {dim = 0 : i64, kind = #tpu.reduction_kind<sum>} : vector<16xi1> -> vector<16xi32>
              %add3A_1744 = arith.addi %add3A_1737, %all_reduce_population_count3A_1743 : vector<16xi32>
              %get3A_1745 = arith.constant 192 : index
              %get3A_1746 = tpu.vector_load %arg6[%get3A_1745] {strides = array<i32>} : memref<256xf32, #tpu.memory_space<vmem>>, vector<16xf32>,
              %bitcast3A_1747 = vector.bitcast %get3A_1746 : vector<16xf32> to vector<16xi32>
              %broadcast_in_dim3A_1748 = vector.broadcast %add3A_1659 : i32 to vector<16xi32>
              %ge3A_1749 = arith.cmpi sge, %bitcast3A_1747, %broadcast_in_dim3A_1748 : vector<16xi32>
              %all_reduce_population_count3A_1750 = tpu.all_reduce %ge3A_1749 {dim = 0 : i64, kind = #tpu.reduction_kind<sum>} : vector<16xi1> -> vector<16xi32>
              %add3A_1751 = arith.addi %add3A_1744, %all_reduce_population_count3A_1750 : vector<16xi32>
              %get3A_1752 = arith.constant 208 : index
              %get3A_1753 = tpu.vector_load %arg6[%get3A_1752] {strides = array<i32>} : memref<256xf32, #tpu.memory_space<vmem>>, vector<16xf32>,
              %bitcast3A_1754 = vector.bitcast %get3A_1753 : vector<16xf32> to vector<16xi32>
              %broadcast_in_dim3A_1755 = vector.broadcast %add3A_1659 : i32 to vector<16xi32>
              %ge3A_1756 = arith.cmpi sge, %bitcast3A_1754, %broadcast_in_dim3A_1755 : vector<16xi32>
              %all_reduce_population_count3A_1757 = tpu.all_reduce %ge3A_1756 {dim = 0 : i64, kind = #tpu.reduction_kind<sum>} : vector<16xi1> -> vector<16xi32>
              %add3A_1758 = arith.addi %add3A_1751, %all_reduce_population_count3A_1757 : vector<16xi32>
              %get3A_1759 = arith.constant 224 : index
              %get3A_1760 = tpu.vector_load %arg6[%get3A_1759] {strides = array<i32>} : memref<256xf32, #tpu.memory_space<vmem>>, vector<16xf32>,
              %bitcast3A_1761 = vector.bitcast %get3A_1760 : vector<16xf32> to vector<16xi32>
              %broadcast_in_dim3A_1762 = vector.broadcast %add3A_1659 : i32 to vector<16xi32>
              %ge3A_1763 = arith.cmpi sge, %bitcast3A_1761, %broadcast_in_dim3A_1762 : vector<16xi32>
              %all_reduce_population_count3A_1764 = tpu.all_reduce %ge3A_1763 {dim = 0 : i64, kind = #tpu.reduction_kind<sum>} : vector<16xi1> -> vector<16xi32>
              %add3A_1765 = arith.addi %add3A_1758, %all_reduce_population_count3A_1764 : vector<16xi32>
              %get3A_1766 = arith.constant 240 : index
              %get3A_1767 = tpu.vector_load %arg6[%get3A_1766] {strides = array<i32>} : memref<256xf32, #tpu.memory_space<vmem>>, vector<16xf32>,
              %bitcast3A_1768 = vector.bitcast %get3A_1767 : vector<16xf32> to vector<16xi32>
              %broadcast_in_dim3A_1769 = vector.broadcast %add3A_1659 : i32 to vector<16xi32>
              %ge3A_1770 = arith.cmpi sge, %bitcast3A_1768, %broadcast_in_dim3A_1769 : vector<16xi32>
              %all_reduce_population_count3A_1771 = tpu.all_reduce %ge3A_1770 {dim = 0 : i64, kind = #tpu.reduction_kind<sum>} : vector<16xi1> -> vector<16xi32>
              %add3A_1772 = arith.addi %add3A_1765, %all_reduce_population_count3A_1771 : vector<16xi32>
              %slice3A_1773 = vector.extract_strided_slice %add3A_1772 {offsets = [0], sizes = [1], strides = [1]} : vector<16xi32> to vector<1xi32>
              %squeeze3A_1774 = vector.extract %slice3A_1773[0] : i32 from vector<1xi32>
              %ge3A_1775 = arith.constant 64 : i32
              %ge3A_1776 = arith.cmpi sge, %squeeze3A_1774, %ge3A_1775 : i32
              %convert_element_type3A_1777 = arith.extui %ge3A_1776 : i1 to i32
              %cond3A_1778 = arith.constant 0 : i32
              %cond3A_1779 = arith.cmpi ne, %convert_element_type3A_1777, %cond3A_1778 : i32
              %cond3A_1780:2 = scf.if %cond3A_1779 -> (i32, i32) {
                scf.yield %add3A_1659, %scan3A_1639 : i32, i32
              } else {
                scf.yield %scan3A_1638, %add3A_1659 : i32, i32
              }
              scf.yield %cond3A_1780#0, %cond3A_1780#1 : i32, i32
            }
            %scan3A_989 = arith.constant 31 : i32
            %broadcast_in_dim3A_990 = arith.constant 0 : i32
            %broadcast_in_dim3A_991 = vector.broadcast %broadcast_in_dim3A_990 : i32 to vector<16xi32>
            %get3A_992 = arith.constant 0 : index
            %get3A_993 = tpu.vector_load %arg6[%get3A_992] {strides = array<i32>} : memref<256xf32, #tpu.memory_space<vmem>>, vector<16xf32>,
            %bitcast3A_994 = vector.bitcast %get3A_993 : vector<16xf32> to vector<16xi32>
            %broadcast_in_dim3A_995 = vector.broadcast %scan3A_988#0 : i32 to vector<16xi32>
            %gt3A_996 = arith.cmpi sgt, %bitcast3A_994, %broadcast_in_dim3A_995 : vector<16xi32>
            %all_reduce_population_count3A_997 = tpu.all_reduce %gt3A_996 {dim = 0 : i64, kind = #tpu.reduction_kind<sum>} : vector<16xi1> -> vector<16xi32>
            %add3A_998 = arith.addi %broadcast_in_dim3A_991, %all_reduce_population_count3A_997 : vector<16xi32>
            %get3A_999 = arith.constant 16 : index
            %get3A_1000 = tpu.vector_load %arg6[%get3A_999] {strides = array<i32>} : memref<256xf32, #tpu.memory_space<vmem>>, vector<16xf32>,
            %bitcast3A_1001 = vector.bitcast %get3A_1000 : vector<16xf32> to vector<16xi32>
            %broadcast_in_dim3A_1002 = vector.broadcast %scan3A_988#0 : i32 to vector<16xi32>
            %gt3A_1003 = arith.cmpi sgt, %bitcast3A_1001, %broadcast_in_dim3A_1002 : vector<16xi32>
            %all_reduce_population_count3A_1004 = tpu.all_reduce %gt3A_1003 {dim = 0 : i64, kind = #tpu.reduction_kind<sum>} : vector<16xi1> -> vector<16xi32>
            %add3A_1005 = arith.addi %add3A_998, %all_reduce_population_count3A_1004 : vector<16xi32>
            %get3A_1006 = arith.constant 32 : index
            %get3A_1007 = tpu.vector_load %arg6[%get3A_1006] {strides = array<i32>} : memref<256xf32, #tpu.memory_space<vmem>>, vector<16xf32>,
            %bitcast3A_1008 = vector.bitcast %get3A_1007 : vector<16xf32> to vector<16xi32>
            %broadcast_in_dim3A_1009 = vector.broadcast %scan3A_988#0 : i32 to vector<16xi32>
            %gt3A_1010 = arith.cmpi sgt, %bitcast3A_1008, %broadcast_in_dim3A_1009 : vector<16xi32>
            %all_reduce_population_count3A_1011 = tpu.all_reduce %gt3A_1010 {dim = 0 : i64, kind = #tpu.reduction_kind<sum>} : vector<16xi1> -> vector<16xi32>
            %add3A_1012 = arith.addi %add3A_1005, %all_reduce_population_count3A_1011 : vector<16xi32>
            %get3A_1013 = arith.constant 48 : index
            %get3A_1014 = tpu.vector_load %arg6[%get3A_1013] {strides = array<i32>} : memref<256xf32, #tpu.memory_space<vmem>>, vector<16xf32>,
            %bitcast3A_1015 = vector.bitcast %get3A_1014 : vector<16xf32> to vector<16xi32>
            %broadcast_in_dim3A_1016 = vector.broadcast %scan3A_988#0 : i32 to vector<16xi32>
            %gt3A_1017 = arith.cmpi sgt, %bitcast3A_1015, %broadcast_in_dim3A_1016 : vector<16xi32>
            %all_reduce_population_count3A_1018 = tpu.all_reduce %gt3A_1017 {dim = 0 : i64, kind = #tpu.reduction_kind<sum>} : vector<16xi1> -> vector<16xi32>
            %add3A_1019 = arith.addi %add3A_1012, %all_reduce_population_count3A_1018 : vector<16xi32>
            %get3A_1020 = arith.constant 64 : index
            %get3A_1021 = tpu.vector_load %arg6[%get3A_1020] {strides = array<i32>} : memref<256xf32, #tpu.memory_space<vmem>>, vector<16xf32>,
            %bitcast3A_1022 = vector.bitcast %get3A_1021 : vector<16xf32> to vector<16xi32>
            %broadcast_in_dim3A_1023 = vector.broadcast %scan3A_988#0 : i32 to vector<16xi32>
            %gt3A_1024 = arith.cmpi sgt, %bitcast3A_1022, %broadcast_in_dim3A_1023 : vector<16xi32>
            %all_reduce_population_count3A_1025 = tpu.all_reduce %gt3A_1024 {dim = 0 : i64, kind = #tpu.reduction_kind<sum>} : vector<16xi1> -> vector<16xi32>
            %add3A_1026 = arith.addi %add3A_1019, %all_reduce_population_count3A_1025 : vector<16xi32>
            %get3A_1027 = arith.constant 80 : index
            %get3A_1028 = tpu.vector_load %arg6[%get3A_1027] {strides = array<i32>} : memref<256xf32, #tpu.memory_space<vmem>>, vector<16xf32>,
            %bitcast3A_1029 = vector.bitcast %get3A_1028 : vector<16xf32> to vector<16xi32>
            %broadcast_in_dim3A_1030 = vector.broadcast %scan3A_988#0 : i32 to vector<16xi32>
            %gt3A_1031 = arith.cmpi sgt, %bitcast3A_1029, %broadcast_in_dim3A_1030 : vector<16xi32>
            %all_reduce_population_count3A_1032 = tpu.all_reduce %gt3A_1031 {dim = 0 : i64, kind = #tpu.reduction_kind<sum>} : vector<16xi1> -> vector<16xi32>
            %add3A_1033 = arith.addi %add3A_1026, %all_reduce_population_count3A_1032 : vector<16xi32>
            %get3A_1034 = arith.constant 96 : index
            %get3A_1035 = tpu.vector_load %arg6[%get3A_1034] {strides = array<i32>} : memref<256xf32, #tpu.memory_space<vmem>>, vector<16xf32>,
            %bitcast3A_1036 = vector.bitcast %get3A_1035 : vector<16xf32> to vector<16xi32>
            %broadcast_in_dim3A_1037 = vector.broadcast %scan3A_988#0 : i32 to vector<16xi32>
            %gt3A_1038 = arith.cmpi sgt, %bitcast3A_1036, %broadcast_in_dim3A_1037 : vector<16xi32>
            %all_reduce_population_count3A_1039 = tpu.all_reduce %gt3A_1038 {dim = 0 : i64, kind = #tpu.reduction_kind<sum>} : vector<16xi1> -> vector<16xi32>
            %add3A_1040 = arith.addi %add3A_1033, %all_reduce_population_count3A_1039 : vector<16xi32>
            %get3A_1041 = arith.constant 112 : index
            %get3A_1042 = tpu.vector_load %arg6[%get3A_1041] {strides = array<i32>} : memref<256xf32, #tpu.memory_space<vmem>>, vector<16xf32>,
            %bitcast3A_1043 = vector.bitcast %get3A_1042 : vector<16xf32> to vector<16xi32>
            %broadcast_in_dim3A_1044 = vector.broadcast %scan3A_988#0 : i32 to vector<16xi32>
            %gt3A_1045 = arith.cmpi sgt, %bitcast3A_1043, %broadcast_in_dim3A_1044 : vector<16xi32>
            %all_reduce_population_count3A_1046 = tpu.all_reduce %gt3A_1045 {dim = 0 : i64, kind = #tpu.reduction_kind<sum>} : vector<16xi1> -> vector<16xi32>
            %add3A_1047 = arith.addi %add3A_1040, %all_reduce_population_count3A_1046 : vector<16xi32>
            %get3A_1048 = arith.constant 128 : index
            %get3A_1049 = tpu.vector_load %arg6[%get3A_1048] {strides = array<i32>} : memref<256xf32, #tpu.memory_space<vmem>>, vector<16xf32>,
            %bitcast3A_1050 = vector.bitcast %get3A_1049 : vector<16xf32> to vector<16xi32>
            %broadcast_in_dim3A_1051 = vector.broadcast %scan3A_988#0 : i32 to vector<16xi32>
            %gt3A_1052 = arith.cmpi sgt, %bitcast3A_1050, %broadcast_in_dim3A_1051 : vector<16xi32>
            %all_reduce_population_count3A_1053 = tpu.all_reduce %gt3A_1052 {dim = 0 : i64, kind = #tpu.reduction_kind<sum>} : vector<16xi1> -> vector<16xi32>
            %add3A_1054 = arith.addi %add3A_1047, %all_reduce_population_count3A_1053 : vector<16xi32>
            %get3A_1055 = arith.constant 144 : index
            %get3A_1056 = tpu.vector_load %arg6[%get3A_1055] {strides = array<i32>} : memref<256xf32, #tpu.memory_space<vmem>>, vector<16xf32>,
            %bitcast3A_1057 = vector.bitcast %get3A_1056 : vector<16xf32> to vector<16xi32>
            %broadcast_in_dim3A_1058 = vector.broadcast %scan3A_988#0 : i32 to vector<16xi32>
            %gt3A_1059 = arith.cmpi sgt, %bitcast3A_1057, %broadcast_in_dim3A_1058 : vector<16xi32>
            %all_reduce_population_count3A_1060 = tpu.all_reduce %gt3A_1059 {dim = 0 : i64, kind = #tpu.reduction_kind<sum>} : vector<16xi1> -> vector<16xi32>
            %add3A_1061 = arith.addi %add3A_1054, %all_reduce_population_count3A_1060 : vector<16xi32>
            %get3A_1062 = arith.constant 160 : index
            %get3A_1063 = tpu.vector_load %arg6[%get3A_1062] {strides = array<i32>} : memref<256xf32, #tpu.memory_space<vmem>>, vector<16xf32>,
            %bitcast3A_1064 = vector.bitcast %get3A_1063 : vector<16xf32> to vector<16xi32>
            %broadcast_in_dim3A_1065 = vector.broadcast %scan3A_988#0 : i32 to vector<16xi32>
            %gt3A_1066 = arith.cmpi sgt, %bitcast3A_1064, %broadcast_in_dim3A_1065 : vector<16xi32>
            %all_reduce_population_count3A_1067 = tpu.all_reduce %gt3A_1066 {dim = 0 : i64, kind = #tpu.reduction_kind<sum>} : vector<16xi1> -> vector<16xi32>
            %add3A_1068 = arith.addi %add3A_1061, %all_reduce_population_count3A_1067 : vector<16xi32>
            %get3A_1069 = arith.constant 176 : index
            %get3A_1070 = tpu.vector_load %arg6[%get3A_1069] {strides = array<i32>} : memref<256xf32, #tpu.memory_space<vmem>>, vector<16xf32>,
            %bitcast3A_1071 = vector.bitcast %get3A_1070 : vector<16xf32> to vector<16xi32>
            %broadcast_in_dim3A_1072 = vector.broadcast %scan3A_988#0 : i32 to vector<16xi32>
            %gt3A_1073 = arith.cmpi sgt, %bitcast3A_1071, %broadcast_in_dim3A_1072 : vector<16xi32>
            %all_reduce_population_count3A_1074 = tpu.all_reduce %gt3A_1073 {dim = 0 : i64, kind = #tpu.reduction_kind<sum>} : vector<16xi1> -> vector<16xi32>
            %add3A_1075 = arith.addi %add3A_1068, %all_reduce_population_count3A_1074 : vector<16xi32>
            %get3A_1076 = arith.constant 192 : index
            %get3A_1077 = tpu.vector_load %arg6[%get3A_1076] {strides = array<i32>} : memref<256xf32, #tpu.memory_space<vmem>>, vector<16xf32>,
            %bitcast3A_1078 = vector.bitcast %get3A_1077 : vector<16xf32> to vector<16xi32>
            %broadcast_in_dim3A_1079 = vector.broadcast %scan3A_988#0 : i32 to vector<16xi32>
            %gt3A_1080 = arith.cmpi sgt, %bitcast3A_1078, %broadcast_in_dim3A_1079 : vector<16xi32>
            %all_reduce_population_count3A_1081 = tpu.all_reduce %gt3A_1080 {dim = 0 : i64, kind = #tpu.reduction_kind<sum>} : vector<16xi1> -> vector<16xi32>
            %add3A_1082 = arith.addi %add3A_1075, %all_reduce_population_count3A_1081 : vector<16xi32>
            %get3A_1083 = arith.constant 208 : index
            %get3A_1084 = tpu.vector_load %arg6[%get3A_1083] {strides = array<i32>} : memref<256xf32, #tpu.memory_space<vmem>>, vector<16xf32>,
            %bitcast3A_1085 = vector.bitcast %get3A_1084 : vector<16xf32> to vector<16xi32>
            %broadcast_in_dim3A_1086 = vector.broadcast %scan3A_988#0 : i32 to vector<16xi32>
            %gt3A_1087 = arith.cmpi sgt, %bitcast3A_1085, %broadcast_in_dim3A_1086 : vector<16xi32>
            %all_reduce_population_count3A_1088 = tpu.all_reduce %gt3A_1087 {dim = 0 : i64, kind = #tpu.reduction_kind<sum>} : vector<16xi1> -> vector<16xi32>
            %add3A_1089 = arith.addi %add3A_1082, %all_reduce_population_count3A_1088 : vector<16xi32>
            %get3A_1090 = arith.constant 224 : index
            %get3A_1091 = tpu.vector_load %arg6[%get3A_1090] {strides = array<i32>} : memref<256xf32, #tpu.memory_space<vmem>>, vector<16xf32>,
            %bitcast3A_1092 = vector.bitcast %get3A_1091 : vector<16xf32> to vector<16xi32>
            %broadcast_in_dim3A_1093 = vector.broadcast %scan3A_988#0 : i32 to vector<16xi32>
            %gt3A_1094 = arith.cmpi sgt, %bitcast3A_1092, %broadcast_in_dim3A_1093 : vector<16xi32>
            %all_reduce_population_count3A_1095 = tpu.all_reduce %gt3A_1094 {dim = 0 : i64, kind = #tpu.reduction_kind<sum>} : vector<16xi1> -> vector<16xi32>
            %add3A_1096 = arith.addi %add3A_1089, %all_reduce_population_count3A_1095 : vector<16xi32>
            %get3A_1097 = arith.constant 240 : index
            %get3A_1098 = tpu.vector_load %arg6[%get3A_1097] {strides = array<i32>} : memref<256xf32, #tpu.memory_space<vmem>>, vector<16xf32>,
            %bitcast3A_1099 = vector.bitcast %get3A_1098 : vector<16xf32> to vector<16xi32>
            %broadcast_in_dim3A_1100 = vector.broadcast %scan3A_988#0 : i32 to vector<16xi32>
            %gt3A_1101 = arith.cmpi sgt, %bitcast3A_1099, %broadcast_in_dim3A_1100 : vector<16xi32>
            %all_reduce_population_count3A_1102 = tpu.all_reduce %gt3A_1101 {dim = 0 : i64, kind = #tpu.reduction_kind<sum>} : vector<16xi1> -> vector<16xi32>
            %add3A_1103 = arith.addi %add3A_1096, %all_reduce_population_count3A_1102 : vector<16xi32>
            %slice3A_1104 = vector.extract_strided_slice %add3A_1103 {offsets = [0], sizes = [1], strides = [1]} : vector<16xi32> to vector<1xi32>
            %squeeze3A_1105 = vector.extract %slice3A_1104[0] : i32 from vector<1xi32>
            %sub3A_1106 = arith.constant 64 : i32
            %sub3A_1107 = arith.subi %sub3A_1106, %squeeze3A_1105 : i32
            %get3A_1108 = arith.constant 0 : index
            %get3A_1109 = tpu.vector_load %arg6[%get3A_1108] {strides = array<i32>} : memref<256xf32, #tpu.memory_space<vmem>>, vector<16xf32>,
            %get3A_1110 = arith.constant 0 : index
            %get3A_1111 = tpu.vector_load %arg7[%get3A_1110] {strides = array<i32>} : memref<256xi32, #tpu.memory_space<vmem>>, vector<16xi32>,
            %bitcast3A_1112 = vector.bitcast %get3A_1109 : vector<16xf32> to vector<16xi32>
            %broadcast_in_dim3A_1113 = vector.broadcast %scan3A_988#0 : i32 to vector<16xi32>
            %gt3A_1114 = arith.cmpi sgt, %bitcast3A_1112, %broadcast_in_dim3A_1113 : vector<16xi32>
            %broadcast_in_dim3A_1115 = vector.broadcast %scan3A_988#0 : i32 to vector<16xi32>
            %eq3A_1116 = arith.cmpi eq, %bitcast3A_1112, %broadcast_in_dim3A_1115 : vector<16xi32>
            %convert_element_type3A_1117 = arith.extui %eq3A_1116 : vector<16xi1> to vector<16xi32>
            %broadcast_in_dim3A_1118 = arith.constant true
            %broadcast_in_dim3A_1119 = vector.broadcast %broadcast_in_dim3A_1118 : i1 to vector<16xi1>
            %masked_cumsum3A_1120 = tpu.scan <sum>, %convert_element_type3A_1117 masked %broadcast_in_dim3A_1119 : vector<16xi32>, vector<16xi1> -> vector<16xi32>
            %broadcast_in_dim3A_1121 = arith.constant 0 : i32
            %broadcast_in_dim3A_1122 = vector.broadcast %broadcast_in_dim3A_1121 : i32 to vector<16xi32>
            %add3A_1123 = arith.addi %masked_cumsum3A_1120, %broadcast_in_dim3A_1122 : vector<16xi32>
            %broadcast_in_dim3A_1124 = vector.broadcast %sub3A_1107 : i32 to vector<16xi32>
            %le3A_1125 = arith.cmpi sle, %add3A_1123, %broadcast_in_dim3A_1124 : vector<16xi32>
            %and3A_1126 = arith.andi %eq3A_1116, %le3A_1125 : vector<16xi1>
            %or3A_1127 = arith.ori %gt3A_1114, %and3A_1126 : vector<16xi1>
            %swap3A_1128 = arith.constant 0 : i32
            %swap3A_1129 = arith.index_cast %swap3A_1128 : i32 to index
            %swap3A_1130 = tpu.vector_load %arg6[%swap3A_1129] masked %or3A_1127 {strides = array<i32>} : memref<256xf32, #tpu.memory_space<vmem>>, vector<16xf32>, vector<16xi1>
            tpu.vector_store %arg6[%swap3A_1129], %get3A_1109 masked %or3A_1127 {strides = array<i32>} : memref<256xf32, #tpu.memory_space<vmem>>, vector<16xf32>, vector<16xi1>
            %swap3A_1131 = arith.constant 0 : i32
            %swap3A_1132 = arith.index_cast %swap3A_1131 : i32 to index
            %swap3A_1133 = tpu.vector_load %arg7[%swap3A_1132] masked %or3A_1127 {strides = array<i32>} : memref<256xi32, #tpu.memory_space<vmem>>, vector<16xi32>, vector<16xi1>
            tpu.vector_store %arg7[%swap3A_1132], %get3A_1111 masked %or3A_1127 {strides = array<i32>} : memref<256xi32, #tpu.memory_space<vmem>>, vector<16xi32>, vector<16xi1>
            %all_reduce_population_count3A_1134 = tpu.all_reduce %or3A_1127 {dim = 0 : i64, kind = #tpu.reduction_kind<sum>} : vector<16xi1> -> vector<16xi32>
            %slice3A_1135 = vector.extract_strided_slice %all_reduce_population_count3A_1134 {offsets = [0], sizes = [1], strides = [1]} : vector<16xi32> to vector<1xi32>
            %squeeze3A_1136 = vector.extract %slice3A_1135[0] : i32 from vector<1xi32>
            %add3A_1137 = arith.constant 0 : i32
            %add3A_1138 = arith.addi %add3A_1137, %squeeze3A_1136 : i32
            %all_reduce_population_count3A_1139 = tpu.all_reduce %eq3A_1116 {dim = 0 : i64, kind = #tpu.reduction_kind<sum>} : vector<16xi1> -> vector<16xi32>
            %slice3A_1140 = vector.extract_strided_slice %all_reduce_population_count3A_1139 {offsets = [0], sizes = [1], strides = [1]} : vector<16xi32> to vector<1xi32>
            %squeeze3A_1141 = vector.extract %slice3A_1140[0] : i32 from vector<1xi32>
            %add3A_1142 = arith.constant 0 : i32
            %add3A_1143 = arith.addi %add3A_1142, %squeeze3A_1141 : i32
            %get3A_1144 = arith.constant 16 : index
            %get3A_1145 = tpu.vector_load %arg6[%get3A_1144] {strides = array<i32>} : memref<256xf32, #tpu.memory_space<vmem>>, vector<16xf32>,
            %get3A_1146 = arith.constant 16 : index
            %get3A_1147 = tpu.vector_load %arg7[%get3A_1146] {strides = array<i32>} : memref<256xi32, #tpu.memory_space<vmem>>, vector<16xi32>,
            %bitcast3A_1148 = vector.bitcast %get3A_1145 : vector<16xf32> to vector<16xi32>
            %broadcast_in_dim3A_1149 = vector.broadcast %scan3A_988#0 : i32 to vector<16xi32>
            %gt3A_1150 = arith.cmpi sgt, %bitcast3A_1148, %broadcast_in_dim3A_1149 : vector<16xi32>
            %broadcast_in_dim3A_1151 = vector.broadcast %scan3A_988#0 : i32 to vector<16xi32>
            %eq3A_1152 = arith.cmpi eq, %bitcast3A_1148, %broadcast_in_dim3A_1151 : vector<16xi32>
            %convert_element_type3A_1153 = arith.extui %eq3A_1152 : vector<16xi1> to vector<16xi32>
            %broadcast_in_dim3A_1154 = arith.constant true
            %broadcast_in_dim3A_1155 = vector.broadcast %broadcast_in_dim3A_1154 : i1 to vector<16xi1>
            %masked_cumsum3A_1156 = tpu.scan <sum>, %convert_element_type3A_1153 masked %broadcast_in_dim3A_1155 : vector<16xi32>, vector<16xi1> -> vector<16xi32>
            %broadcast_in_dim3A_1157 = vector.broadcast %add3A_1143 : i32 to vector<16xi32>
            %add3A_1158 = arith.addi %masked_cumsum3A_1156, %broadcast_in_dim3A_1157 : vector<16xi32>
            %broadcast_in_dim3A_1159 = vector.broadcast %sub3A_1107 : i32 to vector<16xi32>
            %le3A_1160 = arith.cmpi sle, %add3A_1158, %broadcast_in_dim3A_1159 : vector<16xi32>
            %and3A_1161 = arith.andi %eq3A_1152, %le3A_1160 : vector<16xi1>
            %or3A_1162 = arith.ori %gt3A_1150, %and3A_1161 : vector<16xi1>
            %swap3A_1163 = arith.index_cast %add3A_1138 : i32 to index
            %swap3A_1164 = tpu.vector_load %arg6[%swap3A_1163] masked %or3A_1162 {strides = array<i32>} : memref<256xf32, #tpu.memory_space<vmem>>, vector<16xf32>, vector<16xi1>
            tpu.vector_store %arg6[%swap3A_1163], %get3A_1145 masked %or3A_1162 {strides = array<i32>} : memref<256xf32, #tpu.memory_space<vmem>>, vector<16xf32>, vector<16xi1>
            %swap3A_1165 = arith.index_cast %add3A_1138 : i32 to index
            %swap3A_1166 = tpu.vector_load %arg7[%swap3A_1165] masked %or3A_1162 {strides = array<i32>} : memref<256xi32, #tpu.memory_space<vmem>>, vector<16xi32>, vector<16xi1>
            tpu.vector_store %arg7[%swap3A_1165], %get3A_1147 masked %or3A_1162 {strides = array<i32>} : memref<256xi32, #tpu.memory_space<vmem>>, vector<16xi32>, vector<16xi1>
            %all_reduce_population_count3A_1167 = tpu.all_reduce %or3A_1162 {dim = 0 : i64, kind = #tpu.reduction_kind<sum>} : vector<16xi1> -> vector<16xi32>
            %slice3A_1168 = vector.extract_strided_slice %all_reduce_population_count3A_1167 {offsets = [0], sizes = [1], strides = [1]} : vector<16xi32> to vector<1xi32>
            %squeeze3A_1169 = vector.extract %slice3A_1168[0] : i32 from vector<1xi32>
            %add3A_1170 = arith.addi %add3A_1138, %squeeze3A_1169 : i32
            %all_reduce_population_count3A_1171 = tpu.all_reduce %eq3A_1152 {dim = 0 : i64, kind = #tpu.reduction_kind<sum>} : vector<16xi1> -> vector<16xi32>
            %slice3A_1172 = vector.extract_strided_slice %all_reduce_population_count3A_1171 {offsets = [0], sizes = [1], strides = [1]} : vector<16xi32> to vector<1xi32>
            %squeeze3A_1173 = vector.extract %slice3A_1172[0] : i32 from vector<1xi32>
            %add3A_1174 = arith.addi %add3A_1143, %squeeze3A_1173 : i32
            %get3A_1175 = arith.constant 32 : index
            %get3A_1176 = tpu.vector_load %arg6[%get3A_1175] {strides = array<i32>} : memref<256xf32, #tpu.memory_space<vmem>>, vector<16xf32>,
            %get3A_1177 = arith.constant 32 : index
            %get3A_1178 = tpu.vector_load %arg7[%get3A_1177] {strides = array<i32>} : memref<256xi32, #tpu.memory_space<vmem>>, vector<16xi32>,
            %bitcast3A_1179 = vector.bitcast %get3A_1176 : vector<16xf32> to vector<16xi32>
            %broadcast_in_dim3A_1180 = vector.broadcast %scan3A_988#0 : i32 to vector<16xi32>
            %gt3A_1181 = arith.cmpi sgt, %bitcast3A_1179, %broadcast_in_dim3A_1180 : vector<16xi32>
            %broadcast_in_dim3A_1182 = vector.broadcast %scan3A_988#0 : i32 to vector<16xi32>
            %eq3A_1183 = arith.cmpi eq, %bitcast3A_1179, %broadcast_in_dim3A_1182 : vector<16xi32>
            %convert_element_type3A_1184 = arith.extui %eq3A_1183 : vector<16xi1> to vector<16xi32>
            %broadcast_in_dim3A_1185 = arith.constant true
            %broadcast_in_dim3A_1186 = vector.broadcast %broadcast_in_dim3A_1185 : i1 to vector<16xi1>
            %masked_cumsum3A_1187 = tpu.scan <sum>, %convert_element_type3A_1184 masked %broadcast_in_dim3A_1186 : vector<16xi32>, vector<16xi1> -> vector<16xi32>
            %broadcast_in_dim3A_1188 = vector.broadcast %add3A_1174 : i32 to vector<16xi32>
            %add3A_1189 = arith.addi %masked_cumsum3A_1187, %broadcast_in_dim3A_1188 : vector<16xi32>
            %broadcast_in_dim3A_1190 = vector.broadcast %sub3A_1107 : i32 to vector<16xi32>
            %le3A_1191 = arith.cmpi sle, %add3A_1189, %broadcast_in_dim3A_1190 : vector<16xi32>
            %and3A_1192 = arith.andi %eq3A_1183, %le3A_1191 : vector<16xi1>
            %or3A_1193 = arith.ori %gt3A_1181, %and3A_1192 : vector<16xi1>
            %swap3A_1194 = arith.index_cast %add3A_1170 : i32 to index
            %swap3A_1195 = tpu.vector_load %arg6[%swap3A_1194] masked %or3A_1193 {strides = array<i32>} : memref<256xf32, #tpu.memory_space<vmem>>, vector<16xf32>, vector<16xi1>
            tpu.vector_store %arg6[%swap3A_1194], %get3A_1176 masked %or3A_1193 {strides = array<i32>} : memref<256xf32, #tpu.memory_space<vmem>>, vector<16xf32>, vector<16xi1>
            %swap3A_1196 = arith.index_cast %add3A_1170 : i32 to index
            %swap3A_1197 = tpu.vector_load %arg7[%swap3A_1196] masked %or3A_1193 {strides = array<i32>} : memref<256xi32, #tpu.memory_space<vmem>>, vector<16xi32>, vector<16xi1>
            tpu.vector_store %arg7[%swap3A_1196], %get3A_1178 masked %or3A_1193 {strides = array<i32>} : memref<256xi32, #tpu.memory_space<vmem>>, vector<16xi32>, vector<16xi1>
            %all_reduce_population_count3A_1198 = tpu.all_reduce %or3A_1193 {dim = 0 : i64, kind = #tpu.reduction_kind<sum>} : vector<16xi1> -> vector<16xi32>
            %slice3A_1199 = vector.extract_strided_slice %all_reduce_population_count3A_1198 {offsets = [0], sizes = [1], strides = [1]} : vector<16xi32> to vector<1xi32>
            %squeeze3A_1200 = vector.extract %slice3A_1199[0] : i32 from vector<1xi32>
            %add3A_1201 = arith.addi %add3A_1170, %squeeze3A_1200 : i32
            %all_reduce_population_count3A_1202 = tpu.all_reduce %eq3A_1183 {dim = 0 : i64, kind = #tpu.reduction_kind<sum>} : vector<16xi1> -> vector<16xi32>
            %slice3A_1203 = vector.extract_strided_slice %all_reduce_population_count3A_1202 {offsets = [0], sizes = [1], strides = [1]} : vector<16xi32> to vector<1xi32>
            %squeeze3A_1204 = vector.extract %slice3A_1203[0] : i32 from vector<1xi32>
            %add3A_1205 = arith.addi %add3A_1174, %squeeze3A_1204 : i32
            %get3A_1206 = arith.constant 48 : index
            %get3A_1207 = tpu.vector_load %arg6[%get3A_1206] {strides = array<i32>} : memref<256xf32, #tpu.memory_space<vmem>>, vector<16xf32>,
            %get3A_1208 = arith.constant 48 : index
            %get3A_1209 = tpu.vector_load %arg7[%get3A_1208] {strides = array<i32>} : memref<256xi32, #tpu.memory_space<vmem>>, vector<16xi32>,
            %bitcast3A_1210 = vector.bitcast %get3A_1207 : vector<16xf32> to vector<16xi32>
            %broadcast_in_dim3A_1211 = vector.broadcast %scan3A_988#0 : i32 to vector<16xi32>
            %gt3A_1212 = arith.cmpi sgt, %bitcast3A_1210, %broadcast_in_dim3A_1211 : vector<16xi32>
            %broadcast_in_dim3A_1213 = vector.broadcast %scan3A_988#0 : i32 to vector<16xi32>
            %eq3A_1214 = arith.cmpi eq, %bitcast3A_1210, %broadcast_in_dim3A_1213 : vector<16xi32>
            %convert_element_type3A_1215 = arith.extui %eq3A_1214 : vector<16xi1> to vector<16xi32>
            %broadcast_in_dim3A_1216 = arith.constant true
            %broadcast_in_dim3A_1217 = vector.broadcast %broadcast_in_dim3A_1216 : i1 to vector<16xi1>
            %masked_cumsum3A_1218 = tpu.scan <sum>, %convert_element_type3A_1215 masked %broadcast_in_dim3A_1217 : vector<16xi32>, vector<16xi1> -> vector<16xi32>
            %broadcast_in_dim3A_1219 = vector.broadcast %add3A_1205 : i32 to vector<16xi32>
            %add3A_1220 = arith.addi %masked_cumsum3A_1218, %broadcast_in_dim3A_1219 : vector<16xi32>
            %broadcast_in_dim3A_1221 = vector.broadcast %sub3A_1107 : i32 to vector<16xi32>
            %le3A_1222 = arith.cmpi sle, %add3A_1220, %broadcast_in_dim3A_1221 : vector<16xi32>
            %and3A_1223 = arith.andi %eq3A_1214, %le3A_1222 : vector<16xi1>
            %or3A_1224 = arith.ori %gt3A_1212, %and3A_1223 : vector<16xi1>
            %swap3A_1225 = arith.index_cast %add3A_1201 : i32 to index
            %swap3A_1226 = tpu.vector_load %arg6[%swap3A_1225] masked %or3A_1224 {strides = array<i32>} : memref<256xf32, #tpu.memory_space<vmem>>, vector<16xf32>, vector<16xi1>
            tpu.vector_store %arg6[%swap3A_1225], %get3A_1207 masked %or3A_1224 {strides = array<i32>} : memref<256xf32, #tpu.memory_space<vmem>>, vector<16xf32>, vector<16xi1>
            %swap3A_1227 = arith.index_cast %add3A_1201 : i32 to index
            %swap3A_1228 = tpu.vector_load %arg7[%swap3A_1227] masked %or3A_1224 {strides = array<i32>} : memref<256xi32, #tpu.memory_space<vmem>>, vector<16xi32>, vector<16xi1>
            tpu.vector_store %arg7[%swap3A_1227], %get3A_1209 masked %or3A_1224 {strides = array<i32>} : memref<256xi32, #tpu.memory_space<vmem>>, vector<16xi32>, vector<16xi1>
            %all_reduce_population_count3A_1229 = tpu.all_reduce %or3A_1224 {dim = 0 : i64, kind = #tpu.reduction_kind<sum>} : vector<16xi1> -> vector<16xi32>
            %slice3A_1230 = vector.extract_strided_slice %all_reduce_population_count3A_1229 {offsets = [0], sizes = [1], strides = [1]} : vector<16xi32> to vector<1xi32>
            %squeeze3A_1231 = vector.extract %slice3A_1230[0] : i32 from vector<1xi32>
            %add3A_1232 = arith.addi %add3A_1201, %squeeze3A_1231 : i32
            %all_reduce_population_count3A_1233 = tpu.all_reduce %eq3A_1214 {dim = 0 : i64, kind = #tpu.reduction_kind<sum>} : vector<16xi1> -> vector<16xi32>
            %slice3A_1234 = vector.extract_strided_slice %all_reduce_population_count3A_1233 {offsets = [0], sizes = [1], strides = [1]} : vector<16xi32> to vector<1xi32>
            %squeeze3A_1235 = vector.extract %slice3A_1234[0] : i32 from vector<1xi32>
            %add3A_1236 = arith.addi %add3A_1205, %squeeze3A_1235 : i32
            %get3A_1237 = arith.constant 64 : index
            %get3A_1238 = tpu.vector_load %arg6[%get3A_1237] {strides = array<i32>} : memref<256xf32, #tpu.memory_space<vmem>>, vector<16xf32>,
            %get3A_1239 = arith.constant 64 : index
            %get3A_1240 = tpu.vector_load %arg7[%get3A_1239] {strides = array<i32>} : memref<256xi32, #tpu.memory_space<vmem>>, vector<16xi32>,
            %bitcast3A_1241 = vector.bitcast %get3A_1238 : vector<16xf32> to vector<16xi32>
            %broadcast_in_dim3A_1242 = vector.broadcast %scan3A_988#0 : i32 to vector<16xi32>
            %gt3A_1243 = arith.cmpi sgt, %bitcast3A_1241, %broadcast_in_dim3A_1242 : vector<16xi32>
            %broadcast_in_dim3A_1244 = vector.broadcast %scan3A_988#0 : i32 to vector<16xi32>
            %eq3A_1245 = arith.cmpi eq, %bitcast3A_1241, %broadcast_in_dim3A_1244 : vector<16xi32>
            %convert_element_type3A_1246 = arith.extui %eq3A_1245 : vector<16xi1> to vector<16xi32>
            %broadcast_in_dim3A_1247 = arith.constant true
            %broadcast_in_dim3A_1248 = vector.broadcast %broadcast_in_dim3A_1247 : i1 to vector<16xi1>
            %masked_cumsum3A_1249 = tpu.scan <sum>, %convert_element_type3A_1246 masked %broadcast_in_dim3A_1248 : vector<16xi32>, vector<16xi1> -> vector<16xi32>
            %broadcast_in_dim3A_1250 = vector.broadcast %add3A_1236 : i32 to vector<16xi32>
            %add3A_1251 = arith.addi %masked_cumsum3A_1249, %broadcast_in_dim3A_1250 : vector<16xi32>
            %broadcast_in_dim3A_1252 = vector.broadcast %sub3A_1107 : i32 to vector<16xi32>
            %le3A_1253 = arith.cmpi sle, %add3A_1251, %broadcast_in_dim3A_1252 : vector<16xi32>
            %and3A_1254 = arith.andi %eq3A_1245, %le3A_1253 : vector<16xi1>
            %or3A_1255 = arith.ori %gt3A_1243, %and3A_1254 : vector<16xi1>
            %swap3A_1256 = arith.index_cast %add3A_1232 : i32 to index
            %swap3A_1257 = tpu.vector_load %arg6[%swap3A_1256] masked %or3A_1255 {strides = array<i32>} : memref<256xf32, #tpu.memory_space<vmem>>, vector<16xf32>, vector<16xi1>
            tpu.vector_store %arg6[%swap3A_1256], %get3A_1238 masked %or3A_1255 {strides = array<i32>} : memref<256xf32, #tpu.memory_space<vmem>>, vector<16xf32>, vector<16xi1>
            %swap3A_1258 = arith.index_cast %add3A_1232 : i32 to index
            %swap3A_1259 = tpu.vector_load %arg7[%swap3A_1258] masked %or3A_1255 {strides = array<i32>} : memref<256xi32, #tpu.memory_space<vmem>>, vector<16xi32>, vector<16xi1>
            tpu.vector_store %arg7[%swap3A_1258], %get3A_1240 masked %or3A_1255 {strides = array<i32>} : memref<256xi32, #tpu.memory_space<vmem>>, vector<16xi32>, vector<16xi1>
            %all_reduce_population_count3A_1260 = tpu.all_reduce %or3A_1255 {dim = 0 : i64, kind = #tpu.reduction_kind<sum>} : vector<16xi1> -> vector<16xi32>
            %slice3A_1261 = vector.extract_strided_slice %all_reduce_population_count3A_1260 {offsets = [0], sizes = [1], strides = [1]} : vector<16xi32> to vector<1xi32>
            %squeeze3A_1262 = vector.extract %slice3A_1261[0] : i32 from vector<1xi32>
            %add3A_1263 = arith.addi %add3A_1232, %squeeze3A_1262 : i32
            %all_reduce_population_count3A_1264 = tpu.all_reduce %eq3A_1245 {dim = 0 : i64, kind = #tpu.reduction_kind<sum>} : vector<16xi1> -> vector<16xi32>
            %slice3A_1265 = vector.extract_strided_slice %all_reduce_population_count3A_1264 {offsets = [0], sizes = [1], strides = [1]} : vector<16xi32> to vector<1xi32>
            %squeeze3A_1266 = vector.extract %slice3A_1265[0] : i32 from vector<1xi32>
            %add3A_1267 = arith.addi %add3A_1236, %squeeze3A_1266 : i32
            %get3A_1268 = arith.constant 80 : index
            %get3A_1269 = tpu.vector_load %arg6[%get3A_1268] {strides = array<i32>} : memref<256xf32, #tpu.memory_space<vmem>>, vector<16xf32>,
            %get3A_1270 = arith.constant 80 : index
            %get3A_1271 = tpu.vector_load %arg7[%get3A_1270] {strides = array<i32>} : memref<256xi32, #tpu.memory_space<vmem>>, vector<16xi32>,
            %bitcast3A_1272 = vector.bitcast %get3A_1269 : vector<16xf32> to vector<16xi32>
            %broadcast_in_dim3A_1273 = vector.broadcast %scan3A_988#0 : i32 to vector<16xi32>
            %gt3A_1274 = arith.cmpi sgt, %bitcast3A_1272, %broadcast_in_dim3A_1273 : vector<16xi32>
            %broadcast_in_dim3A_1275 = vector.broadcast %scan3A_988#0 : i32 to vector<16xi32>
            %eq3A_1276 = arith.cmpi eq, %bitcast3A_1272, %broadcast_in_dim3A_1275 : vector<16xi32>
            %convert_element_type3A_1277 = arith.extui %eq3A_1276 : vector<16xi1> to vector<16xi32>
            %broadcast_in_dim3A_1278 = arith.constant true
            %broadcast_in_dim3A_1279 = vector.broadcast %broadcast_in_dim3A_1278 : i1 to vector<16xi1>
            %masked_cumsum3A_1280 = tpu.scan <sum>, %convert_element_type3A_1277 masked %broadcast_in_dim3A_1279 : vector<16xi32>, vector<16xi1> -> vector<16xi32>
            %broadcast_in_dim3A_1281 = vector.broadcast %add3A_1267 : i32 to vector<16xi32>
            %add3A_1282 = arith.addi %masked_cumsum3A_1280, %broadcast_in_dim3A_1281 : vector<16xi32>
            %broadcast_in_dim3A_1283 = vector.broadcast %sub3A_1107 : i32 to vector<16xi32>
            %le3A_1284 = arith.cmpi sle, %add3A_1282, %broadcast_in_dim3A_1283 : vector<16xi32>
            %and3A_1285 = arith.andi %eq3A_1276, %le3A_1284 : vector<16xi1>
            %or3A_1286 = arith.ori %gt3A_1274, %and3A_1285 : vector<16xi1>
            %swap3A_1287 = arith.index_cast %add3A_1263 : i32 to index
            %swap3A_1288 = tpu.vector_load %arg6[%swap3A_1287] masked %or3A_1286 {strides = array<i32>} : memref<256xf32, #tpu.memory_space<vmem>>, vector<16xf32>, vector<16xi1>
            tpu.vector_store %arg6[%swap3A_1287], %get3A_1269 masked %or3A_1286 {strides = array<i32>} : memref<256xf32, #tpu.memory_space<vmem>>, vector<16xf32>, vector<16xi1>
            %swap3A_1289 = arith.index_cast %add3A_1263 : i32 to index
            %swap3A_1290 = tpu.vector_load %arg7[%swap3A_1289] masked %or3A_1286 {strides = array<i32>} : memref<256xi32, #tpu.memory_space<vmem>>, vector<16xi32>, vector<16xi1>
            tpu.vector_store %arg7[%swap3A_1289], %get3A_1271 masked %or3A_1286 {strides = array<i32>} : memref<256xi32, #tpu.memory_space<vmem>>, vector<16xi32>, vector<16xi1>
            %all_reduce_population_count3A_1291 = tpu.all_reduce %or3A_1286 {dim = 0 : i64, kind = #tpu.reduction_kind<sum>} : vector<16xi1> -> vector<16xi32>
            %slice3A_1292 = vector.extract_strided_slice %all_reduce_population_count3A_1291 {offsets = [0], sizes = [1], strides = [1]} : vector<16xi32> to vector<1xi32>
            %squeeze3A_1293 = vector.extract %slice3A_1292[0] : i32 from vector<1xi32>
            %add3A_1294 = arith.addi %add3A_1263, %squeeze3A_1293 : i32
            %all_reduce_population_count3A_1295 = tpu.all_reduce %eq3A_1276 {dim = 0 : i64, kind = #tpu.reduction_kind<sum>} : vector<16xi1> -> vector<16xi32>
            %slice3A_1296 = vector.extract_strided_slice %all_reduce_population_count3A_1295 {offsets = [0], sizes = [1], strides = [1]} : vector<16xi32> to vector<1xi32>
            %squeeze3A_1297 = vector.extract %slice3A_1296[0] : i32 from vector<1xi32>
            %add3A_1298 = arith.addi %add3A_1267, %squeeze3A_1297 : i32
            %get3A_1299 = arith.constant 96 : index
            %get3A_1300 = tpu.vector_load %arg6[%get3A_1299] {strides = array<i32>} : memref<256xf32, #tpu.memory_space<vmem>>, vector<16xf32>,
            %get3A_1301 = arith.constant 96 : index
            %get3A_1302 = tpu.vector_load %arg7[%get3A_1301] {strides = array<i32>} : memref<256xi32, #tpu.memory_space<vmem>>, vector<16xi32>,
            %bitcast3A_1303 = vector.bitcast %get3A_1300 : vector<16xf32> to vector<16xi32>
            %broadcast_in_dim3A_1304 = vector.broadcast %scan3A_988#0 : i32 to vector<16xi32>
            %gt3A_1305 = arith.cmpi sgt, %bitcast3A_1303, %broadcast_in_dim3A_1304 : vector<16xi32>
            %broadcast_in_dim3A_1306 = vector.broadcast %scan3A_988#0 : i32 to vector<16xi32>
            %eq3A_1307 = arith.cmpi eq, %bitcast3A_1303, %broadcast_in_dim3A_1306 : vector<16xi32>
            %convert_element_type3A_1308 = arith.extui %eq3A_1307 : vector<16xi1> to vector<16xi32>
            %broadcast_in_dim3A_1309 = arith.constant true
            %broadcast_in_dim3A_1310 = vector.broadcast %broadcast_in_dim3A_1309 : i1 to vector<16xi1>
            %masked_cumsum3A_1311 = tpu.scan <sum>, %convert_element_type3A_1308 masked %broadcast_in_dim3A_1310 : vector<16xi32>, vector<16xi1> -> vector<16xi32>
            %broadcast_in_dim3A_1312 = vector.broadcast %add3A_1298 : i32 to vector<16xi32>
            %add3A_1313 = arith.addi %masked_cumsum3A_1311, %broadcast_in_dim3A_1312 : vector<16xi32>
            %broadcast_in_dim3A_1314 = vector.broadcast %sub3A_1107 : i32 to vector<16xi32>
            %le3A_1315 = arith.cmpi sle, %add3A_1313, %broadcast_in_dim3A_1314 : vector<16xi32>
            %and3A_1316 = arith.andi %eq3A_1307, %le3A_1315 : vector<16xi1>
            %or3A_1317 = arith.ori %gt3A_1305, %and3A_1316 : vector<16xi1>
            %swap3A_1318 = arith.index_cast %add3A_1294 : i32 to index
            %swap3A_1319 = tpu.vector_load %arg6[%swap3A_1318] masked %or3A_1317 {strides = array<i32>} : memref<256xf32, #tpu.memory_space<vmem>>, vector<16xf32>, vector<16xi1>
            tpu.vector_store %arg6[%swap3A_1318], %get3A_1300 masked %or3A_1317 {strides = array<i32>} : memref<256xf32, #tpu.memory_space<vmem>>, vector<16xf32>, vector<16xi1>
            %swap3A_1320 = arith.index_cast %add3A_1294 : i32 to index
            %swap3A_1321 = tpu.vector_load %arg7[%swap3A_1320] masked %or3A_1317 {strides = array<i32>} : memref<256xi32, #tpu.memory_space<vmem>>, vector<16xi32>, vector<16xi1>
            tpu.vector_store %arg7[%swap3A_1320], %get3A_1302 masked %or3A_1317 {strides = array<i32>} : memref<256xi32, #tpu.memory_space<vmem>>, vector<16xi32>, vector<16xi1>
            %all_reduce_population_count3A_1322 = tpu.all_reduce %or3A_1317 {dim = 0 : i64, kind = #tpu.reduction_kind<sum>} : vector<16xi1> -> vector<16xi32>
            %slice3A_1323 = vector.extract_strided_slice %all_reduce_population_count3A_1322 {offsets = [0], sizes = [1], strides = [1]} : vector<16xi32> to vector<1xi32>
            %squeeze3A_1324 = vector.extract %slice3A_1323[0] : i32 from vector<1xi32>
            %add3A_1325 = arith.addi %add3A_1294, %squeeze3A_1324 : i32
            %all_reduce_population_count3A_1326 = tpu.all_reduce %eq3A_1307 {dim = 0 : i64, kind = #tpu.reduction_kind<sum>} : vector<16xi1> -> vector<16xi32>
            %slice3A_1327 = vector.extract_strided_slice %all_reduce_population_count3A_1326 {offsets = [0], sizes = [1], strides = [1]} : vector<16xi32> to vector<1xi32>
            %squeeze3A_1328 = vector.extract %slice3A_1327[0] : i32 from vector<1xi32>
            %add3A_1329 = arith.addi %add3A_1298, %squeeze3A_1328 : i32
            %get3A_1330 = arith.constant 112 : index
            %get3A_1331 = tpu.vector_load %arg6[%get3A_1330] {strides = array<i32>} : memref<256xf32, #tpu.memory_space<vmem>>, vector<16xf32>,
            %get3A_1332 = arith.constant 112 : index
            %get3A_1333 = tpu.vector_load %arg7[%get3A_1332] {strides = array<i32>} : memref<256xi32, #tpu.memory_space<vmem>>, vector<16xi32>,
            %bitcast3A_1334 = vector.bitcast %get3A_1331 : vector<16xf32> to vector<16xi32>
            %broadcast_in_dim3A_1335 = vector.broadcast %scan3A_988#0 : i32 to vector<16xi32>
            %gt3A_1336 = arith.cmpi sgt, %bitcast3A_1334, %broadcast_in_dim3A_1335 : vector<16xi32>
            %broadcast_in_dim3A_1337 = vector.broadcast %scan3A_988#0 : i32 to vector<16xi32>
            %eq3A_1338 = arith.cmpi eq, %bitcast3A_1334, %broadcast_in_dim3A_1337 : vector<16xi32>
            %convert_element_type3A_1339 = arith.extui %eq3A_1338 : vector<16xi1> to vector<16xi32>
            %broadcast_in_dim3A_1340 = arith.constant true
            %broadcast_in_dim3A_1341 = vector.broadcast %broadcast_in_dim3A_1340 : i1 to vector<16xi1>
            %masked_cumsum3A_1342 = tpu.scan <sum>, %convert_element_type3A_1339 masked %broadcast_in_dim3A_1341 : vector<16xi32>, vector<16xi1> -> vector<16xi32>
            %broadcast_in_dim3A_1343 = vector.broadcast %add3A_1329 : i32 to vector<16xi32>
            %add3A_1344 = arith.addi %masked_cumsum3A_1342, %broadcast_in_dim3A_1343 : vector<16xi32>
            %broadcast_in_dim3A_1345 = vector.broadcast %sub3A_1107 : i32 to vector<16xi32>
            %le3A_1346 = arith.cmpi sle, %add3A_1344, %broadcast_in_dim3A_1345 : vector<16xi32>
            %and3A_1347 = arith.andi %eq3A_1338, %le3A_1346 : vector<16xi1>
            %or3A_1348 = arith.ori %gt3A_1336, %and3A_1347 : vector<16xi1>
            %swap3A_1349 = arith.index_cast %add3A_1325 : i32 to index
            %swap3A_1350 = tpu.vector_load %arg6[%swap3A_1349] masked %or3A_1348 {strides = array<i32>} : memref<256xf32, #tpu.memory_space<vmem>>, vector<16xf32>, vector<16xi1>
            tpu.vector_store %arg6[%swap3A_1349], %get3A_1331 masked %or3A_1348 {strides = array<i32>} : memref<256xf32, #tpu.memory_space<vmem>>, vector<16xf32>, vector<16xi1>
            %swap3A_1351 = arith.index_cast %add3A_1325 : i32 to index
            %swap3A_1352 = tpu.vector_load %arg7[%swap3A_1351] masked %or3A_1348 {strides = array<i32>} : memref<256xi32, #tpu.memory_space<vmem>>, vector<16xi32>, vector<16xi1>
            tpu.vector_store %arg7[%swap3A_1351], %get3A_1333 masked %or3A_1348 {strides = array<i32>} : memref<256xi32, #tpu.memory_space<vmem>>, vector<16xi32>, vector<16xi1>
            %all_reduce_population_count3A_1353 = tpu.all_reduce %or3A_1348 {dim = 0 : i64, kind = #tpu.reduction_kind<sum>} : vector<16xi1> -> vector<16xi32>
            %slice3A_1354 = vector.extract_strided_slice %all_reduce_population_count3A_1353 {offsets = [0], sizes = [1], strides = [1]} : vector<16xi32> to vector<1xi32>
            %squeeze3A_1355 = vector.extract %slice3A_1354[0] : i32 from vector<1xi32>
            %add3A_1356 = arith.addi %add3A_1325, %squeeze3A_1355 : i32
            %all_reduce_population_count3A_1357 = tpu.all_reduce %eq3A_1338 {dim = 0 : i64, kind = #tpu.reduction_kind<sum>} : vector<16xi1> -> vector<16xi32>
            %slice3A_1358 = vector.extract_strided_slice %all_reduce_population_count3A_1357 {offsets = [0], sizes = [1], strides = [1]} : vector<16xi32> to vector<1xi32>
            %squeeze3A_1359 = vector.extract %slice3A_1358[0] : i32 from vector<1xi32>
            %add3A_1360 = arith.addi %add3A_1329, %squeeze3A_1359 : i32
            %get3A_1361 = arith.constant 128 : index
            %get3A_1362 = tpu.vector_load %arg6[%get3A_1361] {strides = array<i32>} : memref<256xf32, #tpu.memory_space<vmem>>, vector<16xf32>,
            %get3A_1363 = arith.constant 128 : index
            %get3A_1364 = tpu.vector_load %arg7[%get3A_1363] {strides = array<i32>} : memref<256xi32, #tpu.memory_space<vmem>>, vector<16xi32>,
            %bitcast3A_1365 = vector.bitcast %get3A_1362 : vector<16xf32> to vector<16xi32>
            %broadcast_in_dim3A_1366 = vector.broadcast %scan3A_988#0 : i32 to vector<16xi32>
            %gt3A_1367 = arith.cmpi sgt, %bitcast3A_1365, %broadcast_in_dim3A_1366 : vector<16xi32>
            %broadcast_in_dim3A_1368 = vector.broadcast %scan3A_988#0 : i32 to vector<16xi32>
            %eq3A_1369 = arith.cmpi eq, %bitcast3A_1365, %broadcast_in_dim3A_1368 : vector<16xi32>
            %convert_element_type3A_1370 = arith.extui %eq3A_1369 : vector<16xi1> to vector<16xi32>
            %broadcast_in_dim3A_1371 = arith.constant true
            %broadcast_in_dim3A_1372 = vector.broadcast %broadcast_in_dim3A_1371 : i1 to vector<16xi1>
            %masked_cumsum3A_1373 = tpu.scan <sum>, %convert_element_type3A_1370 masked %broadcast_in_dim3A_1372 : vector<16xi32>, vector<16xi1> -> vector<16xi32>
            %broadcast_in_dim3A_1374 = vector.broadcast %add3A_1360 : i32 to vector<16xi32>
            %add3A_1375 = arith.addi %masked_cumsum3A_1373, %broadcast_in_dim3A_1374 : vector<16xi32>
            %broadcast_in_dim3A_1376 = vector.broadcast %sub3A_1107 : i32 to vector<16xi32>
            %le3A_1377 = arith.cmpi sle, %add3A_1375, %broadcast_in_dim3A_1376 : vector<16xi32>
            %and3A_1378 = arith.andi %eq3A_1369, %le3A_1377 : vector<16xi1>
            %or3A_1379 = arith.ori %gt3A_1367, %and3A_1378 : vector<16xi1>
            %swap3A_1380 = arith.index_cast %add3A_1356 : i32 to index
            %swap3A_1381 = tpu.vector_load %arg6[%swap3A_1380] masked %or3A_1379 {strides = array<i32>} : memref<256xf32, #tpu.memory_space<vmem>>, vector<16xf32>, vector<16xi1>
            tpu.vector_store %arg6[%swap3A_1380], %get3A_1362 masked %or3A_1379 {strides = array<i32>} : memref<256xf32, #tpu.memory_space<vmem>>, vector<16xf32>, vector<16xi1>
            %swap3A_1382 = arith.index_cast %add3A_1356 : i32 to index
            %swap3A_1383 = tpu.vector_load %arg7[%swap3A_1382] masked %or3A_1379 {strides = array<i32>} : memref<256xi32, #tpu.memory_space<vmem>>, vector<16xi32>, vector<16xi1>
            tpu.vector_store %arg7[%swap3A_1382], %get3A_1364 masked %or3A_1379 {strides = array<i32>} : memref<256xi32, #tpu.memory_space<vmem>>, vector<16xi32>, vector<16xi1>
            %all_reduce_population_count3A_1384 = tpu.all_reduce %or3A_1379 {dim = 0 : i64, kind = #tpu.reduction_kind<sum>} : vector<16xi1> -> vector<16xi32>
            %slice3A_1385 = vector.extract_strided_slice %all_reduce_population_count3A_1384 {offsets = [0], sizes = [1], strides = [1]} : vector<16xi32> to vector<1xi32>
            %squeeze3A_1386 = vector.extract %slice3A_1385[0] : i32 from vector<1xi32>
            %add3A_1387 = arith.addi %add3A_1356, %squeeze3A_1386 : i32
            %all_reduce_population_count3A_1388 = tpu.all_reduce %eq3A_1369 {dim = 0 : i64, kind = #tpu.reduction_kind<sum>} : vector<16xi1> -> vector<16xi32>
            %slice3A_1389 = vector.extract_strided_slice %all_reduce_population_count3A_1388 {offsets = [0], sizes = [1], strides = [1]} : vector<16xi32> to vector<1xi32>
            %squeeze3A_1390 = vector.extract %slice3A_1389[0] : i32 from vector<1xi32>
            %add3A_1391 = arith.addi %add3A_1360, %squeeze3A_1390 : i32
            %get3A_1392 = arith.constant 144 : index
            %get3A_1393 = tpu.vector_load %arg6[%get3A_1392] {strides = array<i32>} : memref<256xf32, #tpu.memory_space<vmem>>, vector<16xf32>,
            %get3A_1394 = arith.constant 144 : index
            %get3A_1395 = tpu.vector_load %arg7[%get3A_1394] {strides = array<i32>} : memref<256xi32, #tpu.memory_space<vmem>>, vector<16xi32>,
            %bitcast3A_1396 = vector.bitcast %get3A_1393 : vector<16xf32> to vector<16xi32>
            %broadcast_in_dim3A_1397 = vector.broadcast %scan3A_988#0 : i32 to vector<16xi32>
            %gt3A_1398 = arith.cmpi sgt, %bitcast3A_1396, %broadcast_in_dim3A_1397 : vector<16xi32>
            %broadcast_in_dim3A_1399 = vector.broadcast %scan3A_988#0 : i32 to vector<16xi32>
            %eq3A_1400 = arith.cmpi eq, %bitcast3A_1396, %broadcast_in_dim3A_1399 : vector<16xi32>
            %convert_element_type3A_1401 = arith.extui %eq3A_1400 : vector<16xi1> to vector<16xi32>
            %broadcast_in_dim3A_1402 = arith.constant true
            %broadcast_in_dim3A_1403 = vector.broadcast %broadcast_in_dim3A_1402 : i1 to vector<16xi1>
            %masked_cumsum3A_1404 = tpu.scan <sum>, %convert_element_type3A_1401 masked %broadcast_in_dim3A_1403 : vector<16xi32>, vector<16xi1> -> vector<16xi32>
            %broadcast_in_dim3A_1405 = vector.broadcast %add3A_1391 : i32 to vector<16xi32>
            %add3A_1406 = arith.addi %masked_cumsum3A_1404, %broadcast_in_dim3A_1405 : vector<16xi32>
            %broadcast_in_dim3A_1407 = vector.broadcast %sub3A_1107 : i32 to vector<16xi32>
            %le3A_1408 = arith.cmpi sle, %add3A_1406, %broadcast_in_dim3A_1407 : vector<16xi32>
            %and3A_1409 = arith.andi %eq3A_1400, %le3A_1408 : vector<16xi1>
            %or3A_1410 = arith.ori %gt3A_1398, %and3A_1409 : vector<16xi1>
            %swap3A_1411 = arith.index_cast %add3A_1387 : i32 to index
            %swap3A_1412 = tpu.vector_load %arg6[%swap3A_1411] masked %or3A_1410 {strides = array<i32>} : memref<256xf32, #tpu.memory_space<vmem>>, vector<16xf32>, vector<16xi1>
            tpu.vector_store %arg6[%swap3A_1411], %get3A_1393 masked %or3A_1410 {strides = array<i32>} : memref<256xf32, #tpu.memory_space<vmem>>, vector<16xf32>, vector<16xi1>
            %swap3A_1413 = arith.index_cast %add3A_1387 : i32 to index
            %swap3A_1414 = tpu.vector_load %arg7[%swap3A_1413] masked %or3A_1410 {strides = array<i32>} : memref<256xi32, #tpu.memory_space<vmem>>, vector<16xi32>, vector<16xi1>
            tpu.vector_store %arg7[%swap3A_1413], %get3A_1395 masked %or3A_1410 {strides = array<i32>} : memref<256xi32, #tpu.memory_space<vmem>>, vector<16xi32>, vector<16xi1>
            %all_reduce_population_count3A_1415 = tpu.all_reduce %or3A_1410 {dim = 0 : i64, kind = #tpu.reduction_kind<sum>} : vector<16xi1> -> vector<16xi32>
            %slice3A_1416 = vector.extract_strided_slice %all_reduce_population_count3A_1415 {offsets = [0], sizes = [1], strides = [1]} : vector<16xi32> to vector<1xi32>
            %squeeze3A_1417 = vector.extract %slice3A_1416[0] : i32 from vector<1xi32>
            %add3A_1418 = arith.addi %add3A_1387, %squeeze3A_1417 : i32
            %all_reduce_population_count3A_1419 = tpu.all_reduce %eq3A_1400 {dim = 0 : i64, kind = #tpu.reduction_kind<sum>} : vector<16xi1> -> vector<16xi32>
            %slice3A_1420 = vector.extract_strided_slice %all_reduce_population_count3A_1419 {offsets = [0], sizes = [1], strides = [1]} : vector<16xi32> to vector<1xi32>
            %squeeze3A_1421 = vector.extract %slice3A_1420[0] : i32 from vector<1xi32>
            %add3A_1422 = arith.addi %add3A_1391, %squeeze3A_1421 : i32
            %get3A_1423 = arith.constant 160 : index
            %get3A_1424 = tpu.vector_load %arg6[%get3A_1423] {strides = array<i32>} : memref<256xf32, #tpu.memory_space<vmem>>, vector<16xf32>,
            %get3A_1425 = arith.constant 160 : index
            %get3A_1426 = tpu.vector_load %arg7[%get3A_1425] {strides = array<i32>} : memref<256xi32, #tpu.memory_space<vmem>>, vector<16xi32>,
            %bitcast3A_1427 = vector.bitcast %get3A_1424 : vector<16xf32> to vector<16xi32>
            %broadcast_in_dim3A_1428 = vector.broadcast %scan3A_988#0 : i32 to vector<16xi32>
            %gt3A_1429 = arith.cmpi sgt, %bitcast3A_1427, %broadcast_in_dim3A_1428 : vector<16xi32>
            %broadcast_in_dim3A_1430 = vector.broadcast %scan3A_988#0 : i32 to vector<16xi32>
            %eq3A_1431 = arith.cmpi eq, %bitcast3A_1427, %broadcast_in_dim3A_1430 : vector<16xi32>
            %convert_element_type3A_1432 = arith.extui %eq3A_1431 : vector<16xi1> to vector<16xi32>
            %broadcast_in_dim3A_1433 = arith.constant true
            %broadcast_in_dim3A_1434 = vector.broadcast %broadcast_in_dim3A_1433 : i1 to vector<16xi1>
            %masked_cumsum3A_1435 = tpu.scan <sum>, %convert_element_type3A_1432 masked %broadcast_in_dim3A_1434 : vector<16xi32>, vector<16xi1> -> vector<16xi32>
            %broadcast_in_dim3A_1436 = vector.broadcast %add3A_1422 : i32 to vector<16xi32>
            %add3A_1437 = arith.addi %masked_cumsum3A_1435, %broadcast_in_dim3A_1436 : vector<16xi32>
            %broadcast_in_dim3A_1438 = vector.broadcast %sub3A_1107 : i32 to vector<16xi32>
            %le3A_1439 = arith.cmpi sle, %add3A_1437, %broadcast_in_dim3A_1438 : vector<16xi32>
            %and3A_1440 = arith.andi %eq3A_1431, %le3A_1439 : vector<16xi1>
            %or3A_1441 = arith.ori %gt3A_1429, %and3A_1440 : vector<16xi1>
            %swap3A_1442 = arith.index_cast %add3A_1418 : i32 to index
            %swap3A_1443 = tpu.vector_load %arg6[%swap3A_1442] masked %or3A_1441 {strides = array<i32>} : memref<256xf32, #tpu.memory_space<vmem>>, vector<16xf32>, vector<16xi1>
            tpu.vector_store %arg6[%swap3A_1442], %get3A_1424 masked %or3A_1441 {strides = array<i32>} : memref<256xf32, #tpu.memory_space<vmem>>, vector<16xf32>, vector<16xi1>
            %swap3A_1444 = arith.index_cast %add3A_1418 : i32 to index
            %swap3A_1445 = tpu.vector_load %arg7[%swap3A_1444] masked %or3A_1441 {strides = array<i32>} : memref<256xi32, #tpu.memory_space<vmem>>, vector<16xi32>, vector<16xi1>
            tpu.vector_store %arg7[%swap3A_1444], %get3A_1426 masked %or3A_1441 {strides = array<i32>} : memref<256xi32, #tpu.memory_space<vmem>>, vector<16xi32>, vector<16xi1>
            %all_reduce_population_count3A_1446 = tpu.all_reduce %or3A_1441 {dim = 0 : i64, kind = #tpu.reduction_kind<sum>} : vector<16xi1> -> vector<16xi32>
            %slice3A_1447 = vector.extract_strided_slice %all_reduce_population_count3A_1446 {offsets = [0], sizes = [1], strides = [1]} : vector<16xi32> to vector<1xi32>
            %squeeze3A_1448 = vector.extract %slice3A_1447[0] : i32 from vector<1xi32>
            %add3A_1449 = arith.addi %add3A_1418, %squeeze3A_1448 : i32
            %all_reduce_population_count3A_1450 = tpu.all_reduce %eq3A_1431 {dim = 0 : i64, kind = #tpu.reduction_kind<sum>} : vector<16xi1> -> vector<16xi32>
            %slice3A_1451 = vector.extract_strided_slice %all_reduce_population_count3A_1450 {offsets = [0], sizes = [1], strides = [1]} : vector<16xi32> to vector<1xi32>
            %squeeze3A_1452 = vector.extract %slice3A_1451[0] : i32 from vector<1xi32>
            %add3A_1453 = arith.addi %add3A_1422, %squeeze3A_1452 : i32
            %get3A_1454 = arith.constant 176 : index
            %get3A_1455 = tpu.vector_load %arg6[%get3A_1454] {strides = array<i32>} : memref<256xf32, #tpu.memory_space<vmem>>, vector<16xf32>,
            %get3A_1456 = arith.constant 176 : index
            %get3A_1457 = tpu.vector_load %arg7[%get3A_1456] {strides = array<i32>} : memref<256xi32, #tpu.memory_space<vmem>>, vector<16xi32>,
            %bitcast3A_1458 = vector.bitcast %get3A_1455 : vector<16xf32> to vector<16xi32>
            %broadcast_in_dim3A_1459 = vector.broadcast %scan3A_988#0 : i32 to vector<16xi32>
            %gt3A_1460 = arith.cmpi sgt, %bitcast3A_1458, %broadcast_in_dim3A_1459 : vector<16xi32>
            %broadcast_in_dim3A_1461 = vector.broadcast %scan3A_988#0 : i32 to vector<16xi32>
            %eq3A_1462 = arith.cmpi eq, %bitcast3A_1458, %broadcast_in_dim3A_1461 : vector<16xi32>
            %convert_element_type3A_1463 = arith.extui %eq3A_1462 : vector<16xi1> to vector<16xi32>
            %broadcast_in_dim3A_1464 = arith.constant true
            %broadcast_in_dim3A_1465 = vector.broadcast %broadcast_in_dim3A_1464 : i1 to vector<16xi1>
            %masked_cumsum3A_1466 = tpu.scan <sum>, %convert_element_type3A_1463 masked %broadcast_in_dim3A_1465 : vector<16xi32>, vector<16xi1> -> vector<16xi32>
            %broadcast_in_dim3A_1467 = vector.broadcast %add3A_1453 : i32 to vector<16xi32>
            %add3A_1468 = arith.addi %masked_cumsum3A_1466, %broadcast_in_dim3A_1467 : vector<16xi32>
            %broadcast_in_dim3A_1469 = vector.broadcast %sub3A_1107 : i32 to vector<16xi32>
            %le3A_1470 = arith.cmpi sle, %add3A_1468, %broadcast_in_dim3A_1469 : vector<16xi32>
            %and3A_1471 = arith.andi %eq3A_1462, %le3A_1470 : vector<16xi1>
            %or3A_1472 = arith.ori %gt3A_1460, %and3A_1471 : vector<16xi1>
            %swap3A_1473 = arith.index_cast %add3A_1449 : i32 to index
            %swap3A_1474 = tpu.vector_load %arg6[%swap3A_1473] masked %or3A_1472 {strides = array<i32>} : memref<256xf32, #tpu.memory_space<vmem>>, vector<16xf32>, vector<16xi1>
            tpu.vector_store %arg6[%swap3A_1473], %get3A_1455 masked %or3A_1472 {strides = array<i32>} : memref<256xf32, #tpu.memory_space<vmem>>, vector<16xf32>, vector<16xi1>
            %swap3A_1475 = arith.index_cast %add3A_1449 : i32 to index
            %swap3A_1476 = tpu.vector_load %arg7[%swap3A_1475] masked %or3A_1472 {strides = array<i32>} : memref<256xi32, #tpu.memory_space<vmem>>, vector<16xi32>, vector<16xi1>
            tpu.vector_store %arg7[%swap3A_1475], %get3A_1457 masked %or3A_1472 {strides = array<i32>} : memref<256xi32, #tpu.memory_space<vmem>>, vector<16xi32>, vector<16xi1>
            %all_reduce_population_count3A_1477 = tpu.all_reduce %or3A_1472 {dim = 0 : i64, kind = #tpu.reduction_kind<sum>} : vector<16xi1> -> vector<16xi32>
            %slice3A_1478 = vector.extract_strided_slice %all_reduce_population_count3A_1477 {offsets = [0], sizes = [1], strides = [1]} : vector<16xi32> to vector<1xi32>
            %squeeze3A_1479 = vector.extract %slice3A_1478[0] : i32 from vector<1xi32>
            %add3A_1480 = arith.addi %add3A_1449, %squeeze3A_1479 : i32
            %all_reduce_population_count3A_1481 = tpu.all_reduce %eq3A_1462 {dim = 0 : i64, kind = #tpu.reduction_kind<sum>} : vector<16xi1> -> vector<16xi32>
            %slice3A_1482 = vector.extract_strided_slice %all_reduce_population_count3A_1481 {offsets = [0], sizes = [1], strides = [1]} : vector<16xi32> to vector<1xi32>
            %squeeze3A_1483 = vector.extract %slice3A_1482[0] : i32 from vector<1xi32>
            %add3A_1484 = arith.addi %add3A_1453, %squeeze3A_1483 : i32
            %get3A_1485 = arith.constant 192 : index
            %get3A_1486 = tpu.vector_load %arg6[%get3A_1485] {strides = array<i32>} : memref<256xf32, #tpu.memory_space<vmem>>, vector<16xf32>,
            %get3A_1487 = arith.constant 192 : index
            %get3A_1488 = tpu.vector_load %arg7[%get3A_1487] {strides = array<i32>} : memref<256xi32, #tpu.memory_space<vmem>>, vector<16xi32>,
            %bitcast3A_1489 = vector.bitcast %get3A_1486 : vector<16xf32> to vector<16xi32>
            %broadcast_in_dim3A_1490 = vector.broadcast %scan3A_988#0 : i32 to vector<16xi32>
            %gt3A_1491 = arith.cmpi sgt, %bitcast3A_1489, %broadcast_in_dim3A_1490 : vector<16xi32>
            %broadcast_in_dim3A_1492 = vector.broadcast %scan3A_988#0 : i32 to vector<16xi32>
            %eq3A_1493 = arith.cmpi eq, %bitcast3A_1489, %broadcast_in_dim3A_1492 : vector<16xi32>
            %convert_element_type3A_1494 = arith.extui %eq3A_1493 : vector<16xi1> to vector<16xi32>
            %broadcast_in_dim3A_1495 = arith.constant true
            %broadcast_in_dim3A_1496 = vector.broadcast %broadcast_in_dim3A_1495 : i1 to vector<16xi1>
            %masked_cumsum3A_1497 = tpu.scan <sum>, %convert_element_type3A_1494 masked %broadcast_in_dim3A_1496 : vector<16xi32>, vector<16xi1> -> vector<16xi32>
            %broadcast_in_dim3A_1498 = vector.broadcast %add3A_1484 : i32 to vector<16xi32>
            %add3A_1499 = arith.addi %masked_cumsum3A_1497, %broadcast_in_dim3A_1498 : vector<16xi32>
            %broadcast_in_dim3A_1500 = vector.broadcast %sub3A_1107 : i32 to vector<16xi32>
            %le3A_1501 = arith.cmpi sle, %add3A_1499, %broadcast_in_dim3A_1500 : vector<16xi32>
            %and3A_1502 = arith.andi %eq3A_1493, %le3A_1501 : vector<16xi1>
            %or3A_1503 = arith.ori %gt3A_1491, %and3A_1502 : vector<16xi1>
            %swap3A_1504 = arith.index_cast %add3A_1480 : i32 to index
            %swap3A_1505 = tpu.vector_load %arg6[%swap3A_1504] masked %or3A_1503 {strides = array<i32>} : memref<256xf32, #tpu.memory_space<vmem>>, vector<16xf32>, vector<16xi1>
            tpu.vector_store %arg6[%swap3A_1504], %get3A_1486 masked %or3A_1503 {strides = array<i32>} : memref<256xf32, #tpu.memory_space<vmem>>, vector<16xf32>, vector<16xi1>
            %swap3A_1506 = arith.index_cast %add3A_1480 : i32 to index
            %swap3A_1507 = tpu.vector_load %arg7[%swap3A_1506] masked %or3A_1503 {strides = array<i32>} : memref<256xi32, #tpu.memory_space<vmem>>, vector<16xi32>, vector<16xi1>
            tpu.vector_store %arg7[%swap3A_1506], %get3A_1488 masked %or3A_1503 {strides = array<i32>} : memref<256xi32, #tpu.memory_space<vmem>>, vector<16xi32>, vector<16xi1>
            %all_reduce_population_count3A_1508 = tpu.all_reduce %or3A_1503 {dim = 0 : i64, kind = #tpu.reduction_kind<sum>} : vector<16xi1> -> vector<16xi32>
            %slice3A_1509 = vector.extract_strided_slice %all_reduce_population_count3A_1508 {offsets = [0], sizes = [1], strides = [1]} : vector<16xi32> to vector<1xi32>
            %squeeze3A_1510 = vector.extract %slice3A_1509[0] : i32 from vector<1xi32>
            %add3A_1511 = arith.addi %add3A_1480, %squeeze3A_1510 : i32
            %all_reduce_population_count3A_1512 = tpu.all_reduce %eq3A_1493 {dim = 0 : i64, kind = #tpu.reduction_kind<sum>} : vector<16xi1> -> vector<16xi32>
            %slice3A_1513 = vector.extract_strided_slice %all_reduce_population_count3A_1512 {offsets = [0], sizes = [1], strides = [1]} : vector<16xi32> to vector<1xi32>
            %squeeze3A_1514 = vector.extract %slice3A_1513[0] : i32 from vector<1xi32>
            %add3A_1515 = arith.addi %add3A_1484, %squeeze3A_1514 : i32
            %get3A_1516 = arith.constant 208 : index
            %get3A_1517 = tpu.vector_load %arg6[%get3A_1516] {strides = array<i32>} : memref<256xf32, #tpu.memory_space<vmem>>, vector<16xf32>,
            %get3A_1518 = arith.constant 208 : index
            %get3A_1519 = tpu.vector_load %arg7[%get3A_1518] {strides = array<i32>} : memref<256xi32, #tpu.memory_space<vmem>>, vector<16xi32>,
            %bitcast3A_1520 = vector.bitcast %get3A_1517 : vector<16xf32> to vector<16xi32>
            %broadcast_in_dim3A_1521 = vector.broadcast %scan3A_988#0 : i32 to vector<16xi32>
            %gt3A_1522 = arith.cmpi sgt, %bitcast3A_1520, %broadcast_in_dim3A_1521 : vector<16xi32>
            %broadcast_in_dim3A_1523 = vector.broadcast %scan3A_988#0 : i32 to vector<16xi32>
            %eq3A_1524 = arith.cmpi eq, %bitcast3A_1520, %broadcast_in_dim3A_1523 : vector<16xi32>
            %convert_element_type3A_1525 = arith.extui %eq3A_1524 : vector<16xi1> to vector<16xi32>
            %broadcast_in_dim3A_1526 = arith.constant true
            %broadcast_in_dim3A_1527 = vector.broadcast %broadcast_in_dim3A_1526 : i1 to vector<16xi1>
            %masked_cumsum3A_1528 = tpu.scan <sum>, %convert_element_type3A_1525 masked %broadcast_in_dim3A_1527 : vector<16xi32>, vector<16xi1> -> vector<16xi32>
            %broadcast_in_dim3A_1529 = vector.broadcast %add3A_1515 : i32 to vector<16xi32>
            %add3A_1530 = arith.addi %masked_cumsum3A_1528, %broadcast_in_dim3A_1529 : vector<16xi32>
            %broadcast_in_dim3A_1531 = vector.broadcast %sub3A_1107 : i32 to vector<16xi32>
            %le3A_1532 = arith.cmpi sle, %add3A_1530, %broadcast_in_dim3A_1531 : vector<16xi32>
            %and3A_1533 = arith.andi %eq3A_1524, %le3A_1532 : vector<16xi1>
            %or3A_1534 = arith.ori %gt3A_1522, %and3A_1533 : vector<16xi1>
            %swap3A_1535 = arith.index_cast %add3A_1511 : i32 to index
            %swap3A_1536 = tpu.vector_load %arg6[%swap3A_1535] masked %or3A_1534 {strides = array<i32>} : memref<256xf32, #tpu.memory_space<vmem>>, vector<16xf32>, vector<16xi1>
            tpu.vector_store %arg6[%swap3A_1535], %get3A_1517 masked %or3A_1534 {strides = array<i32>} : memref<256xf32, #tpu.memory_space<vmem>>, vector<16xf32>, vector<16xi1>
            %swap3A_1537 = arith.index_cast %add3A_1511 : i32 to index
            %swap3A_1538 = tpu.vector_load %arg7[%swap3A_1537] masked %or3A_1534 {strides = array<i32>} : memref<256xi32, #tpu.memory_space<vmem>>, vector<16xi32>, vector<16xi1>
            tpu.vector_store %arg7[%swap3A_1537], %get3A_1519 masked %or3A_1534 {strides = array<i32>} : memref<256xi32, #tpu.memory_space<vmem>>, vector<16xi32>, vector<16xi1>
            %all_reduce_population_count3A_1539 = tpu.all_reduce %or3A_1534 {dim = 0 : i64, kind = #tpu.reduction_kind<sum>} : vector<16xi1> -> vector<16xi32>
            %slice3A_1540 = vector.extract_strided_slice %all_reduce_population_count3A_1539 {offsets = [0], sizes = [1], strides = [1]} : vector<16xi32> to vector<1xi32>
            %squeeze3A_1541 = vector.extract %slice3A_1540[0] : i32 from vector<1xi32>
            %add3A_1542 = arith.addi %add3A_1511, %squeeze3A_1541 : i32
            %all_reduce_population_count3A_1543 = tpu.all_reduce %eq3A_1524 {dim = 0 : i64, kind = #tpu.reduction_kind<sum>} : vector<16xi1> -> vector<16xi32>
            %slice3A_1544 = vector.extract_strided_slice %all_reduce_population_count3A_1543 {offsets = [0], sizes = [1], strides = [1]} : vector<16xi32> to vector<1xi32>
            %squeeze3A_1545 = vector.extract %slice3A_1544[0] : i32 from vector<1xi32>
            %add3A_1546 = arith.addi %add3A_1515, %squeeze3A_1545 : i32
            %get3A_1547 = arith.constant 224 : index
            %get3A_1548 = tpu.vector_load %arg6[%get3A_1547] {strides = array<i32>} : memref<256xf32, #tpu.memory_space<vmem>>, vector<16xf32>,
            %get3A_1549 = arith.constant 224 : index
            %get3A_1550 = tpu.vector_load %arg7[%get3A_1549] {strides = array<i32>} : memref<256xi32, #tpu.memory_space<vmem>>, vector<16xi32>,
            %bitcast3A_1551 = vector.bitcast %get3A_1548 : vector<16xf32> to vector<16xi32>
            %broadcast_in_dim3A_1552 = vector.broadcast %scan3A_988#0 : i32 to vector<16xi32>
            %gt3A_1553 = arith.cmpi sgt, %bitcast3A_1551, %broadcast_in_dim3A_1552 : vector<16xi32>
            %broadcast_in_dim3A_1554 = vector.broadcast %scan3A_988#0 : i32 to vector<16xi32>
            %eq3A_1555 = arith.cmpi eq, %bitcast3A_1551, %broadcast_in_dim3A_1554 : vector<16xi32>
            %convert_element_type3A_1556 = arith.extui %eq3A_1555 : vector<16xi1> to vector<16xi32>
            %broadcast_in_dim3A_1557 = arith.constant true
            %broadcast_in_dim3A_1558 = vector.broadcast %broadcast_in_dim3A_1557 : i1 to vector<16xi1>
            %masked_cumsum3A_1559 = tpu.scan <sum>, %convert_element_type3A_1556 masked %broadcast_in_dim3A_1558 : vector<16xi32>, vector<16xi1> -> vector<16xi32>
            %broadcast_in_dim3A_1560 = vector.broadcast %add3A_1546 : i32 to vector<16xi32>
            %add3A_1561 = arith.addi %masked_cumsum3A_1559, %broadcast_in_dim3A_1560 : vector<16xi32>
            %broadcast_in_dim3A_1562 = vector.broadcast %sub3A_1107 : i32 to vector<16xi32>
            %le3A_1563 = arith.cmpi sle, %add3A_1561, %broadcast_in_dim3A_1562 : vector<16xi32>
            %and3A_1564 = arith.andi %eq3A_1555, %le3A_1563 : vector<16xi1>
            %or3A_1565 = arith.ori %gt3A_1553, %and3A_1564 : vector<16xi1>
            %swap3A_1566 = arith.index_cast %add3A_1542 : i32 to index
            %swap3A_1567 = tpu.vector_load %arg6[%swap3A_1566] masked %or3A_1565 {strides = array<i32>} : memref<256xf32, #tpu.memory_space<vmem>>, vector<16xf32>, vector<16xi1>
            tpu.vector_store %arg6[%swap3A_1566], %get3A_1548 masked %or3A_1565 {strides = array<i32>} : memref<256xf32, #tpu.memory_space<vmem>>, vector<16xf32>, vector<16xi1>
            %swap3A_1568 = arith.index_cast %add3A_1542 : i32 to index
            %swap3A_1569 = tpu.vector_load %arg7[%swap3A_1568] masked %or3A_1565 {strides = array<i32>} : memref<256xi32, #tpu.memory_space<vmem>>, vector<16xi32>, vector<16xi1>
            tpu.vector_store %arg7[%swap3A_1568], %get3A_1550 masked %or3A_1565 {strides = array<i32>} : memref<256xi32, #tpu.memory_space<vmem>>, vector<16xi32>, vector<16xi1>
            %all_reduce_population_count3A_1570 = tpu.all_reduce %or3A_1565 {dim = 0 : i64, kind = #tpu.reduction_kind<sum>} : vector<16xi1> -> vector<16xi32>
            %slice3A_1571 = vector.extract_strided_slice %all_reduce_population_count3A_1570 {offsets = [0], sizes = [1], strides = [1]} : vector<16xi32> to vector<1xi32>
            %squeeze3A_1572 = vector.extract %slice3A_1571[0] : i32 from vector<1xi32>
            %add3A_1573 = arith.addi %add3A_1542, %squeeze3A_1572 : i32
            %all_reduce_population_count3A_1574 = tpu.all_reduce %eq3A_1555 {dim = 0 : i64, kind = #tpu.reduction_kind<sum>} : vector<16xi1> -> vector<16xi32>
            %slice3A_1575 = vector.extract_strided_slice %all_reduce_population_count3A_1574 {offsets = [0], sizes = [1], strides = [1]} : vector<16xi32> to vector<1xi32>
            %squeeze3A_1576 = vector.extract %slice3A_1575[0] : i32 from vector<1xi32>
            %add3A_1577 = arith.addi %add3A_1546, %squeeze3A_1576 : i32
            %get3A_1578 = arith.constant 240 : index
            %get3A_1579 = tpu.vector_load %arg6[%get3A_1578] {strides = array<i32>} : memref<256xf32, #tpu.memory_space<vmem>>, vector<16xf32>,
            %get3A_1580 = arith.constant 240 : index
            %get3A_1581 = tpu.vector_load %arg7[%get3A_1580] {strides = array<i32>} : memref<256xi32, #tpu.memory_space<vmem>>, vector<16xi32>,
            %bitcast3A_1582 = vector.bitcast %get3A_1579 : vector<16xf32> to vector<16xi32>
            %broadcast_in_dim3A_1583 = vector.broadcast %scan3A_988#0 : i32 to vector<16xi32>
            %gt3A_1584 = arith.cmpi sgt, %bitcast3A_1582, %broadcast_in_dim3A_1583 : vector<16xi32>
            %broadcast_in_dim3A_1585 = vector.broadcast %scan3A_988#0 : i32 to vector<16xi32>
            %eq3A_1586 = arith.cmpi eq, %bitcast3A_1582, %broadcast_in_dim3A_1585 : vector<16xi32>
            %convert_element_type3A_1587 = arith.extui %eq3A_1586 : vector<16xi1> to vector<16xi32>
            %broadcast_in_dim3A_1588 = arith.constant true
            %broadcast_in_dim3A_1589 = vector.broadcast %broadcast_in_dim3A_1588 : i1 to vector<16xi1>
            %masked_cumsum3A_1590 = tpu.scan <sum>, %convert_element_type3A_1587 masked %broadcast_in_dim3A_1589 : vector<16xi32>, vector<16xi1> -> vector<16xi32>
            %broadcast_in_dim3A_1591 = vector.broadcast %add3A_1577 : i32 to vector<16xi32>
            %add3A_1592 = arith.addi %masked_cumsum3A_1590, %broadcast_in_dim3A_1591 : vector<16xi32>
            %broadcast_in_dim3A_1593 = vector.broadcast %sub3A_1107 : i32 to vector<16xi32>
            %le3A_1594 = arith.cmpi sle, %add3A_1592, %broadcast_in_dim3A_1593 : vector<16xi32>
            %and3A_1595 = arith.andi %eq3A_1586, %le3A_1594 : vector<16xi1>
            %or3A_1596 = arith.ori %gt3A_1584, %and3A_1595 : vector<16xi1>
            %swap3A_1597 = arith.index_cast %add3A_1573 : i32 to index
            %swap3A_1598 = tpu.vector_load %arg6[%swap3A_1597] masked %or3A_1596 {strides = array<i32>} : memref<256xf32, #tpu.memory_space<vmem>>, vector<16xf32>, vector<16xi1>
            tpu.vector_store %arg6[%swap3A_1597], %get3A_1579 masked %or3A_1596 {strides = array<i32>} : memref<256xf32, #tpu.memory_space<vmem>>, vector<16xf32>, vector<16xi1>
            %swap3A_1599 = arith.index_cast %add3A_1573 : i32 to index
            %swap3A_1600 = tpu.vector_load %arg7[%swap3A_1599] masked %or3A_1596 {strides = array<i32>} : memref<256xi32, #tpu.memory_space<vmem>>, vector<16xi32>, vector<16xi1>
            tpu.vector_store %arg7[%swap3A_1599], %get3A_1581 masked %or3A_1596 {strides = array<i32>} : memref<256xi32, #tpu.memory_space<vmem>>, vector<16xi32>, vector<16xi1>
            %all_reduce_population_count3A_1601 = tpu.all_reduce %or3A_1596 {dim = 0 : i64, kind = #tpu.reduction_kind<sum>} : vector<16xi1> -> vector<16xi32>
            %slice3A_1602 = vector.extract_strided_slice %all_reduce_population_count3A_1601 {offsets = [0], sizes = [1], strides = [1]} : vector<16xi32> to vector<1xi32>
            %squeeze3A_1603 = vector.extract %slice3A_1602[0] : i32 from vector<1xi32>
            %add3A_1604 = arith.addi %add3A_1573, %squeeze3A_1603 : i32
            %all_reduce_population_count3A_1605 = tpu.all_reduce %eq3A_1586 {dim = 0 : i64, kind = #tpu.reduction_kind<sum>} : vector<16xi1> -> vector<16xi32>
            %slice3A_1606 = vector.extract_strided_slice %all_reduce_population_count3A_1605 {offsets = [0], sizes = [1], strides = [1]} : vector<16xi32> to vector<1xi32>
            %squeeze3A_1607 = vector.extract %slice3A_1606[0] : i32 from vector<1xi32>
            %add3A_1608 = arith.addi %add3A_1577, %squeeze3A_1607 : i32
            %broadcast_in_dim3A_1609 = arith.constant 0.000000e+00 : f32
            %broadcast_in_dim3A_1610 = vector.broadcast %broadcast_in_dim3A_1609 : f32 to vector<16xf32>
            %swap3A_1611 = arith.constant 64 : index
            %swap3A_1612 = tpu.vector_load %arg6[%swap3A_1611] {strides = array<i32>} : memref<256xf32, #tpu.memory_space<vmem>>, vector<16xf32>,
            tpu.vector_store %arg6[%swap3A_1611], %broadcast_in_dim3A_1610 {strides = array<i32>} : memref<256xf32, #tpu.memory_space<vmem>>, vector<16xf32>,
            %swap3A_1613 = arith.constant 80 : index
            %swap3A_1614 = tpu.vector_load %arg6[%swap3A_1613] {strides = array<i32>} : memref<256xf32, #tpu.memory_space<vmem>>, vector<16xf32>,
            tpu.vector_store %arg6[%swap3A_1613], %broadcast_in_dim3A_1610 {strides = array<i32>} : memref<256xf32, #tpu.memory_space<vmem>>, vector<16xf32>,
            %swap3A_1615 = arith.constant 96 : index
            %swap3A_1616 = tpu.vector_load %arg6[%swap3A_1615] {strides = array<i32>} : memref<256xf32, #tpu.memory_space<vmem>>, vector<16xf32>,
            tpu.vector_store %arg6[%swap3A_1615], %broadcast_in_dim3A_1610 {strides = array<i32>} : memref<256xf32, #tpu.memory_space<vmem>>, vector<16xf32>,
            %swap3A_1617 = arith.constant 112 : index
            %swap3A_1618 = tpu.vector_load %arg6[%swap3A_1617] {strides = array<i32>} : memref<256xf32, #tpu.memory_space<vmem>>, vector<16xf32>,
            tpu.vector_store %arg6[%swap3A_1617], %broadcast_in_dim3A_1610 {strides = array<i32>} : memref<256xf32, #tpu.memory_space<vmem>>, vector<16xf32>,
            %swap3A_1619 = arith.constant 128 : index
            %swap3A_1620 = tpu.vector_load %arg6[%swap3A_1619] {strides = array<i32>} : memref<256xf32, #tpu.memory_space<vmem>>, vector<16xf32>,
            tpu.vector_store %arg6[%swap3A_1619], %broadcast_in_dim3A_1610 {strides = array<i32>} : memref<256xf32, #tpu.memory_space<vmem>>, vector<16xf32>,
            %swap3A_1621 = arith.constant 144 : index
            %swap3A_1622 = tpu.vector_load %arg6[%swap3A_1621] {strides = array<i32>} : memref<256xf32, #tpu.memory_space<vmem>>, vector<16xf32>,
            tpu.vector_store %arg6[%swap3A_1621], %broadcast_in_dim3A_1610 {strides = array<i32>} : memref<256xf32, #tpu.memory_space<vmem>>, vector<16xf32>,
            %swap3A_1623 = arith.constant 160 : index
            %swap3A_1624 = tpu.vector_load %arg6[%swap3A_1623] {strides = array<i32>} : memref<256xf32, #tpu.memory_space<vmem>>, vector<16xf32>,
            tpu.vector_store %arg6[%swap3A_1623], %broadcast_in_dim3A_1610 {strides = array<i32>} : memref<256xf32, #tpu.memory_space<vmem>>, vector<16xf32>,
            %swap3A_1625 = arith.constant 176 : index
            %swap3A_1626 = tpu.vector_load %arg6[%swap3A_1625] {strides = array<i32>} : memref<256xf32, #tpu.memory_space<vmem>>, vector<16xf32>,
            tpu.vector_store %arg6[%swap3A_1625], %broadcast_in_dim3A_1610 {strides = array<i32>} : memref<256xf32, #tpu.memory_space<vmem>>, vector<16xf32>,
            %swap3A_1627 = arith.constant 192 : index
            %swap3A_1628 = tpu.vector_load %arg6[%swap3A_1627] {strides = array<i32>} : memref<256xf32, #tpu.memory_space<vmem>>, vector<16xf32>,
            tpu.vector_store %arg6[%swap3A_1627], %broadcast_in_dim3A_1610 {strides = array<i32>} : memref<256xf32, #tpu.memory_space<vmem>>, vector<16xf32>,
            %swap3A_1629 = arith.constant 208 : index
            %swap3A_1630 = tpu.vector_load %arg6[%swap3A_1629] {strides = array<i32>} : memref<256xf32, #tpu.memory_space<vmem>>, vector<16xf32>,
            tpu.vector_store %arg6[%swap3A_1629], %broadcast_in_dim3A_1610 {strides = array<i32>} : memref<256xf32, #tpu.memory_space<vmem>>, vector<16xf32>,
            %swap3A_1631 = arith.constant 224 : index
            %swap3A_1632 = tpu.vector_load %arg6[%swap3A_1631] {strides = array<i32>} : memref<256xf32, #tpu.memory_space<vmem>>, vector<16xf32>,
            tpu.vector_store %arg6[%swap3A_1631], %broadcast_in_dim3A_1610 {strides = array<i32>} : memref<256xf32, #tpu.memory_space<vmem>>, vector<16xf32>,
            %swap3A_1633 = arith.constant 240 : index
            %swap3A_1634 = tpu.vector_load %arg6[%swap3A_1633] {strides = array<i32>} : memref<256xf32, #tpu.memory_space<vmem>>, vector<16xf32>,
            tpu.vector_store %arg6[%swap3A_1633], %broadcast_in_dim3A_1610 {strides = array<i32>} : memref<256xf32, #tpu.memory_space<vmem>>, vector<16xf32>,
            %bitcast_convert_type3A_1635 = arith.bitcast %scan3A_988#0 : i32 to f32
            %cond3A_1636 = arith.constant 64 : i32
            scf.yield %cond3A_1636, %bitcast_convert_type3A_1635 : i32, f32
          } else {
            scf.yield %add3A_975, %scan3A_699 : i32, f32
          }
          scf.yield %cond3A_981#0, %cond3A_981#1 : i32, f32
        } else {
          scf.yield %scan3A_698, %scan3A_699 : i32, f32
        }
        scf.yield %cond3A_769#0, %cond3A_769#1 : i32, f32
      }
      %scan3A_49 = arith.constant 800 : i32
      %scan3A_50 = arith.constant 0 : i32
      %scan3A_51 = arith.constant 1073741824 : i32
      %scan3A_52 = arith.constant 0 : i32
      %scan3A_53 = arith.constant 31 : i32
      %scan3A_54 = arith.addi %scan3A_52, %scan3A_53 : i32
      %scan3A_55 = arith.constant 1 : i32
      %scan3A_56:2 = scf.for %scan3A_697 = %scan3A_52 to %scan3A_54 step %scan3A_55 iter_args(%scan3A_698 = %scan3A_50, %scan3A_699 = %scan3A_51) -> (i32, i32)  : i32 {
        %sub3A_700 = arith.subi %scan3A_699, %scan3A_698 : i32
        %jit3A = arith.constant 2 : i32
        %div3A = arith.divsi %sub3A_700, %jit3A : i32
        %sign3A = arith.constant 0 : i32
        %sign3A_701 = arith.cmpi sgt, %sub3A_700, %sign3A : i32
        %sign3A_702 = arith.extui %sign3A_701 : i1 to i32
        %sign3A_703 = arith.constant 0 : i32
        %sign3A_704 = arith.cmpi slt, %sub3A_700, %sign3A_703 : i32
        %sign3A_705 = arith.extui %sign3A_704 : i1 to i32
        %sign3A_706 = arith.subi %sign3A_702, %sign3A_705 : i32
        %sign3A_707 = arith.constant 0 : i32
        %sign3A_708 = arith.cmpi sgt, %jit3A, %sign3A_707 : i32
        %sign3A_709 = arith.extui %sign3A_708 : i1 to i32
        %sign3A_710 = arith.constant 0 : i32
        %sign3A_711 = arith.cmpi slt, %jit3A, %sign3A_710 : i32
        %sign3A_712 = arith.extui %sign3A_711 : i1 to i32
        %sign3A_713 = arith.subi %sign3A_709, %sign3A_712 : i32
        %ne3A = arith.cmpi ne, %sign3A_706, %sign3A_713 : i32
        %rem3A = arith.remsi %sub3A_700, %jit3A : i32
        %ne3A_714 = arith.constant 0 : i32
        %ne3A_715 = arith.cmpi ne, %rem3A, %ne3A_714 : i32
        %and3A_716 = arith.andi %ne3A, %ne3A_715 : i1
        %sub3A_717 = arith.constant 1 : i32
        %sub3A_718 = arith.subi %div3A, %sub3A_717 : i32
        %select_n3A = arith.select %and3A_716, %sub3A_718, %div3A : i32
        %add3A_719 = arith.addi %scan3A_698, %select_n3A : i32
        %broadcast_in_dim3A_720 = arith.constant 0 : i32
        %broadcast_in_dim3A_721 = vector.broadcast %broadcast_in_dim3A_720 : i32 to vector<16xi32>
        %get3A_722 = arith.constant 0 : index
        %get3A_723 = tpu.vector_load %arg6[%get3A_722] {strides = array<i32>} : memref<256xf32, #tpu.memory_space<vmem>>, vector<16xf32>,
        %bitcast3A_724 = vector.bitcast %get3A_723 : vector<16xf32> to vector<16xi32>
        %broadcast_in_dim3A_725 = vector.broadcast %add3A_719 : i32 to vector<16xi32>
        %ge3A = arith.cmpi sge, %bitcast3A_724, %broadcast_in_dim3A_725 : vector<16xi32>
        %all_reduce_population_count3A_726 = tpu.all_reduce %ge3A {dim = 0 : i64, kind = #tpu.reduction_kind<sum>} : vector<16xi1> -> vector<16xi32>
        %add3A_727 = arith.addi %broadcast_in_dim3A_721, %all_reduce_population_count3A_726 : vector<16xi32>
        %get3A_728 = arith.constant 16 : index
        %get3A_729 = tpu.vector_load %arg6[%get3A_728] {strides = array<i32>} : memref<256xf32, #tpu.memory_space<vmem>>, vector<16xf32>,
        %bitcast3A_730 = vector.bitcast %get3A_729 : vector<16xf32> to vector<16xi32>
        %broadcast_in_dim3A_731 = vector.broadcast %add3A_719 : i32 to vector<16xi32>
        %ge3A_732 = arith.cmpi sge, %bitcast3A_730, %broadcast_in_dim3A_731 : vector<16xi32>
        %all_reduce_population_count3A_733 = tpu.all_reduce %ge3A_732 {dim = 0 : i64, kind = #tpu.reduction_kind<sum>} : vector<16xi1> -> vector<16xi32>
        %add3A_734 = arith.addi %add3A_727, %all_reduce_population_count3A_733 : vector<16xi32>
        %get3A_735 = arith.constant 32 : index
        %get3A_736 = tpu.vector_load %arg6[%get3A_735] {strides = array<i32>} : memref<256xf32, #tpu.memory_space<vmem>>, vector<16xf32>,
        %bitcast3A_737 = vector.bitcast %get3A_736 : vector<16xf32> to vector<16xi32>
        %broadcast_in_dim3A_738 = vector.broadcast %add3A_719 : i32 to vector<16xi32>
        %ge3A_739 = arith.cmpi sge, %bitcast3A_737, %broadcast_in_dim3A_738 : vector<16xi32>
        %all_reduce_population_count3A_740 = tpu.all_reduce %ge3A_739 {dim = 0 : i64, kind = #tpu.reduction_kind<sum>} : vector<16xi1> -> vector<16xi32>
        %add3A_741 = arith.addi %add3A_734, %all_reduce_population_count3A_740 : vector<16xi32>
        %get3A_742 = arith.constant 48 : index
        %get3A_743 = tpu.vector_load %arg6[%get3A_742] {strides = array<i32>} : memref<256xf32, #tpu.memory_space<vmem>>, vector<16xf32>,
        %bitcast3A_744 = vector.bitcast %get3A_743 : vector<16xf32> to vector<16xi32>
        %broadcast_in_dim3A_745 = vector.broadcast %add3A_719 : i32 to vector<16xi32>
        %ge3A_746 = arith.cmpi sge, %bitcast3A_744, %broadcast_in_dim3A_745 : vector<16xi32>
        %all_reduce_population_count3A_747 = tpu.all_reduce %ge3A_746 {dim = 0 : i64, kind = #tpu.reduction_kind<sum>} : vector<16xi1> -> vector<16xi32>
        %add3A_748 = arith.addi %add3A_741, %all_reduce_population_count3A_747 : vector<16xi32>
        %get3A_749 = arith.constant 64 : index
        %get3A_750 = tpu.vector_load %arg6[%get3A_749] {strides = array<i32>} : memref<256xf32, #tpu.memory_space<vmem>>, vector<16xf32>,
        %bitcast3A_751 = vector.bitcast %get3A_750 : vector<16xf32> to vector<16xi32>
        %broadcast_in_dim3A_752 = vector.broadcast %add3A_719 : i32 to vector<16xi32>
        %ge3A_753 = arith.cmpi sge, %bitcast3A_751, %broadcast_in_dim3A_752 : vector<16xi32>
        %all_reduce_population_count3A_754 = tpu.all_reduce %ge3A_753 {dim = 0 : i64, kind = #tpu.reduction_kind<sum>} : vector<16xi1> -> vector<16xi32>
        %add3A_755 = arith.addi %add3A_748, %all_reduce_population_count3A_754 : vector<16xi32>
        %get3A_756 = arith.constant 80 : index
        %get3A_757 = tpu.vector_load %arg6[%get3A_756] {strides = array<i32>} : memref<256xf32, #tpu.memory_space<vmem>>, vector<16xf32>,
        %bitcast3A_758 = vector.bitcast %get3A_757 : vector<16xf32> to vector<16xi32>
        %broadcast_in_dim3A_759 = vector.broadcast %add3A_719 : i32 to vector<16xi32>
        %ge3A_760 = arith.cmpi sge, %bitcast3A_758, %broadcast_in_dim3A_759 : vector<16xi32>
        %all_reduce_population_count3A_761 = tpu.all_reduce %ge3A_760 {dim = 0 : i64, kind = #tpu.reduction_kind<sum>} : vector<16xi1> -> vector<16xi32>
        %add3A_762 = arith.addi %add3A_755, %all_reduce_population_count3A_761 : vector<16xi32>
        %get3A_763 = arith.constant 96 : index
        %get3A_764 = tpu.vector_load %arg6[%get3A_763] {strides = array<i32>} : memref<256xf32, #tpu.memory_space<vmem>>, vector<16xf32>,
        %bitcast3A_765 = vector.bitcast %get3A_764 : vector<16xf32> to vector<16xi32>
        %broadcast_in_dim3A_766 = vector.broadcast %add3A_719 : i32 to vector<16xi32>
        %ge3A_767 = arith.cmpi sge, %bitcast3A_765, %broadcast_in_dim3A_766 : vector<16xi32>
        %all_reduce_population_count3A_768 = tpu.all_reduce %ge3A_767 {dim = 0 : i64, kind = #tpu.reduction_kind<sum>} : vector<16xi1> -> vector<16xi32>
        %add3A_769 = arith.addi %add3A_762, %all_reduce_population_count3A_768 : vector<16xi32>
        %get3A_770 = arith.constant 112 : index
        %get3A_771 = tpu.vector_load %arg6[%get3A_770] {strides = array<i32>} : memref<256xf32, #tpu.memory_space<vmem>>, vector<16xf32>,
        %bitcast3A_772 = vector.bitcast %get3A_771 : vector<16xf32> to vector<16xi32>
        %broadcast_in_dim3A_773 = vector.broadcast %add3A_719 : i32 to vector<16xi32>
        %ge3A_774 = arith.cmpi sge, %bitcast3A_772, %broadcast_in_dim3A_773 : vector<16xi32>
        %all_reduce_population_count3A_775 = tpu.all_reduce %ge3A_774 {dim = 0 : i64, kind = #tpu.reduction_kind<sum>} : vector<16xi1> -> vector<16xi32>
        %add3A_776 = arith.addi %add3A_769, %all_reduce_population_count3A_775 : vector<16xi32>
        %get3A_777 = arith.constant 128 : index
        %get3A_778 = tpu.vector_load %arg6[%get3A_777] {strides = array<i32>} : memref<256xf32, #tpu.memory_space<vmem>>, vector<16xf32>,
        %bitcast3A_779 = vector.bitcast %get3A_778 : vector<16xf32> to vector<16xi32>
        %broadcast_in_dim3A_780 = vector.broadcast %add3A_719 : i32 to vector<16xi32>
        %ge3A_781 = arith.cmpi sge, %bitcast3A_779, %broadcast_in_dim3A_780 : vector<16xi32>
        %all_reduce_population_count3A_782 = tpu.all_reduce %ge3A_781 {dim = 0 : i64, kind = #tpu.reduction_kind<sum>} : vector<16xi1> -> vector<16xi32>
        %add3A_783 = arith.addi %add3A_776, %all_reduce_population_count3A_782 : vector<16xi32>
        %get3A_784 = arith.constant 144 : index
        %get3A_785 = tpu.vector_load %arg6[%get3A_784] {strides = array<i32>} : memref<256xf32, #tpu.memory_space<vmem>>, vector<16xf32>,
        %bitcast3A_786 = vector.bitcast %get3A_785 : vector<16xf32> to vector<16xi32>
        %broadcast_in_dim3A_787 = vector.broadcast %add3A_719 : i32 to vector<16xi32>
        %ge3A_788 = arith.cmpi sge, %bitcast3A_786, %broadcast_in_dim3A_787 : vector<16xi32>
        %all_reduce_population_count3A_789 = tpu.all_reduce %ge3A_788 {dim = 0 : i64, kind = #tpu.reduction_kind<sum>} : vector<16xi1> -> vector<16xi32>
        %add3A_790 = arith.addi %add3A_783, %all_reduce_population_count3A_789 : vector<16xi32>
        %get3A_791 = arith.constant 160 : index
        %get3A_792 = tpu.vector_load %arg6[%get3A_791] {strides = array<i32>} : memref<256xf32, #tpu.memory_space<vmem>>, vector<16xf32>,
        %bitcast3A_793 = vector.bitcast %get3A_792 : vector<16xf32> to vector<16xi32>
        %broadcast_in_dim3A_794 = vector.broadcast %add3A_719 : i32 to vector<16xi32>
        %ge3A_795 = arith.cmpi sge, %bitcast3A_793, %broadcast_in_dim3A_794 : vector<16xi32>
        %all_reduce_population_count3A_796 = tpu.all_reduce %ge3A_795 {dim = 0 : i64, kind = #tpu.reduction_kind<sum>} : vector<16xi1> -> vector<16xi32>
        %add3A_797 = arith.addi %add3A_790, %all_reduce_population_count3A_796 : vector<16xi32>
        %get3A_798 = arith.constant 176 : index
        %get3A_799 = tpu.vector_load %arg6[%get3A_798] {strides = array<i32>} : memref<256xf32, #tpu.memory_space<vmem>>, vector<16xf32>,
        %bitcast3A_800 = vector.bitcast %get3A_799 : vector<16xf32> to vector<16xi32>
        %broadcast_in_dim3A_801 = vector.broadcast %add3A_719 : i32 to vector<16xi32>
        %ge3A_802 = arith.cmpi sge, %bitcast3A_800, %broadcast_in_dim3A_801 : vector<16xi32>
        %all_reduce_population_count3A_803 = tpu.all_reduce %ge3A_802 {dim = 0 : i64, kind = #tpu.reduction_kind<sum>} : vector<16xi1> -> vector<16xi32>
        %add3A_804 = arith.addi %add3A_797, %all_reduce_population_count3A_803 : vector<16xi32>
        %get3A_805 = arith.constant 192 : index
        %get3A_806 = tpu.vector_load %arg6[%get3A_805] {strides = array<i32>} : memref<256xf32, #tpu.memory_space<vmem>>, vector<16xf32>,
        %bitcast3A_807 = vector.bitcast %get3A_806 : vector<16xf32> to vector<16xi32>
        %broadcast_in_dim3A_808 = vector.broadcast %add3A_719 : i32 to vector<16xi32>
        %ge3A_809 = arith.cmpi sge, %bitcast3A_807, %broadcast_in_dim3A_808 : vector<16xi32>
        %all_reduce_population_count3A_810 = tpu.all_reduce %ge3A_809 {dim = 0 : i64, kind = #tpu.reduction_kind<sum>} : vector<16xi1> -> vector<16xi32>
        %add3A_811 = arith.addi %add3A_804, %all_reduce_population_count3A_810 : vector<16xi32>
        %get3A_812 = arith.constant 208 : index
        %get3A_813 = tpu.vector_load %arg6[%get3A_812] {strides = array<i32>} : memref<256xf32, #tpu.memory_space<vmem>>, vector<16xf32>,
        %bitcast3A_814 = vector.bitcast %get3A_813 : vector<16xf32> to vector<16xi32>
        %broadcast_in_dim3A_815 = vector.broadcast %add3A_719 : i32 to vector<16xi32>
        %ge3A_816 = arith.cmpi sge, %bitcast3A_814, %broadcast_in_dim3A_815 : vector<16xi32>
        %all_reduce_population_count3A_817 = tpu.all_reduce %ge3A_816 {dim = 0 : i64, kind = #tpu.reduction_kind<sum>} : vector<16xi1> -> vector<16xi32>
        %add3A_818 = arith.addi %add3A_811, %all_reduce_population_count3A_817 : vector<16xi32>
        %get3A_819 = arith.constant 224 : index
        %get3A_820 = tpu.vector_load %arg6[%get3A_819] {strides = array<i32>} : memref<256xf32, #tpu.memory_space<vmem>>, vector<16xf32>,
        %bitcast3A_821 = vector.bitcast %get3A_820 : vector<16xf32> to vector<16xi32>
        %broadcast_in_dim3A_822 = vector.broadcast %add3A_719 : i32 to vector<16xi32>
        %ge3A_823 = arith.cmpi sge, %bitcast3A_821, %broadcast_in_dim3A_822 : vector<16xi32>
        %all_reduce_population_count3A_824 = tpu.all_reduce %ge3A_823 {dim = 0 : i64, kind = #tpu.reduction_kind<sum>} : vector<16xi1> -> vector<16xi32>
        %add3A_825 = arith.addi %add3A_818, %all_reduce_population_count3A_824 : vector<16xi32>
        %get3A_826 = arith.constant 240 : index
        %get3A_827 = tpu.vector_load %arg6[%get3A_826] {strides = array<i32>} : memref<256xf32, #tpu.memory_space<vmem>>, vector<16xf32>,
        %bitcast3A_828 = vector.bitcast %get3A_827 : vector<16xf32> to vector<16xi32>
        %broadcast_in_dim3A_829 = vector.broadcast %add3A_719 : i32 to vector<16xi32>
        %ge3A_830 = arith.cmpi sge, %bitcast3A_828, %broadcast_in_dim3A_829 : vector<16xi32>
        %all_reduce_population_count3A_831 = tpu.all_reduce %ge3A_830 {dim = 0 : i64, kind = #tpu.reduction_kind<sum>} : vector<16xi1> -> vector<16xi32>
        %add3A_832 = arith.addi %add3A_825, %all_reduce_population_count3A_831 : vector<16xi32>
        %slice3A_833 = vector.extract_strided_slice %add3A_832 {offsets = [0], sizes = [1], strides = [1]} : vector<16xi32> to vector<1xi32>
        %squeeze3A_834 = vector.extract %slice3A_833[0] : i32 from vector<1xi32>
        %ge3A_835 = arith.constant 64 : i32
        %ge3A_836 = arith.cmpi sge, %squeeze3A_834, %ge3A_835 : i32
        %convert_element_type3A_837 = arith.extui %ge3A_836 : i1 to i32
        %cond3A = arith.constant 0 : i32
        %cond3A_838 = arith.cmpi ne, %convert_element_type3A_837, %cond3A : i32
        %cond3A_839:2 = scf.if %cond3A_838 -> (i32, i32) {
          scf.yield %add3A_719, %scan3A_699 : i32, i32
        } else {
          scf.yield %scan3A_698, %add3A_719 : i32, i32
        }
        scf.yield %cond3A_839#0, %cond3A_839#1 : i32, i32
      }
      %scan3A_57 = arith.constant 31 : i32
      %broadcast_in_dim3A_58 = arith.constant 0 : i32
      %broadcast_in_dim3A_59 = vector.broadcast %broadcast_in_dim3A_58 : i32 to vector<16xi32>
      %get3A = arith.constant 0 : index
      %get3A_60 = tpu.vector_load %arg6[%get3A] {strides = array<i32>} : memref<256xf32, #tpu.memory_space<vmem>>, vector<16xf32>,
      %bitcast3A = vector.bitcast %get3A_60 : vector<16xf32> to vector<16xi32>
      %broadcast_in_dim3A_61 = vector.broadcast %scan3A_56#0 : i32 to vector<16xi32>
      %gt3A = arith.cmpi sgt, %bitcast3A, %broadcast_in_dim3A_61 : vector<16xi32>
      %all_reduce_population_count3A = tpu.all_reduce %gt3A {dim = 0 : i64, kind = #tpu.reduction_kind<sum>} : vector<16xi1> -> vector<16xi32>
      %add3A_62 = arith.addi %broadcast_in_dim3A_59, %all_reduce_population_count3A : vector<16xi32>
      %get3A_63 = arith.constant 16 : index
      %get3A_64 = tpu.vector_load %arg6[%get3A_63] {strides = array<i32>} : memref<256xf32, #tpu.memory_space<vmem>>, vector<16xf32>,
      %bitcast3A_65 = vector.bitcast %get3A_64 : vector<16xf32> to vector<16xi32>
      %broadcast_in_dim3A_66 = vector.broadcast %scan3A_56#0 : i32 to vector<16xi32>
      %gt3A_67 = arith.cmpi sgt, %bitcast3A_65, %broadcast_in_dim3A_66 : vector<16xi32>
      %all_reduce_population_count3A_68 = tpu.all_reduce %gt3A_67 {dim = 0 : i64, kind = #tpu.reduction_kind<sum>} : vector<16xi1> -> vector<16xi32>
      %add3A_69 = arith.addi %add3A_62, %all_reduce_population_count3A_68 : vector<16xi32>
      %get3A_70 = arith.constant 32 : index
      %get3A_71 = tpu.vector_load %arg6[%get3A_70] {strides = array<i32>} : memref<256xf32, #tpu.memory_space<vmem>>, vector<16xf32>,
      %bitcast3A_72 = vector.bitcast %get3A_71 : vector<16xf32> to vector<16xi32>
      %broadcast_in_dim3A_73 = vector.broadcast %scan3A_56#0 : i32 to vector<16xi32>
      %gt3A_74 = arith.cmpi sgt, %bitcast3A_72, %broadcast_in_dim3A_73 : vector<16xi32>
      %all_reduce_population_count3A_75 = tpu.all_reduce %gt3A_74 {dim = 0 : i64, kind = #tpu.reduction_kind<sum>} : vector<16xi1> -> vector<16xi32>
      %add3A_76 = arith.addi %add3A_69, %all_reduce_population_count3A_75 : vector<16xi32>
      %get3A_77 = arith.constant 48 : index
      %get3A_78 = tpu.vector_load %arg6[%get3A_77] {strides = array<i32>} : memref<256xf32, #tpu.memory_space<vmem>>, vector<16xf32>,
      %bitcast3A_79 = vector.bitcast %get3A_78 : vector<16xf32> to vector<16xi32>
      %broadcast_in_dim3A_80 = vector.broadcast %scan3A_56#0 : i32 to vector<16xi32>
      %gt3A_81 = arith.cmpi sgt, %bitcast3A_79, %broadcast_in_dim3A_80 : vector<16xi32>
      %all_reduce_population_count3A_82 = tpu.all_reduce %gt3A_81 {dim = 0 : i64, kind = #tpu.reduction_kind<sum>} : vector<16xi1> -> vector<16xi32>
      %add3A_83 = arith.addi %add3A_76, %all_reduce_population_count3A_82 : vector<16xi32>
      %get3A_84 = arith.constant 64 : index
      %get3A_85 = tpu.vector_load %arg6[%get3A_84] {strides = array<i32>} : memref<256xf32, #tpu.memory_space<vmem>>, vector<16xf32>,
      %bitcast3A_86 = vector.bitcast %get3A_85 : vector<16xf32> to vector<16xi32>
      %broadcast_in_dim3A_87 = vector.broadcast %scan3A_56#0 : i32 to vector<16xi32>
      %gt3A_88 = arith.cmpi sgt, %bitcast3A_86, %broadcast_in_dim3A_87 : vector<16xi32>
      %all_reduce_population_count3A_89 = tpu.all_reduce %gt3A_88 {dim = 0 : i64, kind = #tpu.reduction_kind<sum>} : vector<16xi1> -> vector<16xi32>
      %add3A_90 = arith.addi %add3A_83, %all_reduce_population_count3A_89 : vector<16xi32>
      %get3A_91 = arith.constant 80 : index
      %get3A_92 = tpu.vector_load %arg6[%get3A_91] {strides = array<i32>} : memref<256xf32, #tpu.memory_space<vmem>>, vector<16xf32>,
      %bitcast3A_93 = vector.bitcast %get3A_92 : vector<16xf32> to vector<16xi32>
      %broadcast_in_dim3A_94 = vector.broadcast %scan3A_56#0 : i32 to vector<16xi32>
      %gt3A_95 = arith.cmpi sgt, %bitcast3A_93, %broadcast_in_dim3A_94 : vector<16xi32>
      %all_reduce_population_count3A_96 = tpu.all_reduce %gt3A_95 {dim = 0 : i64, kind = #tpu.reduction_kind<sum>} : vector<16xi1> -> vector<16xi32>
      %add3A_97 = arith.addi %add3A_90, %all_reduce_population_count3A_96 : vector<16xi32>
      %get3A_98 = arith.constant 96 : index
      %get3A_99 = tpu.vector_load %arg6[%get3A_98] {strides = array<i32>} : memref<256xf32, #tpu.memory_space<vmem>>, vector<16xf32>,
      %bitcast3A_100 = vector.bitcast %get3A_99 : vector<16xf32> to vector<16xi32>
      %broadcast_in_dim3A_101 = vector.broadcast %scan3A_56#0 : i32 to vector<16xi32>
      %gt3A_102 = arith.cmpi sgt, %bitcast3A_100, %broadcast_in_dim3A_101 : vector<16xi32>
      %all_reduce_population_count3A_103 = tpu.all_reduce %gt3A_102 {dim = 0 : i64, kind = #tpu.reduction_kind<sum>} : vector<16xi1> -> vector<16xi32>
      %add3A_104 = arith.addi %add3A_97, %all_reduce_population_count3A_103 : vector<16xi32>
      %get3A_105 = arith.constant 112 : index
      %get3A_106 = tpu.vector_load %arg6[%get3A_105] {strides = array<i32>} : memref<256xf32, #tpu.memory_space<vmem>>, vector<16xf32>,
      %bitcast3A_107 = vector.bitcast %get3A_106 : vector<16xf32> to vector<16xi32>
      %broadcast_in_dim3A_108 = vector.broadcast %scan3A_56#0 : i32 to vector<16xi32>
      %gt3A_109 = arith.cmpi sgt, %bitcast3A_107, %broadcast_in_dim3A_108 : vector<16xi32>
      %all_reduce_population_count3A_110 = tpu.all_reduce %gt3A_109 {dim = 0 : i64, kind = #tpu.reduction_kind<sum>} : vector<16xi1> -> vector<16xi32>
      %add3A_111 = arith.addi %add3A_104, %all_reduce_population_count3A_110 : vector<16xi32>
      %get3A_112 = arith.constant 128 : index
      %get3A_113 = tpu.vector_load %arg6[%get3A_112] {strides = array<i32>} : memref<256xf32, #tpu.memory_space<vmem>>, vector<16xf32>,
      %bitcast3A_114 = vector.bitcast %get3A_113 : vector<16xf32> to vector<16xi32>
      %broadcast_in_dim3A_115 = vector.broadcast %scan3A_56#0 : i32 to vector<16xi32>
      %gt3A_116 = arith.cmpi sgt, %bitcast3A_114, %broadcast_in_dim3A_115 : vector<16xi32>
      %all_reduce_population_count3A_117 = tpu.all_reduce %gt3A_116 {dim = 0 : i64, kind = #tpu.reduction_kind<sum>} : vector<16xi1> -> vector<16xi32>
      %add3A_118 = arith.addi %add3A_111, %all_reduce_population_count3A_117 : vector<16xi32>
      %get3A_119 = arith.constant 144 : index
      %get3A_120 = tpu.vector_load %arg6[%get3A_119] {strides = array<i32>} : memref<256xf32, #tpu.memory_space<vmem>>, vector<16xf32>,
      %bitcast3A_121 = vector.bitcast %get3A_120 : vector<16xf32> to vector<16xi32>
      %broadcast_in_dim3A_122 = vector.broadcast %scan3A_56#0 : i32 to vector<16xi32>
      %gt3A_123 = arith.cmpi sgt, %bitcast3A_121, %broadcast_in_dim3A_122 : vector<16xi32>
      %all_reduce_population_count3A_124 = tpu.all_reduce %gt3A_123 {dim = 0 : i64, kind = #tpu.reduction_kind<sum>} : vector<16xi1> -> vector<16xi32>
      %add3A_125 = arith.addi %add3A_118, %all_reduce_population_count3A_124 : vector<16xi32>
      %get3A_126 = arith.constant 160 : index
      %get3A_127 = tpu.vector_load %arg6[%get3A_126] {strides = array<i32>} : memref<256xf32, #tpu.memory_space<vmem>>, vector<16xf32>,
      %bitcast3A_128 = vector.bitcast %get3A_127 : vector<16xf32> to vector<16xi32>
      %broadcast_in_dim3A_129 = vector.broadcast %scan3A_56#0 : i32 to vector<16xi32>
      %gt3A_130 = arith.cmpi sgt, %bitcast3A_128, %broadcast_in_dim3A_129 : vector<16xi32>
      %all_reduce_population_count3A_131 = tpu.all_reduce %gt3A_130 {dim = 0 : i64, kind = #tpu.reduction_kind<sum>} : vector<16xi1> -> vector<16xi32>
      %add3A_132 = arith.addi %add3A_125, %all_reduce_population_count3A_131 : vector<16xi32>
      %get3A_133 = arith.constant 176 : index
      %get3A_134 = tpu.vector_load %arg6[%get3A_133] {strides = array<i32>} : memref<256xf32, #tpu.memory_space<vmem>>, vector<16xf32>,
      %bitcast3A_135 = vector.bitcast %get3A_134 : vector<16xf32> to vector<16xi32>
      %broadcast_in_dim3A_136 = vector.broadcast %scan3A_56#0 : i32 to vector<16xi32>
      %gt3A_137 = arith.cmpi sgt, %bitcast3A_135, %broadcast_in_dim3A_136 : vector<16xi32>
      %all_reduce_population_count3A_138 = tpu.all_reduce %gt3A_137 {dim = 0 : i64, kind = #tpu.reduction_kind<sum>} : vector<16xi1> -> vector<16xi32>
      %add3A_139 = arith.addi %add3A_132, %all_reduce_population_count3A_138 : vector<16xi32>
      %get3A_140 = arith.constant 192 : index
      %get3A_141 = tpu.vector_load %arg6[%get3A_140] {strides = array<i32>} : memref<256xf32, #tpu.memory_space<vmem>>, vector<16xf32>,
      %bitcast3A_142 = vector.bitcast %get3A_141 : vector<16xf32> to vector<16xi32>
      %broadcast_in_dim3A_143 = vector.broadcast %scan3A_56#0 : i32 to vector<16xi32>
      %gt3A_144 = arith.cmpi sgt, %bitcast3A_142, %broadcast_in_dim3A_143 : vector<16xi32>
      %all_reduce_population_count3A_145 = tpu.all_reduce %gt3A_144 {dim = 0 : i64, kind = #tpu.reduction_kind<sum>} : vector<16xi1> -> vector<16xi32>
      %add3A_146 = arith.addi %add3A_139, %all_reduce_population_count3A_145 : vector<16xi32>
      %get3A_147 = arith.constant 208 : index
      %get3A_148 = tpu.vector_load %arg6[%get3A_147] {strides = array<i32>} : memref<256xf32, #tpu.memory_space<vmem>>, vector<16xf32>,
      %bitcast3A_149 = vector.bitcast %get3A_148 : vector<16xf32> to vector<16xi32>
      %broadcast_in_dim3A_150 = vector.broadcast %scan3A_56#0 : i32 to vector<16xi32>
      %gt3A_151 = arith.cmpi sgt, %bitcast3A_149, %broadcast_in_dim3A_150 : vector<16xi32>
      %all_reduce_population_count3A_152 = tpu.all_reduce %gt3A_151 {dim = 0 : i64, kind = #tpu.reduction_kind<sum>} : vector<16xi1> -> vector<16xi32>
      %add3A_153 = arith.addi %add3A_146, %all_reduce_population_count3A_152 : vector<16xi32>
      %get3A_154 = arith.constant 224 : index
      %get3A_155 = tpu.vector_load %arg6[%get3A_154] {strides = array<i32>} : memref<256xf32, #tpu.memory_space<vmem>>, vector<16xf32>,
      %bitcast3A_156 = vector.bitcast %get3A_155 : vector<16xf32> to vector<16xi32>
      %broadcast_in_dim3A_157 = vector.broadcast %scan3A_56#0 : i32 to vector<16xi32>
      %gt3A_158 = arith.cmpi sgt, %bitcast3A_156, %broadcast_in_dim3A_157 : vector<16xi32>
      %all_reduce_population_count3A_159 = tpu.all_reduce %gt3A_158 {dim = 0 : i64, kind = #tpu.reduction_kind<sum>} : vector<16xi1> -> vector<16xi32>
      %add3A_160 = arith.addi %add3A_153, %all_reduce_population_count3A_159 : vector<16xi32>
      %get3A_161 = arith.constant 240 : index
      %get3A_162 = tpu.vector_load %arg6[%get3A_161] {strides = array<i32>} : memref<256xf32, #tpu.memory_space<vmem>>, vector<16xf32>,
      %bitcast3A_163 = vector.bitcast %get3A_162 : vector<16xf32> to vector<16xi32>
      %broadcast_in_dim3A_164 = vector.broadcast %scan3A_56#0 : i32 to vector<16xi32>
      %gt3A_165 = arith.cmpi sgt, %bitcast3A_163, %broadcast_in_dim3A_164 : vector<16xi32>
      %all_reduce_population_count3A_166 = tpu.all_reduce %gt3A_165 {dim = 0 : i64, kind = #tpu.reduction_kind<sum>} : vector<16xi1> -> vector<16xi32>
      %add3A_167 = arith.addi %add3A_160, %all_reduce_population_count3A_166 : vector<16xi32>
      %slice3A = vector.extract_strided_slice %add3A_167 {offsets = [0], sizes = [1], strides = [1]} : vector<16xi32> to vector<1xi32>
      %squeeze3A = vector.extract %slice3A[0] : i32 from vector<1xi32>
      %sub3A = arith.constant 64 : i32
      %sub3A_168 = arith.subi %sub3A, %squeeze3A : i32
      %get3A_169 = arith.constant 0 : index
      %get3A_170 = tpu.vector_load %arg6[%get3A_169] {strides = array<i32>} : memref<256xf32, #tpu.memory_space<vmem>>, vector<16xf32>,
      %get3A_171 = arith.constant 0 : index
      %get3A_172 = tpu.vector_load %arg7[%get3A_171] {strides = array<i32>} : memref<256xi32, #tpu.memory_space<vmem>>, vector<16xi32>,
      %bitcast3A_173 = vector.bitcast %get3A_170 : vector<16xf32> to vector<16xi32>
      %broadcast_in_dim3A_174 = vector.broadcast %scan3A_56#0 : i32 to vector<16xi32>
      %gt3A_175 = arith.cmpi sgt, %bitcast3A_173, %broadcast_in_dim3A_174 : vector<16xi32>
      %broadcast_in_dim3A_176 = vector.broadcast %scan3A_56#0 : i32 to vector<16xi32>
      %eq3A = arith.cmpi eq, %bitcast3A_173, %broadcast_in_dim3A_176 : vector<16xi32>
      %convert_element_type3A = arith.extui %eq3A : vector<16xi1> to vector<16xi32>
      %broadcast_in_dim3A_177 = arith.constant true
      %broadcast_in_dim3A_178 = vector.broadcast %broadcast_in_dim3A_177 : i1 to vector<16xi1>
      %masked_cumsum3A = tpu.scan <sum>, %convert_element_type3A masked %broadcast_in_dim3A_178 : vector<16xi32>, vector<16xi1> -> vector<16xi32>
      %broadcast_in_dim3A_179 = arith.constant 0 : i32
      %broadcast_in_dim3A_180 = vector.broadcast %broadcast_in_dim3A_179 : i32 to vector<16xi32>
      %add3A_181 = arith.addi %masked_cumsum3A, %broadcast_in_dim3A_180 : vector<16xi32>
      %broadcast_in_dim3A_182 = vector.broadcast %sub3A_168 : i32 to vector<16xi32>
      %le3A = arith.cmpi sle, %add3A_181, %broadcast_in_dim3A_182 : vector<16xi32>
      %and3A = arith.andi %eq3A, %le3A : vector<16xi1>
      %or3A = arith.ori %gt3A_175, %and3A : vector<16xi1>
      %swap3A_183 = arith.constant 0 : i32
      %swap3A_184 = arith.index_cast %swap3A_183 : i32 to index
      %swap3A_185 = tpu.vector_load %arg6[%swap3A_184] masked %or3A {strides = array<i32>} : memref<256xf32, #tpu.memory_space<vmem>>, vector<16xf32>, vector<16xi1>
      tpu.vector_store %arg6[%swap3A_184], %get3A_170 masked %or3A {strides = array<i32>} : memref<256xf32, #tpu.memory_space<vmem>>, vector<16xf32>, vector<16xi1>
      %swap3A_186 = arith.constant 0 : i32
      %swap3A_187 = arith.index_cast %swap3A_186 : i32 to index
      %swap3A_188 = tpu.vector_load %arg7[%swap3A_187] masked %or3A {strides = array<i32>} : memref<256xi32, #tpu.memory_space<vmem>>, vector<16xi32>, vector<16xi1>
      tpu.vector_store %arg7[%swap3A_187], %get3A_172 masked %or3A {strides = array<i32>} : memref<256xi32, #tpu.memory_space<vmem>>, vector<16xi32>, vector<16xi1>
      %all_reduce_population_count3A_189 = tpu.all_reduce %or3A {dim = 0 : i64, kind = #tpu.reduction_kind<sum>} : vector<16xi1> -> vector<16xi32>
      %slice3A_190 = vector.extract_strided_slice %all_reduce_population_count3A_189 {offsets = [0], sizes = [1], strides = [1]} : vector<16xi32> to vector<1xi32>
      %squeeze3A_191 = vector.extract %slice3A_190[0] : i32 from vector<1xi32>
      %add3A_192 = arith.constant 0 : i32
      %add3A_193 = arith.addi %add3A_192, %squeeze3A_191 : i32
      %all_reduce_population_count3A_194 = tpu.all_reduce %eq3A {dim = 0 : i64, kind = #tpu.reduction_kind<sum>} : vector<16xi1> -> vector<16xi32>
      %slice3A_195 = vector.extract_strided_slice %all_reduce_population_count3A_194 {offsets = [0], sizes = [1], strides = [1]} : vector<16xi32> to vector<1xi32>
      %squeeze3A_196 = vector.extract %slice3A_195[0] : i32 from vector<1xi32>
      %add3A_197 = arith.constant 0 : i32
      %add3A_198 = arith.addi %add3A_197, %squeeze3A_196 : i32
      %get3A_199 = arith.constant 16 : index
      %get3A_200 = tpu.vector_load %arg6[%get3A_199] {strides = array<i32>} : memref<256xf32, #tpu.memory_space<vmem>>, vector<16xf32>,
      %get3A_201 = arith.constant 16 : index
      %get3A_202 = tpu.vector_load %arg7[%get3A_201] {strides = array<i32>} : memref<256xi32, #tpu.memory_space<vmem>>, vector<16xi32>,
      %bitcast3A_203 = vector.bitcast %get3A_200 : vector<16xf32> to vector<16xi32>
      %broadcast_in_dim3A_204 = vector.broadcast %scan3A_56#0 : i32 to vector<16xi32>
      %gt3A_205 = arith.cmpi sgt, %bitcast3A_203, %broadcast_in_dim3A_204 : vector<16xi32>
      %broadcast_in_dim3A_206 = vector.broadcast %scan3A_56#0 : i32 to vector<16xi32>
      %eq3A_207 = arith.cmpi eq, %bitcast3A_203, %broadcast_in_dim3A_206 : vector<16xi32>
      %convert_element_type3A_208 = arith.extui %eq3A_207 : vector<16xi1> to vector<16xi32>
      %broadcast_in_dim3A_209 = arith.constant true
      %broadcast_in_dim3A_210 = vector.broadcast %broadcast_in_dim3A_209 : i1 to vector<16xi1>
      %masked_cumsum3A_211 = tpu.scan <sum>, %convert_element_type3A_208 masked %broadcast_in_dim3A_210 : vector<16xi32>, vector<16xi1> -> vector<16xi32>
      %broadcast_in_dim3A_212 = vector.broadcast %add3A_198 : i32 to vector<16xi32>
      %add3A_213 = arith.addi %masked_cumsum3A_211, %broadcast_in_dim3A_212 : vector<16xi32>
      %broadcast_in_dim3A_214 = vector.broadcast %sub3A_168 : i32 to vector<16xi32>
      %le3A_215 = arith.cmpi sle, %add3A_213, %broadcast_in_dim3A_214 : vector<16xi32>
      %and3A_216 = arith.andi %eq3A_207, %le3A_215 : vector<16xi1>
      %or3A_217 = arith.ori %gt3A_205, %and3A_216 : vector<16xi1>
      %swap3A_218 = arith.index_cast %add3A_193 : i32 to index
      %swap3A_219 = tpu.vector_load %arg6[%swap3A_218] masked %or3A_217 {strides = array<i32>} : memref<256xf32, #tpu.memory_space<vmem>>, vector<16xf32>, vector<16xi1>
      tpu.vector_store %arg6[%swap3A_218], %get3A_200 masked %or3A_217 {strides = array<i32>} : memref<256xf32, #tpu.memory_space<vmem>>, vector<16xf32>, vector<16xi1>
      %swap3A_220 = arith.index_cast %add3A_193 : i32 to index
      %swap3A_221 = tpu.vector_load %arg7[%swap3A_220] masked %or3A_217 {strides = array<i32>} : memref<256xi32, #tpu.memory_space<vmem>>, vector<16xi32>, vector<16xi1>
      tpu.vector_store %arg7[%swap3A_220], %get3A_202 masked %or3A_217 {strides = array<i32>} : memref<256xi32, #tpu.memory_space<vmem>>, vector<16xi32>, vector<16xi1>
      %all_reduce_population_count3A_222 = tpu.all_reduce %or3A_217 {dim = 0 : i64, kind = #tpu.reduction_kind<sum>} : vector<16xi1> -> vector<16xi32>
      %slice3A_223 = vector.extract_strided_slice %all_reduce_population_count3A_222 {offsets = [0], sizes = [1], strides = [1]} : vector<16xi32> to vector<1xi32>
      %squeeze3A_224 = vector.extract %slice3A_223[0] : i32 from vector<1xi32>
      %add3A_225 = arith.addi %add3A_193, %squeeze3A_224 : i32
      %all_reduce_population_count3A_226 = tpu.all_reduce %eq3A_207 {dim = 0 : i64, kind = #tpu.reduction_kind<sum>} : vector<16xi1> -> vector<16xi32>
      %slice3A_227 = vector.extract_strided_slice %all_reduce_population_count3A_226 {offsets = [0], sizes = [1], strides = [1]} : vector<16xi32> to vector<1xi32>
      %squeeze3A_228 = vector.extract %slice3A_227[0] : i32 from vector<1xi32>
      %add3A_229 = arith.addi %add3A_198, %squeeze3A_228 : i32
      %get3A_230 = arith.constant 32 : index
      %get3A_231 = tpu.vector_load %arg6[%get3A_230] {strides = array<i32>} : memref<256xf32, #tpu.memory_space<vmem>>, vector<16xf32>,
      %get3A_232 = arith.constant 32 : index
      %get3A_233 = tpu.vector_load %arg7[%get3A_232] {strides = array<i32>} : memref<256xi32, #tpu.memory_space<vmem>>, vector<16xi32>,
      %bitcast3A_234 = vector.bitcast %get3A_231 : vector<16xf32> to vector<16xi32>
      %broadcast_in_dim3A_235 = vector.broadcast %scan3A_56#0 : i32 to vector<16xi32>
      %gt3A_236 = arith.cmpi sgt, %bitcast3A_234, %broadcast_in_dim3A_235 : vector<16xi32>
      %broadcast_in_dim3A_237 = vector.broadcast %scan3A_56#0 : i32 to vector<16xi32>
      %eq3A_238 = arith.cmpi eq, %bitcast3A_234, %broadcast_in_dim3A_237 : vector<16xi32>
      %convert_element_type3A_239 = arith.extui %eq3A_238 : vector<16xi1> to vector<16xi32>
      %broadcast_in_dim3A_240 = arith.constant true
      %broadcast_in_dim3A_241 = vector.broadcast %broadcast_in_dim3A_240 : i1 to vector<16xi1>
      %masked_cumsum3A_242 = tpu.scan <sum>, %convert_element_type3A_239 masked %broadcast_in_dim3A_241 : vector<16xi32>, vector<16xi1> -> vector<16xi32>
      %broadcast_in_dim3A_243 = vector.broadcast %add3A_229 : i32 to vector<16xi32>
      %add3A_244 = arith.addi %masked_cumsum3A_242, %broadcast_in_dim3A_243 : vector<16xi32>
      %broadcast_in_dim3A_245 = vector.broadcast %sub3A_168 : i32 to vector<16xi32>
      %le3A_246 = arith.cmpi sle, %add3A_244, %broadcast_in_dim3A_245 : vector<16xi32>
      %and3A_247 = arith.andi %eq3A_238, %le3A_246 : vector<16xi1>
      %or3A_248 = arith.ori %gt3A_236, %and3A_247 : vector<16xi1>
      %swap3A_249 = arith.index_cast %add3A_225 : i32 to index
      %swap3A_250 = tpu.vector_load %arg6[%swap3A_249] masked %or3A_248 {strides = array<i32>} : memref<256xf32, #tpu.memory_space<vmem>>, vector<16xf32>, vector<16xi1>
      tpu.vector_store %arg6[%swap3A_249], %get3A_231 masked %or3A_248 {strides = array<i32>} : memref<256xf32, #tpu.memory_space<vmem>>, vector<16xf32>, vector<16xi1>
      %swap3A_251 = arith.index_cast %add3A_225 : i32 to index
      %swap3A_252 = tpu.vector_load %arg7[%swap3A_251] masked %or3A_248 {strides = array<i32>} : memref<256xi32, #tpu.memory_space<vmem>>, vector<16xi32>, vector<16xi1>
      tpu.vector_store %arg7[%swap3A_251], %get3A_233 masked %or3A_248 {strides = array<i32>} : memref<256xi32, #tpu.memory_space<vmem>>, vector<16xi32>, vector<16xi1>
      %all_reduce_population_count3A_253 = tpu.all_reduce %or3A_248 {dim = 0 : i64, kind = #tpu.reduction_kind<sum>} : vector<16xi1> -> vector<16xi32>
      %slice3A_254 = vector.extract_strided_slice %all_reduce_population_count3A_253 {offsets = [0], sizes = [1], strides = [1]} : vector<16xi32> to vector<1xi32>
      %squeeze3A_255 = vector.extract %slice3A_254[0] : i32 from vector<1xi32>
      %add3A_256 = arith.addi %add3A_225, %squeeze3A_255 : i32
      %all_reduce_population_count3A_257 = tpu.all_reduce %eq3A_238 {dim = 0 : i64, kind = #tpu.reduction_kind<sum>} : vector<16xi1> -> vector<16xi32>
      %slice3A_258 = vector.extract_strided_slice %all_reduce_population_count3A_257 {offsets = [0], sizes = [1], strides = [1]} : vector<16xi32> to vector<1xi32>
      %squeeze3A_259 = vector.extract %slice3A_258[0] : i32 from vector<1xi32>
      %add3A_260 = arith.addi %add3A_229, %squeeze3A_259 : i32
      %get3A_261 = arith.constant 48 : index
      %get3A_262 = tpu.vector_load %arg6[%get3A_261] {strides = array<i32>} : memref<256xf32, #tpu.memory_space<vmem>>, vector<16xf32>,
      %get3A_263 = arith.constant 48 : index
      %get3A_264 = tpu.vector_load %arg7[%get3A_263] {strides = array<i32>} : memref<256xi32, #tpu.memory_space<vmem>>, vector<16xi32>,
      %bitcast3A_265 = vector.bitcast %get3A_262 : vector<16xf32> to vector<16xi32>
      %broadcast_in_dim3A_266 = vector.broadcast %scan3A_56#0 : i32 to vector<16xi32>
      %gt3A_267 = arith.cmpi sgt, %bitcast3A_265, %broadcast_in_dim3A_266 : vector<16xi32>
      %broadcast_in_dim3A_268 = vector.broadcast %scan3A_56#0 : i32 to vector<16xi32>
      %eq3A_269 = arith.cmpi eq, %bitcast3A_265, %broadcast_in_dim3A_268 : vector<16xi32>
      %convert_element_type3A_270 = arith.extui %eq3A_269 : vector<16xi1> to vector<16xi32>
      %broadcast_in_dim3A_271 = arith.constant true
      %broadcast_in_dim3A_272 = vector.broadcast %broadcast_in_dim3A_271 : i1 to vector<16xi1>
      %masked_cumsum3A_273 = tpu.scan <sum>, %convert_element_type3A_270 masked %broadcast_in_dim3A_272 : vector<16xi32>, vector<16xi1> -> vector<16xi32>
      %broadcast_in_dim3A_274 = vector.broadcast %add3A_260 : i32 to vector<16xi32>
      %add3A_275 = arith.addi %masked_cumsum3A_273, %broadcast_in_dim3A_274 : vector<16xi32>
      %broadcast_in_dim3A_276 = vector.broadcast %sub3A_168 : i32 to vector<16xi32>
      %le3A_277 = arith.cmpi sle, %add3A_275, %broadcast_in_dim3A_276 : vector<16xi32>
      %and3A_278 = arith.andi %eq3A_269, %le3A_277 : vector<16xi1>
      %or3A_279 = arith.ori %gt3A_267, %and3A_278 : vector<16xi1>
      %swap3A_280 = arith.index_cast %add3A_256 : i32 to index
      %swap3A_281 = tpu.vector_load %arg6[%swap3A_280] masked %or3A_279 {strides = array<i32>} : memref<256xf32, #tpu.memory_space<vmem>>, vector<16xf32>, vector<16xi1>
      tpu.vector_store %arg6[%swap3A_280], %get3A_262 masked %or3A_279 {strides = array<i32>} : memref<256xf32, #tpu.memory_space<vmem>>, vector<16xf32>, vector<16xi1>
      %swap3A_282 = arith.index_cast %add3A_256 : i32 to index
      %swap3A_283 = tpu.vector_load %arg7[%swap3A_282] masked %or3A_279 {strides = array<i32>} : memref<256xi32, #tpu.memory_space<vmem>>, vector<16xi32>, vector<16xi1>
      tpu.vector_store %arg7[%swap3A_282], %get3A_264 masked %or3A_279 {strides = array<i32>} : memref<256xi32, #tpu.memory_space<vmem>>, vector<16xi32>, vector<16xi1>
      %all_reduce_population_count3A_284 = tpu.all_reduce %or3A_279 {dim = 0 : i64, kind = #tpu.reduction_kind<sum>} : vector<16xi1> -> vector<16xi32>
      %slice3A_285 = vector.extract_strided_slice %all_reduce_population_count3A_284 {offsets = [0], sizes = [1], strides = [1]} : vector<16xi32> to vector<1xi32>
      %squeeze3A_286 = vector.extract %slice3A_285[0] : i32 from vector<1xi32>
      %add3A_287 = arith.addi %add3A_256, %squeeze3A_286 : i32
      %all_reduce_population_count3A_288 = tpu.all_reduce %eq3A_269 {dim = 0 : i64, kind = #tpu.reduction_kind<sum>} : vector<16xi1> -> vector<16xi32>
      %slice3A_289 = vector.extract_strided_slice %all_reduce_population_count3A_288 {offsets = [0], sizes = [1], strides = [1]} : vector<16xi32> to vector<1xi32>
      %squeeze3A_290 = vector.extract %slice3A_289[0] : i32 from vector<1xi32>
      %add3A_291 = arith.addi %add3A_260, %squeeze3A_290 : i32
      %get3A_292 = arith.constant 64 : index
      %get3A_293 = tpu.vector_load %arg6[%get3A_292] {strides = array<i32>} : memref<256xf32, #tpu.memory_space<vmem>>, vector<16xf32>,
      %get3A_294 = arith.constant 64 : index
      %get3A_295 = tpu.vector_load %arg7[%get3A_294] {strides = array<i32>} : memref<256xi32, #tpu.memory_space<vmem>>, vector<16xi32>,
      %bitcast3A_296 = vector.bitcast %get3A_293 : vector<16xf32> to vector<16xi32>
      %broadcast_in_dim3A_297 = vector.broadcast %scan3A_56#0 : i32 to vector<16xi32>
      %gt3A_298 = arith.cmpi sgt, %bitcast3A_296, %broadcast_in_dim3A_297 : vector<16xi32>
      %broadcast_in_dim3A_299 = vector.broadcast %scan3A_56#0 : i32 to vector<16xi32>
      %eq3A_300 = arith.cmpi eq, %bitcast3A_296, %broadcast_in_dim3A_299 : vector<16xi32>
      %convert_element_type3A_301 = arith.extui %eq3A_300 : vector<16xi1> to vector<16xi32>
      %broadcast_in_dim3A_302 = arith.constant true
      %broadcast_in_dim3A_303 = vector.broadcast %broadcast_in_dim3A_302 : i1 to vector<16xi1>
      %masked_cumsum3A_304 = tpu.scan <sum>, %convert_element_type3A_301 masked %broadcast_in_dim3A_303 : vector<16xi32>, vector<16xi1> -> vector<16xi32>
      %broadcast_in_dim3A_305 = vector.broadcast %add3A_291 : i32 to vector<16xi32>
      %add3A_306 = arith.addi %masked_cumsum3A_304, %broadcast_in_dim3A_305 : vector<16xi32>
      %broadcast_in_dim3A_307 = vector.broadcast %sub3A_168 : i32 to vector<16xi32>
      %le3A_308 = arith.cmpi sle, %add3A_306, %broadcast_in_dim3A_307 : vector<16xi32>
      %and3A_309 = arith.andi %eq3A_300, %le3A_308 : vector<16xi1>
      %or3A_310 = arith.ori %gt3A_298, %and3A_309 : vector<16xi1>
      %swap3A_311 = arith.index_cast %add3A_287 : i32 to index
      %swap3A_312 = tpu.vector_load %arg6[%swap3A_311] masked %or3A_310 {strides = array<i32>} : memref<256xf32, #tpu.memory_space<vmem>>, vector<16xf32>, vector<16xi1>
      tpu.vector_store %arg6[%swap3A_311], %get3A_293 masked %or3A_310 {strides = array<i32>} : memref<256xf32, #tpu.memory_space<vmem>>, vector<16xf32>, vector<16xi1>
      %swap3A_313 = arith.index_cast %add3A_287 : i32 to index
      %swap3A_314 = tpu.vector_load %arg7[%swap3A_313] masked %or3A_310 {strides = array<i32>} : memref<256xi32, #tpu.memory_space<vmem>>, vector<16xi32>, vector<16xi1>
      tpu.vector_store %arg7[%swap3A_313], %get3A_295 masked %or3A_310 {strides = array<i32>} : memref<256xi32, #tpu.memory_space<vmem>>, vector<16xi32>, vector<16xi1>
      %all_reduce_population_count3A_315 = tpu.all_reduce %or3A_310 {dim = 0 : i64, kind = #tpu.reduction_kind<sum>} : vector<16xi1> -> vector<16xi32>
      %slice3A_316 = vector.extract_strided_slice %all_reduce_population_count3A_315 {offsets = [0], sizes = [1], strides = [1]} : vector<16xi32> to vector<1xi32>
      %squeeze3A_317 = vector.extract %slice3A_316[0] : i32 from vector<1xi32>
      %add3A_318 = arith.addi %add3A_287, %squeeze3A_317 : i32
      %all_reduce_population_count3A_319 = tpu.all_reduce %eq3A_300 {dim = 0 : i64, kind = #tpu.reduction_kind<sum>} : vector<16xi1> -> vector<16xi32>
      %slice3A_320 = vector.extract_strided_slice %all_reduce_population_count3A_319 {offsets = [0], sizes = [1], strides = [1]} : vector<16xi32> to vector<1xi32>
      %squeeze3A_321 = vector.extract %slice3A_320[0] : i32 from vector<1xi32>
      %add3A_322 = arith.addi %add3A_291, %squeeze3A_321 : i32
      %get3A_323 = arith.constant 80 : index
      %get3A_324 = tpu.vector_load %arg6[%get3A_323] {strides = array<i32>} : memref<256xf32, #tpu.memory_space<vmem>>, vector<16xf32>,
      %get3A_325 = arith.constant 80 : index
      %get3A_326 = tpu.vector_load %arg7[%get3A_325] {strides = array<i32>} : memref<256xi32, #tpu.memory_space<vmem>>, vector<16xi32>,
      %bitcast3A_327 = vector.bitcast %get3A_324 : vector<16xf32> to vector<16xi32>
      %broadcast_in_dim3A_328 = vector.broadcast %scan3A_56#0 : i32 to vector<16xi32>
      %gt3A_329 = arith.cmpi sgt, %bitcast3A_327, %broadcast_in_dim3A_328 : vector<16xi32>
      %broadcast_in_dim3A_330 = vector.broadcast %scan3A_56#0 : i32 to vector<16xi32>
      %eq3A_331 = arith.cmpi eq, %bitcast3A_327, %broadcast_in_dim3A_330 : vector<16xi32>
      %convert_element_type3A_332 = arith.extui %eq3A_331 : vector<16xi1> to vector<16xi32>
      %broadcast_in_dim3A_333 = arith.constant true
      %broadcast_in_dim3A_334 = vector.broadcast %broadcast_in_dim3A_333 : i1 to vector<16xi1>
      %masked_cumsum3A_335 = tpu.scan <sum>, %convert_element_type3A_332 masked %broadcast_in_dim3A_334 : vector<16xi32>, vector<16xi1> -> vector<16xi32>
      %broadcast_in_dim3A_336 = vector.broadcast %add3A_322 : i32 to vector<16xi32>
      %add3A_337 = arith.addi %masked_cumsum3A_335, %broadcast_in_dim3A_336 : vector<16xi32>
      %broadcast_in_dim3A_338 = vector.broadcast %sub3A_168 : i32 to vector<16xi32>
      %le3A_339 = arith.cmpi sle, %add3A_337, %broadcast_in_dim3A_338 : vector<16xi32>
      %and3A_340 = arith.andi %eq3A_331, %le3A_339 : vector<16xi1>
      %or3A_341 = arith.ori %gt3A_329, %and3A_340 : vector<16xi1>
      %swap3A_342 = arith.index_cast %add3A_318 : i32 to index
      %swap3A_343 = tpu.vector_load %arg6[%swap3A_342] masked %or3A_341 {strides = array<i32>} : memref<256xf32, #tpu.memory_space<vmem>>, vector<16xf32>, vector<16xi1>
      tpu.vector_store %arg6[%swap3A_342], %get3A_324 masked %or3A_341 {strides = array<i32>} : memref<256xf32, #tpu.memory_space<vmem>>, vector<16xf32>, vector<16xi1>
      %swap3A_344 = arith.index_cast %add3A_318 : i32 to index
      %swap3A_345 = tpu.vector_load %arg7[%swap3A_344] masked %or3A_341 {strides = array<i32>} : memref<256xi32, #tpu.memory_space<vmem>>, vector<16xi32>, vector<16xi1>
      tpu.vector_store %arg7[%swap3A_344], %get3A_326 masked %or3A_341 {strides = array<i32>} : memref<256xi32, #tpu.memory_space<vmem>>, vector<16xi32>, vector<16xi1>
      %all_reduce_population_count3A_346 = tpu.all_reduce %or3A_341 {dim = 0 : i64, kind = #tpu.reduction_kind<sum>} : vector<16xi1> -> vector<16xi32>
      %slice3A_347 = vector.extract_strided_slice %all_reduce_population_count3A_346 {offsets = [0], sizes = [1], strides = [1]} : vector<16xi32> to vector<1xi32>
      %squeeze3A_348 = vector.extract %slice3A_347[0] : i32 from vector<1xi32>
      %add3A_349 = arith.addi %add3A_318, %squeeze3A_348 : i32
      %all_reduce_population_count3A_350 = tpu.all_reduce %eq3A_331 {dim = 0 : i64, kind = #tpu.reduction_kind<sum>} : vector<16xi1> -> vector<16xi32>
      %slice3A_351 = vector.extract_strided_slice %all_reduce_population_count3A_350 {offsets = [0], sizes = [1], strides = [1]} : vector<16xi32> to vector<1xi32>
      %squeeze3A_352 = vector.extract %slice3A_351[0] : i32 from vector<1xi32>
      %add3A_353 = arith.addi %add3A_322, %squeeze3A_352 : i32
      %get3A_354 = arith.constant 96 : index
      %get3A_355 = tpu.vector_load %arg6[%get3A_354] {strides = array<i32>} : memref<256xf32, #tpu.memory_space<vmem>>, vector<16xf32>,
      %get3A_356 = arith.constant 96 : index
      %get3A_357 = tpu.vector_load %arg7[%get3A_356] {strides = array<i32>} : memref<256xi32, #tpu.memory_space<vmem>>, vector<16xi32>,
      %bitcast3A_358 = vector.bitcast %get3A_355 : vector<16xf32> to vector<16xi32>
      %broadcast_in_dim3A_359 = vector.broadcast %scan3A_56#0 : i32 to vector<16xi32>
      %gt3A_360 = arith.cmpi sgt, %bitcast3A_358, %broadcast_in_dim3A_359 : vector<16xi32>
      %broadcast_in_dim3A_361 = vector.broadcast %scan3A_56#0 : i32 to vector<16xi32>
      %eq3A_362 = arith.cmpi eq, %bitcast3A_358, %broadcast_in_dim3A_361 : vector<16xi32>
      %convert_element_type3A_363 = arith.extui %eq3A_362 : vector<16xi1> to vector<16xi32>
      %broadcast_in_dim3A_364 = arith.constant true
      %broadcast_in_dim3A_365 = vector.broadcast %broadcast_in_dim3A_364 : i1 to vector<16xi1>
      %masked_cumsum3A_366 = tpu.scan <sum>, %convert_element_type3A_363 masked %broadcast_in_dim3A_365 : vector<16xi32>, vector<16xi1> -> vector<16xi32>
      %broadcast_in_dim3A_367 = vector.broadcast %add3A_353 : i32 to vector<16xi32>
      %add3A_368 = arith.addi %masked_cumsum3A_366, %broadcast_in_dim3A_367 : vector<16xi32>
      %broadcast_in_dim3A_369 = vector.broadcast %sub3A_168 : i32 to vector<16xi32>
      %le3A_370 = arith.cmpi sle, %add3A_368, %broadcast_in_dim3A_369 : vector<16xi32>
      %and3A_371 = arith.andi %eq3A_362, %le3A_370 : vector<16xi1>
      %or3A_372 = arith.ori %gt3A_360, %and3A_371 : vector<16xi1>
      %swap3A_373 = arith.index_cast %add3A_349 : i32 to index
      %swap3A_374 = tpu.vector_load %arg6[%swap3A_373] masked %or3A_372 {strides = array<i32>} : memref<256xf32, #tpu.memory_space<vmem>>, vector<16xf32>, vector<16xi1>
      tpu.vector_store %arg6[%swap3A_373], %get3A_355 masked %or3A_372 {strides = array<i32>} : memref<256xf32, #tpu.memory_space<vmem>>, vector<16xf32>, vector<16xi1>
      %swap3A_375 = arith.index_cast %add3A_349 : i32 to index
      %swap3A_376 = tpu.vector_load %arg7[%swap3A_375] masked %or3A_372 {strides = array<i32>} : memref<256xi32, #tpu.memory_space<vmem>>, vector<16xi32>, vector<16xi1>
      tpu.vector_store %arg7[%swap3A_375], %get3A_357 masked %or3A_372 {strides = array<i32>} : memref<256xi32, #tpu.memory_space<vmem>>, vector<16xi32>, vector<16xi1>
      %all_reduce_population_count3A_377 = tpu.all_reduce %or3A_372 {dim = 0 : i64, kind = #tpu.reduction_kind<sum>} : vector<16xi1> -> vector<16xi32>
      %slice3A_378 = vector.extract_strided_slice %all_reduce_population_count3A_377 {offsets = [0], sizes = [1], strides = [1]} : vector<16xi32> to vector<1xi32>
      %squeeze3A_379 = vector.extract %slice3A_378[0] : i32 from vector<1xi32>
      %add3A_380 = arith.addi %add3A_349, %squeeze3A_379 : i32
      %all_reduce_population_count3A_381 = tpu.all_reduce %eq3A_362 {dim = 0 : i64, kind = #tpu.reduction_kind<sum>} : vector<16xi1> -> vector<16xi32>
      %slice3A_382 = vector.extract_strided_slice %all_reduce_population_count3A_381 {offsets = [0], sizes = [1], strides = [1]} : vector<16xi32> to vector<1xi32>
      %squeeze3A_383 = vector.extract %slice3A_382[0] : i32 from vector<1xi32>
      %add3A_384 = arith.addi %add3A_353, %squeeze3A_383 : i32
      %get3A_385 = arith.constant 112 : index
      %get3A_386 = tpu.vector_load %arg6[%get3A_385] {strides = array<i32>} : memref<256xf32, #tpu.memory_space<vmem>>, vector<16xf32>,
      %get3A_387 = arith.constant 112 : index
      %get3A_388 = tpu.vector_load %arg7[%get3A_387] {strides = array<i32>} : memref<256xi32, #tpu.memory_space<vmem>>, vector<16xi32>,
      %bitcast3A_389 = vector.bitcast %get3A_386 : vector<16xf32> to vector<16xi32>
      %broadcast_in_dim3A_390 = vector.broadcast %scan3A_56#0 : i32 to vector<16xi32>
      %gt3A_391 = arith.cmpi sgt, %bitcast3A_389, %broadcast_in_dim3A_390 : vector<16xi32>
      %broadcast_in_dim3A_392 = vector.broadcast %scan3A_56#0 : i32 to vector<16xi32>
      %eq3A_393 = arith.cmpi eq, %bitcast3A_389, %broadcast_in_dim3A_392 : vector<16xi32>
      %convert_element_type3A_394 = arith.extui %eq3A_393 : vector<16xi1> to vector<16xi32>
      %broadcast_in_dim3A_395 = arith.constant true
      %broadcast_in_dim3A_396 = vector.broadcast %broadcast_in_dim3A_395 : i1 to vector<16xi1>
      %masked_cumsum3A_397 = tpu.scan <sum>, %convert_element_type3A_394 masked %broadcast_in_dim3A_396 : vector<16xi32>, vector<16xi1> -> vector<16xi32>
      %broadcast_in_dim3A_398 = vector.broadcast %add3A_384 : i32 to vector<16xi32>
      %add3A_399 = arith.addi %masked_cumsum3A_397, %broadcast_in_dim3A_398 : vector<16xi32>
      %broadcast_in_dim3A_400 = vector.broadcast %sub3A_168 : i32 to vector<16xi32>
      %le3A_401 = arith.cmpi sle, %add3A_399, %broadcast_in_dim3A_400 : vector<16xi32>
      %and3A_402 = arith.andi %eq3A_393, %le3A_401 : vector<16xi1>
      %or3A_403 = arith.ori %gt3A_391, %and3A_402 : vector<16xi1>
      %swap3A_404 = arith.index_cast %add3A_380 : i32 to index
      %swap3A_405 = tpu.vector_load %arg6[%swap3A_404] masked %or3A_403 {strides = array<i32>} : memref<256xf32, #tpu.memory_space<vmem>>, vector<16xf32>, vector<16xi1>
      tpu.vector_store %arg6[%swap3A_404], %get3A_386 masked %or3A_403 {strides = array<i32>} : memref<256xf32, #tpu.memory_space<vmem>>, vector<16xf32>, vector<16xi1>
      %swap3A_406 = arith.index_cast %add3A_380 : i32 to index
      %swap3A_407 = tpu.vector_load %arg7[%swap3A_406] masked %or3A_403 {strides = array<i32>} : memref<256xi32, #tpu.memory_space<vmem>>, vector<16xi32>, vector<16xi1>
      tpu.vector_store %arg7[%swap3A_406], %get3A_388 masked %or3A_403 {strides = array<i32>} : memref<256xi32, #tpu.memory_space<vmem>>, vector<16xi32>, vector<16xi1>
      %all_reduce_population_count3A_408 = tpu.all_reduce %or3A_403 {dim = 0 : i64, kind = #tpu.reduction_kind<sum>} : vector<16xi1> -> vector<16xi32>
      %slice3A_409 = vector.extract_strided_slice %all_reduce_population_count3A_408 {offsets = [0], sizes = [1], strides = [1]} : vector<16xi32> to vector<1xi32>
      %squeeze3A_410 = vector.extract %slice3A_409[0] : i32 from vector<1xi32>
      %add3A_411 = arith.addi %add3A_380, %squeeze3A_410 : i32
      %all_reduce_population_count3A_412 = tpu.all_reduce %eq3A_393 {dim = 0 : i64, kind = #tpu.reduction_kind<sum>} : vector<16xi1> -> vector<16xi32>
      %slice3A_413 = vector.extract_strided_slice %all_reduce_population_count3A_412 {offsets = [0], sizes = [1], strides = [1]} : vector<16xi32> to vector<1xi32>
      %squeeze3A_414 = vector.extract %slice3A_413[0] : i32 from vector<1xi32>
      %add3A_415 = arith.addi %add3A_384, %squeeze3A_414 : i32
      %get3A_416 = arith.constant 128 : index
      %get3A_417 = tpu.vector_load %arg6[%get3A_416] {strides = array<i32>} : memref<256xf32, #tpu.memory_space<vmem>>, vector<16xf32>,
      %get3A_418 = arith.constant 128 : index
      %get3A_419 = tpu.vector_load %arg7[%get3A_418] {strides = array<i32>} : memref<256xi32, #tpu.memory_space<vmem>>, vector<16xi32>,
      %bitcast3A_420 = vector.bitcast %get3A_417 : vector<16xf32> to vector<16xi32>
      %broadcast_in_dim3A_421 = vector.broadcast %scan3A_56#0 : i32 to vector<16xi32>
      %gt3A_422 = arith.cmpi sgt, %bitcast3A_420, %broadcast_in_dim3A_421 : vector<16xi32>
      %broadcast_in_dim3A_423 = vector.broadcast %scan3A_56#0 : i32 to vector<16xi32>
      %eq3A_424 = arith.cmpi eq, %bitcast3A_420, %broadcast_in_dim3A_423 : vector<16xi32>
      %convert_element_type3A_425 = arith.extui %eq3A_424 : vector<16xi1> to vector<16xi32>
      %broadcast_in_dim3A_426 = arith.constant true
      %broadcast_in_dim3A_427 = vector.broadcast %broadcast_in_dim3A_426 : i1 to vector<16xi1>
      %masked_cumsum3A_428 = tpu.scan <sum>, %convert_element_type3A_425 masked %broadcast_in_dim3A_427 : vector<16xi32>, vector<16xi1> -> vector<16xi32>
      %broadcast_in_dim3A_429 = vector.broadcast %add3A_415 : i32 to vector<16xi32>
      %add3A_430 = arith.addi %masked_cumsum3A_428, %broadcast_in_dim3A_429 : vector<16xi32>
      %broadcast_in_dim3A_431 = vector.broadcast %sub3A_168 : i32 to vector<16xi32>
      %le3A_432 = arith.cmpi sle, %add3A_430, %broadcast_in_dim3A_431 : vector<16xi32>
      %and3A_433 = arith.andi %eq3A_424, %le3A_432 : vector<16xi1>
      %or3A_434 = arith.ori %gt3A_422, %and3A_433 : vector<16xi1>
      %swap3A_435 = arith.index_cast %add3A_411 : i32 to index
      %swap3A_436 = tpu.vector_load %arg6[%swap3A_435] masked %or3A_434 {strides = array<i32>} : memref<256xf32, #tpu.memory_space<vmem>>, vector<16xf32>, vector<16xi1>
      tpu.vector_store %arg6[%swap3A_435], %get3A_417 masked %or3A_434 {strides = array<i32>} : memref<256xf32, #tpu.memory_space<vmem>>, vector<16xf32>, vector<16xi1>
      %swap3A_437 = arith.index_cast %add3A_411 : i32 to index
      %swap3A_438 = tpu.vector_load %arg7[%swap3A_437] masked %or3A_434 {strides = array<i32>} : memref<256xi32, #tpu.memory_space<vmem>>, vector<16xi32>, vector<16xi1>
      tpu.vector_store %arg7[%swap3A_437], %get3A_419 masked %or3A_434 {strides = array<i32>} : memref<256xi32, #tpu.memory_space<vmem>>, vector<16xi32>, vector<16xi1>
      %all_reduce_population_count3A_439 = tpu.all_reduce %or3A_434 {dim = 0 : i64, kind = #tpu.reduction_kind<sum>} : vector<16xi1> -> vector<16xi32>
      %slice3A_440 = vector.extract_strided_slice %all_reduce_population_count3A_439 {offsets = [0], sizes = [1], strides = [1]} : vector<16xi32> to vector<1xi32>
      %squeeze3A_441 = vector.extract %slice3A_440[0] : i32 from vector<1xi32>
      %add3A_442 = arith.addi %add3A_411, %squeeze3A_441 : i32
      %all_reduce_population_count3A_443 = tpu.all_reduce %eq3A_424 {dim = 0 : i64, kind = #tpu.reduction_kind<sum>} : vector<16xi1> -> vector<16xi32>
      %slice3A_444 = vector.extract_strided_slice %all_reduce_population_count3A_443 {offsets = [0], sizes = [1], strides = [1]} : vector<16xi32> to vector<1xi32>
      %squeeze3A_445 = vector.extract %slice3A_444[0] : i32 from vector<1xi32>
      %add3A_446 = arith.addi %add3A_415, %squeeze3A_445 : i32
      %get3A_447 = arith.constant 144 : index
      %get3A_448 = tpu.vector_load %arg6[%get3A_447] {strides = array<i32>} : memref<256xf32, #tpu.memory_space<vmem>>, vector<16xf32>,
      %get3A_449 = arith.constant 144 : index
      %get3A_450 = tpu.vector_load %arg7[%get3A_449] {strides = array<i32>} : memref<256xi32, #tpu.memory_space<vmem>>, vector<16xi32>,
      %bitcast3A_451 = vector.bitcast %get3A_448 : vector<16xf32> to vector<16xi32>
      %broadcast_in_dim3A_452 = vector.broadcast %scan3A_56#0 : i32 to vector<16xi32>
      %gt3A_453 = arith.cmpi sgt, %bitcast3A_451, %broadcast_in_dim3A_452 : vector<16xi32>
      %broadcast_in_dim3A_454 = vector.broadcast %scan3A_56#0 : i32 to vector<16xi32>
      %eq3A_455 = arith.cmpi eq, %bitcast3A_451, %broadcast_in_dim3A_454 : vector<16xi32>
      %convert_element_type3A_456 = arith.extui %eq3A_455 : vector<16xi1> to vector<16xi32>
      %broadcast_in_dim3A_457 = arith.constant true
      %broadcast_in_dim3A_458 = vector.broadcast %broadcast_in_dim3A_457 : i1 to vector<16xi1>
      %masked_cumsum3A_459 = tpu.scan <sum>, %convert_element_type3A_456 masked %broadcast_in_dim3A_458 : vector<16xi32>, vector<16xi1> -> vector<16xi32>
      %broadcast_in_dim3A_460 = vector.broadcast %add3A_446 : i32 to vector<16xi32>
      %add3A_461 = arith.addi %masked_cumsum3A_459, %broadcast_in_dim3A_460 : vector<16xi32>
      %broadcast_in_dim3A_462 = vector.broadcast %sub3A_168 : i32 to vector<16xi32>
      %le3A_463 = arith.cmpi sle, %add3A_461, %broadcast_in_dim3A_462 : vector<16xi32>
      %and3A_464 = arith.andi %eq3A_455, %le3A_463 : vector<16xi1>
      %or3A_465 = arith.ori %gt3A_453, %and3A_464 : vector<16xi1>
      %swap3A_466 = arith.index_cast %add3A_442 : i32 to index
      %swap3A_467 = tpu.vector_load %arg6[%swap3A_466] masked %or3A_465 {strides = array<i32>} : memref<256xf32, #tpu.memory_space<vmem>>, vector<16xf32>, vector<16xi1>
      tpu.vector_store %arg6[%swap3A_466], %get3A_448 masked %or3A_465 {strides = array<i32>} : memref<256xf32, #tpu.memory_space<vmem>>, vector<16xf32>, vector<16xi1>
      %swap3A_468 = arith.index_cast %add3A_442 : i32 to index
      %swap3A_469 = tpu.vector_load %arg7[%swap3A_468] masked %or3A_465 {strides = array<i32>} : memref<256xi32, #tpu.memory_space<vmem>>, vector<16xi32>, vector<16xi1>
      tpu.vector_store %arg7[%swap3A_468], %get3A_450 masked %or3A_465 {strides = array<i32>} : memref<256xi32, #tpu.memory_space<vmem>>, vector<16xi32>, vector<16xi1>
      %all_reduce_population_count3A_470 = tpu.all_reduce %or3A_465 {dim = 0 : i64, kind = #tpu.reduction_kind<sum>} : vector<16xi1> -> vector<16xi32>
      %slice3A_471 = vector.extract_strided_slice %all_reduce_population_count3A_470 {offsets = [0], sizes = [1], strides = [1]} : vector<16xi32> to vector<1xi32>
      %squeeze3A_472 = vector.extract %slice3A_471[0] : i32 from vector<1xi32>
      %add3A_473 = arith.addi %add3A_442, %squeeze3A_472 : i32
      %all_reduce_population_count3A_474 = tpu.all_reduce %eq3A_455 {dim = 0 : i64, kind = #tpu.reduction_kind<sum>} : vector<16xi1> -> vector<16xi32>
      %slice3A_475 = vector.extract_strided_slice %all_reduce_population_count3A_474 {offsets = [0], sizes = [1], strides = [1]} : vector<16xi32> to vector<1xi32>
      %squeeze3A_476 = vector.extract %slice3A_475[0] : i32 from vector<1xi32>
      %add3A_477 = arith.addi %add3A_446, %squeeze3A_476 : i32
      %get3A_478 = arith.constant 160 : index
      %get3A_479 = tpu.vector_load %arg6[%get3A_478] {strides = array<i32>} : memref<256xf32, #tpu.memory_space<vmem>>, vector<16xf32>,
      %get3A_480 = arith.constant 160 : index
      %get3A_481 = tpu.vector_load %arg7[%get3A_480] {strides = array<i32>} : memref<256xi32, #tpu.memory_space<vmem>>, vector<16xi32>,
      %bitcast3A_482 = vector.bitcast %get3A_479 : vector<16xf32> to vector<16xi32>
      %broadcast_in_dim3A_483 = vector.broadcast %scan3A_56#0 : i32 to vector<16xi32>
      %gt3A_484 = arith.cmpi sgt, %bitcast3A_482, %broadcast_in_dim3A_483 : vector<16xi32>
      %broadcast_in_dim3A_485 = vector.broadcast %scan3A_56#0 : i32 to vector<16xi32>
      %eq3A_486 = arith.cmpi eq, %bitcast3A_482, %broadcast_in_dim3A_485 : vector<16xi32>
      %convert_element_type3A_487 = arith.extui %eq3A_486 : vector<16xi1> to vector<16xi32>
      %broadcast_in_dim3A_488 = arith.constant true
      %broadcast_in_dim3A_489 = vector.broadcast %broadcast_in_dim3A_488 : i1 to vector<16xi1>
      %masked_cumsum3A_490 = tpu.scan <sum>, %convert_element_type3A_487 masked %broadcast_in_dim3A_489 : vector<16xi32>, vector<16xi1> -> vector<16xi32>
      %broadcast_in_dim3A_491 = vector.broadcast %add3A_477 : i32 to vector<16xi32>
      %add3A_492 = arith.addi %masked_cumsum3A_490, %broadcast_in_dim3A_491 : vector<16xi32>
      %broadcast_in_dim3A_493 = vector.broadcast %sub3A_168 : i32 to vector<16xi32>
      %le3A_494 = arith.cmpi sle, %add3A_492, %broadcast_in_dim3A_493 : vector<16xi32>
      %and3A_495 = arith.andi %eq3A_486, %le3A_494 : vector<16xi1>
      %or3A_496 = arith.ori %gt3A_484, %and3A_495 : vector<16xi1>
      %swap3A_497 = arith.index_cast %add3A_473 : i32 to index
      %swap3A_498 = tpu.vector_load %arg6[%swap3A_497] masked %or3A_496 {strides = array<i32>} : memref<256xf32, #tpu.memory_space<vmem>>, vector<16xf32>, vector<16xi1>
      tpu.vector_store %arg6[%swap3A_497], %get3A_479 masked %or3A_496 {strides = array<i32>} : memref<256xf32, #tpu.memory_space<vmem>>, vector<16xf32>, vector<16xi1>
      %swap3A_499 = arith.index_cast %add3A_473 : i32 to index
      %swap3A_500 = tpu.vector_load %arg7[%swap3A_499] masked %or3A_496 {strides = array<i32>} : memref<256xi32, #tpu.memory_space<vmem>>, vector<16xi32>, vector<16xi1>
      tpu.vector_store %arg7[%swap3A_499], %get3A_481 masked %or3A_496 {strides = array<i32>} : memref<256xi32, #tpu.memory_space<vmem>>, vector<16xi32>, vector<16xi1>
      %all_reduce_population_count3A_501 = tpu.all_reduce %or3A_496 {dim = 0 : i64, kind = #tpu.reduction_kind<sum>} : vector<16xi1> -> vector<16xi32>
      %slice3A_502 = vector.extract_strided_slice %all_reduce_population_count3A_501 {offsets = [0], sizes = [1], strides = [1]} : vector<16xi32> to vector<1xi32>
      %squeeze3A_503 = vector.extract %slice3A_502[0] : i32 from vector<1xi32>
      %add3A_504 = arith.addi %add3A_473, %squeeze3A_503 : i32
      %all_reduce_population_count3A_505 = tpu.all_reduce %eq3A_486 {dim = 0 : i64, kind = #tpu.reduction_kind<sum>} : vector<16xi1> -> vector<16xi32>
      %slice3A_506 = vector.extract_strided_slice %all_reduce_population_count3A_505 {offsets = [0], sizes = [1], strides = [1]} : vector<16xi32> to vector<1xi32>
      %squeeze3A_507 = vector.extract %slice3A_506[0] : i32 from vector<1xi32>
      %add3A_508 = arith.addi %add3A_477, %squeeze3A_507 : i32
      %get3A_509 = arith.constant 176 : index
      %get3A_510 = tpu.vector_load %arg6[%get3A_509] {strides = array<i32>} : memref<256xf32, #tpu.memory_space<vmem>>, vector<16xf32>,
      %get3A_511 = arith.constant 176 : index
      %get3A_512 = tpu.vector_load %arg7[%get3A_511] {strides = array<i32>} : memref<256xi32, #tpu.memory_space<vmem>>, vector<16xi32>,
      %bitcast3A_513 = vector.bitcast %get3A_510 : vector<16xf32> to vector<16xi32>
      %broadcast_in_dim3A_514 = vector.broadcast %scan3A_56#0 : i32 to vector<16xi32>
      %gt3A_515 = arith.cmpi sgt, %bitcast3A_513, %broadcast_in_dim3A_514 : vector<16xi32>
      %broadcast_in_dim3A_516 = vector.broadcast %scan3A_56#0 : i32 to vector<16xi32>
      %eq3A_517 = arith.cmpi eq, %bitcast3A_513, %broadcast_in_dim3A_516 : vector<16xi32>
      %convert_element_type3A_518 = arith.extui %eq3A_517 : vector<16xi1> to vector<16xi32>
      %broadcast_in_dim3A_519 = arith.constant true
      %broadcast_in_dim3A_520 = vector.broadcast %broadcast_in_dim3A_519 : i1 to vector<16xi1>
      %masked_cumsum3A_521 = tpu.scan <sum>, %convert_element_type3A_518 masked %broadcast_in_dim3A_520 : vector<16xi32>, vector<16xi1> -> vector<16xi32>
      %broadcast_in_dim3A_522 = vector.broadcast %add3A_508 : i32 to vector<16xi32>
      %add3A_523 = arith.addi %masked_cumsum3A_521, %broadcast_in_dim3A_522 : vector<16xi32>
      %broadcast_in_dim3A_524 = vector.broadcast %sub3A_168 : i32 to vector<16xi32>
      %le3A_525 = arith.cmpi sle, %add3A_523, %broadcast_in_dim3A_524 : vector<16xi32>
      %and3A_526 = arith.andi %eq3A_517, %le3A_525 : vector<16xi1>
      %or3A_527 = arith.ori %gt3A_515, %and3A_526 : vector<16xi1>
      %swap3A_528 = arith.index_cast %add3A_504 : i32 to index
      %swap3A_529 = tpu.vector_load %arg6[%swap3A_528] masked %or3A_527 {strides = array<i32>} : memref<256xf32, #tpu.memory_space<vmem>>, vector<16xf32>, vector<16xi1>
      tpu.vector_store %arg6[%swap3A_528], %get3A_510 masked %or3A_527 {strides = array<i32>} : memref<256xf32, #tpu.memory_space<vmem>>, vector<16xf32>, vector<16xi1>
      %swap3A_530 = arith.index_cast %add3A_504 : i32 to index
      %swap3A_531 = tpu.vector_load %arg7[%swap3A_530] masked %or3A_527 {strides = array<i32>} : memref<256xi32, #tpu.memory_space<vmem>>, vector<16xi32>, vector<16xi1>
      tpu.vector_store %arg7[%swap3A_530], %get3A_512 masked %or3A_527 {strides = array<i32>} : memref<256xi32, #tpu.memory_space<vmem>>, vector<16xi32>, vector<16xi1>
      %all_reduce_population_count3A_532 = tpu.all_reduce %or3A_527 {dim = 0 : i64, kind = #tpu.reduction_kind<sum>} : vector<16xi1> -> vector<16xi32>
      %slice3A_533 = vector.extract_strided_slice %all_reduce_population_count3A_532 {offsets = [0], sizes = [1], strides = [1]} : vector<16xi32> to vector<1xi32>
      %squeeze3A_534 = vector.extract %slice3A_533[0] : i32 from vector<1xi32>
      %add3A_535 = arith.addi %add3A_504, %squeeze3A_534 : i32
      %all_reduce_population_count3A_536 = tpu.all_reduce %eq3A_517 {dim = 0 : i64, kind = #tpu.reduction_kind<sum>} : vector<16xi1> -> vector<16xi32>
      %slice3A_537 = vector.extract_strided_slice %all_reduce_population_count3A_536 {offsets = [0], sizes = [1], strides = [1]} : vector<16xi32> to vector<1xi32>
      %squeeze3A_538 = vector.extract %slice3A_537[0] : i32 from vector<1xi32>
      %add3A_539 = arith.addi %add3A_508, %squeeze3A_538 : i32
      %get3A_540 = arith.constant 192 : index
      %get3A_541 = tpu.vector_load %arg6[%get3A_540] {strides = array<i32>} : memref<256xf32, #tpu.memory_space<vmem>>, vector<16xf32>,
      %get3A_542 = arith.constant 192 : index
      %get3A_543 = tpu.vector_load %arg7[%get3A_542] {strides = array<i32>} : memref<256xi32, #tpu.memory_space<vmem>>, vector<16xi32>,
      %bitcast3A_544 = vector.bitcast %get3A_541 : vector<16xf32> to vector<16xi32>
      %broadcast_in_dim3A_545 = vector.broadcast %scan3A_56#0 : i32 to vector<16xi32>
      %gt3A_546 = arith.cmpi sgt, %bitcast3A_544, %broadcast_in_dim3A_545 : vector<16xi32>
      %broadcast_in_dim3A_547 = vector.broadcast %scan3A_56#0 : i32 to vector<16xi32>
      %eq3A_548 = arith.cmpi eq, %bitcast3A_544, %broadcast_in_dim3A_547 : vector<16xi32>
      %convert_element_type3A_549 = arith.extui %eq3A_548 : vector<16xi1> to vector<16xi32>
      %broadcast_in_dim3A_550 = arith.constant true
      %broadcast_in_dim3A_551 = vector.broadcast %broadcast_in_dim3A_550 : i1 to vector<16xi1>
      %masked_cumsum3A_552 = tpu.scan <sum>, %convert_element_type3A_549 masked %broadcast_in_dim3A_551 : vector<16xi32>, vector<16xi1> -> vector<16xi32>
      %broadcast_in_dim3A_553 = vector.broadcast %add3A_539 : i32 to vector<16xi32>
      %add3A_554 = arith.addi %masked_cumsum3A_552, %broadcast_in_dim3A_553 : vector<16xi32>
      %broadcast_in_dim3A_555 = vector.broadcast %sub3A_168 : i32 to vector<16xi32>
      %le3A_556 = arith.cmpi sle, %add3A_554, %broadcast_in_dim3A_555 : vector<16xi32>
      %and3A_557 = arith.andi %eq3A_548, %le3A_556 : vector<16xi1>
      %or3A_558 = arith.ori %gt3A_546, %and3A_557 : vector<16xi1>
      %swap3A_559 = arith.index_cast %add3A_535 : i32 to index
      %swap3A_560 = tpu.vector_load %arg6[%swap3A_559] masked %or3A_558 {strides = array<i32>} : memref<256xf32, #tpu.memory_space<vmem>>, vector<16xf32>, vector<16xi1>
      tpu.vector_store %arg6[%swap3A_559], %get3A_541 masked %or3A_558 {strides = array<i32>} : memref<256xf32, #tpu.memory_space<vmem>>, vector<16xf32>, vector<16xi1>
      %swap3A_561 = arith.index_cast %add3A_535 : i32 to index
      %swap3A_562 = tpu.vector_load %arg7[%swap3A_561] masked %or3A_558 {strides = array<i32>} : memref<256xi32, #tpu.memory_space<vmem>>, vector<16xi32>, vector<16xi1>
      tpu.vector_store %arg7[%swap3A_561], %get3A_543 masked %or3A_558 {strides = array<i32>} : memref<256xi32, #tpu.memory_space<vmem>>, vector<16xi32>, vector<16xi1>
      %all_reduce_population_count3A_563 = tpu.all_reduce %or3A_558 {dim = 0 : i64, kind = #tpu.reduction_kind<sum>} : vector<16xi1> -> vector<16xi32>
      %slice3A_564 = vector.extract_strided_slice %all_reduce_population_count3A_563 {offsets = [0], sizes = [1], strides = [1]} : vector<16xi32> to vector<1xi32>
      %squeeze3A_565 = vector.extract %slice3A_564[0] : i32 from vector<1xi32>
      %add3A_566 = arith.addi %add3A_535, %squeeze3A_565 : i32
      %all_reduce_population_count3A_567 = tpu.all_reduce %eq3A_548 {dim = 0 : i64, kind = #tpu.reduction_kind<sum>} : vector<16xi1> -> vector<16xi32>
      %slice3A_568 = vector.extract_strided_slice %all_reduce_population_count3A_567 {offsets = [0], sizes = [1], strides = [1]} : vector<16xi32> to vector<1xi32>
      %squeeze3A_569 = vector.extract %slice3A_568[0] : i32 from vector<1xi32>
      %add3A_570 = arith.addi %add3A_539, %squeeze3A_569 : i32
      %get3A_571 = arith.constant 208 : index
      %get3A_572 = tpu.vector_load %arg6[%get3A_571] {strides = array<i32>} : memref<256xf32, #tpu.memory_space<vmem>>, vector<16xf32>,
      %get3A_573 = arith.constant 208 : index
      %get3A_574 = tpu.vector_load %arg7[%get3A_573] {strides = array<i32>} : memref<256xi32, #tpu.memory_space<vmem>>, vector<16xi32>,
      %bitcast3A_575 = vector.bitcast %get3A_572 : vector<16xf32> to vector<16xi32>
      %broadcast_in_dim3A_576 = vector.broadcast %scan3A_56#0 : i32 to vector<16xi32>
      %gt3A_577 = arith.cmpi sgt, %bitcast3A_575, %broadcast_in_dim3A_576 : vector<16xi32>
      %broadcast_in_dim3A_578 = vector.broadcast %scan3A_56#0 : i32 to vector<16xi32>
      %eq3A_579 = arith.cmpi eq, %bitcast3A_575, %broadcast_in_dim3A_578 : vector<16xi32>
      %convert_element_type3A_580 = arith.extui %eq3A_579 : vector<16xi1> to vector<16xi32>
      %broadcast_in_dim3A_581 = arith.constant true
      %broadcast_in_dim3A_582 = vector.broadcast %broadcast_in_dim3A_581 : i1 to vector<16xi1>
      %masked_cumsum3A_583 = tpu.scan <sum>, %convert_element_type3A_580 masked %broadcast_in_dim3A_582 : vector<16xi32>, vector<16xi1> -> vector<16xi32>
      %broadcast_in_dim3A_584 = vector.broadcast %add3A_570 : i32 to vector<16xi32>
      %add3A_585 = arith.addi %masked_cumsum3A_583, %broadcast_in_dim3A_584 : vector<16xi32>
      %broadcast_in_dim3A_586 = vector.broadcast %sub3A_168 : i32 to vector<16xi32>
      %le3A_587 = arith.cmpi sle, %add3A_585, %broadcast_in_dim3A_586 : vector<16xi32>
      %and3A_588 = arith.andi %eq3A_579, %le3A_587 : vector<16xi1>
      %or3A_589 = arith.ori %gt3A_577, %and3A_588 : vector<16xi1>
      %swap3A_590 = arith.index_cast %add3A_566 : i32 to index
      %swap3A_591 = tpu.vector_load %arg6[%swap3A_590] masked %or3A_589 {strides = array<i32>} : memref<256xf32, #tpu.memory_space<vmem>>, vector<16xf32>, vector<16xi1>
      tpu.vector_store %arg6[%swap3A_590], %get3A_572 masked %or3A_589 {strides = array<i32>} : memref<256xf32, #tpu.memory_space<vmem>>, vector<16xf32>, vector<16xi1>
      %swap3A_592 = arith.index_cast %add3A_566 : i32 to index
      %swap3A_593 = tpu.vector_load %arg7[%swap3A_592] masked %or3A_589 {strides = array<i32>} : memref<256xi32, #tpu.memory_space<vmem>>, vector<16xi32>, vector<16xi1>
      tpu.vector_store %arg7[%swap3A_592], %get3A_574 masked %or3A_589 {strides = array<i32>} : memref<256xi32, #tpu.memory_space<vmem>>, vector<16xi32>, vector<16xi1>
      %all_reduce_population_count3A_594 = tpu.all_reduce %or3A_589 {dim = 0 : i64, kind = #tpu.reduction_kind<sum>} : vector<16xi1> -> vector<16xi32>
      %slice3A_595 = vector.extract_strided_slice %all_reduce_population_count3A_594 {offsets = [0], sizes = [1], strides = [1]} : vector<16xi32> to vector<1xi32>
      %squeeze3A_596 = vector.extract %slice3A_595[0] : i32 from vector<1xi32>
      %add3A_597 = arith.addi %add3A_566, %squeeze3A_596 : i32
      %all_reduce_population_count3A_598 = tpu.all_reduce %eq3A_579 {dim = 0 : i64, kind = #tpu.reduction_kind<sum>} : vector<16xi1> -> vector<16xi32>
      %slice3A_599 = vector.extract_strided_slice %all_reduce_population_count3A_598 {offsets = [0], sizes = [1], strides = [1]} : vector<16xi32> to vector<1xi32>
      %squeeze3A_600 = vector.extract %slice3A_599[0] : i32 from vector<1xi32>
      %add3A_601 = arith.addi %add3A_570, %squeeze3A_600 : i32
      %get3A_602 = arith.constant 224 : index
      %get3A_603 = tpu.vector_load %arg6[%get3A_602] {strides = array<i32>} : memref<256xf32, #tpu.memory_space<vmem>>, vector<16xf32>,
      %get3A_604 = arith.constant 224 : index
      %get3A_605 = tpu.vector_load %arg7[%get3A_604] {strides = array<i32>} : memref<256xi32, #tpu.memory_space<vmem>>, vector<16xi32>,
      %bitcast3A_606 = vector.bitcast %get3A_603 : vector<16xf32> to vector<16xi32>
      %broadcast_in_dim3A_607 = vector.broadcast %scan3A_56#0 : i32 to vector<16xi32>
      %gt3A_608 = arith.cmpi sgt, %bitcast3A_606, %broadcast_in_dim3A_607 : vector<16xi32>
      %broadcast_in_dim3A_609 = vector.broadcast %scan3A_56#0 : i32 to vector<16xi32>
      %eq3A_610 = arith.cmpi eq, %bitcast3A_606, %broadcast_in_dim3A_609 : vector<16xi32>
      %convert_element_type3A_611 = arith.extui %eq3A_610 : vector<16xi1> to vector<16xi32>
      %broadcast_in_dim3A_612 = arith.constant true
      %broadcast_in_dim3A_613 = vector.broadcast %broadcast_in_dim3A_612 : i1 to vector<16xi1>
      %masked_cumsum3A_614 = tpu.scan <sum>, %convert_element_type3A_611 masked %broadcast_in_dim3A_613 : vector<16xi32>, vector<16xi1> -> vector<16xi32>
      %broadcast_in_dim3A_615 = vector.broadcast %add3A_601 : i32 to vector<16xi32>
      %add3A_616 = arith.addi %masked_cumsum3A_614, %broadcast_in_dim3A_615 : vector<16xi32>
      %broadcast_in_dim3A_617 = vector.broadcast %sub3A_168 : i32 to vector<16xi32>
      %le3A_618 = arith.cmpi sle, %add3A_616, %broadcast_in_dim3A_617 : vector<16xi32>
      %and3A_619 = arith.andi %eq3A_610, %le3A_618 : vector<16xi1>
      %or3A_620 = arith.ori %gt3A_608, %and3A_619 : vector<16xi1>
      %swap3A_621 = arith.index_cast %add3A_597 : i32 to index
      %swap3A_622 = tpu.vector_load %arg6[%swap3A_621] masked %or3A_620 {strides = array<i32>} : memref<256xf32, #tpu.memory_space<vmem>>, vector<16xf32>, vector<16xi1>
      tpu.vector_store %arg6[%swap3A_621], %get3A_603 masked %or3A_620 {strides = array<i32>} : memref<256xf32, #tpu.memory_space<vmem>>, vector<16xf32>, vector<16xi1>
      %swap3A_623 = arith.index_cast %add3A_597 : i32 to index
      %swap3A_624 = tpu.vector_load %arg7[%swap3A_623] masked %or3A_620 {strides = array<i32>} : memref<256xi32, #tpu.memory_space<vmem>>, vector<16xi32>, vector<16xi1>
      tpu.vector_store %arg7[%swap3A_623], %get3A_605 masked %or3A_620 {strides = array<i32>} : memref<256xi32, #tpu.memory_space<vmem>>, vector<16xi32>, vector<16xi1>
      %all_reduce_population_count3A_625 = tpu.all_reduce %or3A_620 {dim = 0 : i64, kind = #tpu.reduction_kind<sum>} : vector<16xi1> -> vector<16xi32>
      %slice3A_626 = vector.extract_strided_slice %all_reduce_population_count3A_625 {offsets = [0], sizes = [1], strides = [1]} : vector<16xi32> to vector<1xi32>
      %squeeze3A_627 = vector.extract %slice3A_626[0] : i32 from vector<1xi32>
      %add3A_628 = arith.addi %add3A_597, %squeeze3A_627 : i32
      %all_reduce_population_count3A_629 = tpu.all_reduce %eq3A_610 {dim = 0 : i64, kind = #tpu.reduction_kind<sum>} : vector<16xi1> -> vector<16xi32>
      %slice3A_630 = vector.extract_strided_slice %all_reduce_population_count3A_629 {offsets = [0], sizes = [1], strides = [1]} : vector<16xi32> to vector<1xi32>
      %squeeze3A_631 = vector.extract %slice3A_630[0] : i32 from vector<1xi32>
      %add3A_632 = arith.addi %add3A_601, %squeeze3A_631 : i32
      %get3A_633 = arith.constant 240 : index
      %get3A_634 = tpu.vector_load %arg6[%get3A_633] {strides = array<i32>} : memref<256xf32, #tpu.memory_space<vmem>>, vector<16xf32>,
      %get3A_635 = arith.constant 240 : index
      %get3A_636 = tpu.vector_load %arg7[%get3A_635] {strides = array<i32>} : memref<256xi32, #tpu.memory_space<vmem>>, vector<16xi32>,
      %bitcast3A_637 = vector.bitcast %get3A_634 : vector<16xf32> to vector<16xi32>
      %broadcast_in_dim3A_638 = vector.broadcast %scan3A_56#0 : i32 to vector<16xi32>
      %gt3A_639 = arith.cmpi sgt, %bitcast3A_637, %broadcast_in_dim3A_638 : vector<16xi32>
      %broadcast_in_dim3A_640 = vector.broadcast %scan3A_56#0 : i32 to vector<16xi32>
      %eq3A_641 = arith.cmpi eq, %bitcast3A_637, %broadcast_in_dim3A_640 : vector<16xi32>
      %convert_element_type3A_642 = arith.extui %eq3A_641 : vector<16xi1> to vector<16xi32>
      %broadcast_in_dim3A_643 = arith.constant true
      %broadcast_in_dim3A_644 = vector.broadcast %broadcast_in_dim3A_643 : i1 to vector<16xi1>
      %masked_cumsum3A_645 = tpu.scan <sum>, %convert_element_type3A_642 masked %broadcast_in_dim3A_644 : vector<16xi32>, vector<16xi1> -> vector<16xi32>
      %broadcast_in_dim3A_646 = vector.broadcast %add3A_632 : i32 to vector<16xi32>
      %add3A_647 = arith.addi %masked_cumsum3A_645, %broadcast_in_dim3A_646 : vector<16xi32>
      %broadcast_in_dim3A_648 = vector.broadcast %sub3A_168 : i32 to vector<16xi32>
      %le3A_649 = arith.cmpi sle, %add3A_647, %broadcast_in_dim3A_648 : vector<16xi32>
      %and3A_650 = arith.andi %eq3A_641, %le3A_649 : vector<16xi1>
      %or3A_651 = arith.ori %gt3A_639, %and3A_650 : vector<16xi1>
      %swap3A_652 = arith.index_cast %add3A_628 : i32 to index
      %swap3A_653 = tpu.vector_load %arg6[%swap3A_652] masked %or3A_651 {strides = array<i32>} : memref<256xf32, #tpu.memory_space<vmem>>, vector<16xf32>, vector<16xi1>
      tpu.vector_store %arg6[%swap3A_652], %get3A_634 masked %or3A_651 {strides = array<i32>} : memref<256xf32, #tpu.memory_space<vmem>>, vector<16xf32>, vector<16xi1>
      %swap3A_654 = arith.index_cast %add3A_628 : i32 to index
      %swap3A_655 = tpu.vector_load %arg7[%swap3A_654] masked %or3A_651 {strides = array<i32>} : memref<256xi32, #tpu.memory_space<vmem>>, vector<16xi32>, vector<16xi1>
      tpu.vector_store %arg7[%swap3A_654], %get3A_636 masked %or3A_651 {strides = array<i32>} : memref<256xi32, #tpu.memory_space<vmem>>, vector<16xi32>, vector<16xi1>
      %all_reduce_population_count3A_656 = tpu.all_reduce %or3A_651 {dim = 0 : i64, kind = #tpu.reduction_kind<sum>} : vector<16xi1> -> vector<16xi32>
      %slice3A_657 = vector.extract_strided_slice %all_reduce_population_count3A_656 {offsets = [0], sizes = [1], strides = [1]} : vector<16xi32> to vector<1xi32>
      %squeeze3A_658 = vector.extract %slice3A_657[0] : i32 from vector<1xi32>
      %add3A_659 = arith.addi %add3A_628, %squeeze3A_658 : i32
      %all_reduce_population_count3A_660 = tpu.all_reduce %eq3A_641 {dim = 0 : i64, kind = #tpu.reduction_kind<sum>} : vector<16xi1> -> vector<16xi32>
      %slice3A_661 = vector.extract_strided_slice %all_reduce_population_count3A_660 {offsets = [0], sizes = [1], strides = [1]} : vector<16xi32> to vector<1xi32>
      %squeeze3A_662 = vector.extract %slice3A_661[0] : i32 from vector<1xi32>
      %add3A_663 = arith.addi %add3A_632, %squeeze3A_662 : i32
      %broadcast_in_dim3A_664 = arith.constant 0.000000e+00 : f32
      %broadcast_in_dim3A_665 = vector.broadcast %broadcast_in_dim3A_664 : f32 to vector<16xf32>
      %swap3A_666 = arith.constant 64 : index
      %swap3A_667 = tpu.vector_load %arg6[%swap3A_666] {strides = array<i32>} : memref<256xf32, #tpu.memory_space<vmem>>, vector<16xf32>,
      tpu.vector_store %arg6[%swap3A_666], %broadcast_in_dim3A_665 {strides = array<i32>} : memref<256xf32, #tpu.memory_space<vmem>>, vector<16xf32>,
      %swap3A_668 = arith.constant 80 : index
      %swap3A_669 = tpu.vector_load %arg6[%swap3A_668] {strides = array<i32>} : memref<256xf32, #tpu.memory_space<vmem>>, vector<16xf32>,
      tpu.vector_store %arg6[%swap3A_668], %broadcast_in_dim3A_665 {strides = array<i32>} : memref<256xf32, #tpu.memory_space<vmem>>, vector<16xf32>,
      %swap3A_670 = arith.constant 96 : index
      %swap3A_671 = tpu.vector_load %arg6[%swap3A_670] {strides = array<i32>} : memref<256xf32, #tpu.memory_space<vmem>>, vector<16xf32>,
      tpu.vector_store %arg6[%swap3A_670], %broadcast_in_dim3A_665 {strides = array<i32>} : memref<256xf32, #tpu.memory_space<vmem>>, vector<16xf32>,
      %swap3A_672 = arith.constant 112 : index
      %swap3A_673 = tpu.vector_load %arg6[%swap3A_672] {strides = array<i32>} : memref<256xf32, #tpu.memory_space<vmem>>, vector<16xf32>,
      tpu.vector_store %arg6[%swap3A_672], %broadcast_in_dim3A_665 {strides = array<i32>} : memref<256xf32, #tpu.memory_space<vmem>>, vector<16xf32>,
      %swap3A_674 = arith.constant 128 : index
      %swap3A_675 = tpu.vector_load %arg6[%swap3A_674] {strides = array<i32>} : memref<256xf32, #tpu.memory_space<vmem>>, vector<16xf32>,
      tpu.vector_store %arg6[%swap3A_674], %broadcast_in_dim3A_665 {strides = array<i32>} : memref<256xf32, #tpu.memory_space<vmem>>, vector<16xf32>,
      %swap3A_676 = arith.constant 144 : index
      %swap3A_677 = tpu.vector_load %arg6[%swap3A_676] {strides = array<i32>} : memref<256xf32, #tpu.memory_space<vmem>>, vector<16xf32>,
      tpu.vector_store %arg6[%swap3A_676], %broadcast_in_dim3A_665 {strides = array<i32>} : memref<256xf32, #tpu.memory_space<vmem>>, vector<16xf32>,
      %swap3A_678 = arith.constant 160 : index
      %swap3A_679 = tpu.vector_load %arg6[%swap3A_678] {strides = array<i32>} : memref<256xf32, #tpu.memory_space<vmem>>, vector<16xf32>,
      tpu.vector_store %arg6[%swap3A_678], %broadcast_in_dim3A_665 {strides = array<i32>} : memref<256xf32, #tpu.memory_space<vmem>>, vector<16xf32>,
      %swap3A_680 = arith.constant 176 : index
      %swap3A_681 = tpu.vector_load %arg6[%swap3A_680] {strides = array<i32>} : memref<256xf32, #tpu.memory_space<vmem>>, vector<16xf32>,
      tpu.vector_store %arg6[%swap3A_680], %broadcast_in_dim3A_665 {strides = array<i32>} : memref<256xf32, #tpu.memory_space<vmem>>, vector<16xf32>,
      %swap3A_682 = arith.constant 192 : index
      %swap3A_683 = tpu.vector_load %arg6[%swap3A_682] {strides = array<i32>} : memref<256xf32, #tpu.memory_space<vmem>>, vector<16xf32>,
      tpu.vector_store %arg6[%swap3A_682], %broadcast_in_dim3A_665 {strides = array<i32>} : memref<256xf32, #tpu.memory_space<vmem>>, vector<16xf32>,
      %swap3A_684 = arith.constant 208 : index
      %swap3A_685 = tpu.vector_load %arg6[%swap3A_684] {strides = array<i32>} : memref<256xf32, #tpu.memory_space<vmem>>, vector<16xf32>,
      tpu.vector_store %arg6[%swap3A_684], %broadcast_in_dim3A_665 {strides = array<i32>} : memref<256xf32, #tpu.memory_space<vmem>>, vector<16xf32>,
      %swap3A_686 = arith.constant 224 : index
      %swap3A_687 = tpu.vector_load %arg6[%swap3A_686] {strides = array<i32>} : memref<256xf32, #tpu.memory_space<vmem>>, vector<16xf32>,
      tpu.vector_store %arg6[%swap3A_686], %broadcast_in_dim3A_665 {strides = array<i32>} : memref<256xf32, #tpu.memory_space<vmem>>, vector<16xf32>,
      %swap3A_688 = arith.constant 240 : index
      %swap3A_689 = tpu.vector_load %arg6[%swap3A_688] {strides = array<i32>} : memref<256xf32, #tpu.memory_space<vmem>>, vector<16xf32>,
      tpu.vector_store %arg6[%swap3A_688], %broadcast_in_dim3A_665 {strides = array<i32>} : memref<256xf32, #tpu.memory_space<vmem>>, vector<16xf32>,
      %bitcast_convert_type3A = arith.bitcast %scan3A_56#0 : i32 to f32
      %scan3A_690 = arith.constant 0 : i32
      %scan3A_691 = arith.constant 0 : i32
      %scan3A_692 = arith.constant 64 : i32
      %scan3A_693 = arith.addi %scan3A_691, %scan3A_692 : i32
      %scan3A_694 = arith.constant 1 : i32
      %scan3A_695 = scf.for %scan3A_697 = %scan3A_691 to %scan3A_693 step %scan3A_694 iter_args(%scan3A_698 = %scan3A_690) -> (i32)  : i32 {
        %get3A_699 = arith.constant 0 : index
        %get3A_700 = tpu.vector_load %arg6[%get3A_699] {strides = array<i32>} : memref<256xf32, #tpu.memory_space<vmem>>, vector<16xf32>,
        %get3A_701 = arith.constant 16 : index
        %get3A_702 = tpu.vector_load %arg6[%get3A_701] {strides = array<i32>} : memref<256xf32, #tpu.memory_space<vmem>>, vector<16xf32>,
        %max3A = arith.maximumf %get3A_700, %get3A_702 : vector<16xf32>
        %get3A_703 = arith.constant 32 : index
        %get3A_704 = tpu.vector_load %arg6[%get3A_703] {strides = array<i32>} : memref<256xf32, #tpu.memory_space<vmem>>, vector<16xf32>,
        %max3A_705 = arith.maximumf %max3A, %get3A_704 : vector<16xf32>
        %get3A_706 = arith.constant 48 : index
        %get3A_707 = tpu.vector_load %arg6[%get3A_706] {strides = array<i32>} : memref<256xf32, #tpu.memory_space<vmem>>, vector<16xf32>,
        %max3A_708 = arith.maximumf %max3A_705, %get3A_707 : vector<16xf32>
        %masked_sort3A = arith.constant dense<true> : vector<16xi1>
        %masked_sort3A_709, %masked_sort3A_710, %masked_sort3A_711 = tpu.sort %max3A_708, %max3A_708 masked %masked_sort3A {descending = true} : (vector<16xf32>, vector<16xf32>, vector<16xi1>) -> (vector<16xi1>, vector<16xf32>, vector<16xf32>)
        %slice3A_712 = vector.extract_strided_slice %masked_sort3A_710 {offsets = [0], sizes = [1], strides = [1]} : vector<16xf32> to vector<1xf32>
        %squeeze3A_713 = vector.extract %slice3A_712[0] : f32 from vector<1xf32>
        %broadcast_in_dim3A_714 = vector.broadcast %squeeze3A_713 : f32 to vector<16xf32>
        %broadcast_in_dim3A_715 = arith.constant 2147483647 : i32
        %broadcast_in_dim3A_716 = vector.broadcast %broadcast_in_dim3A_715 : i32 to vector<16xi32>
        %get3A_717 = arith.constant 0 : index
        %get3A_718 = tpu.vector_load %arg6[%get3A_717] {strides = array<i32>} : memref<256xf32, #tpu.memory_space<vmem>>, vector<16xf32>,
        %get3A_719 = arith.constant 0 : index
        %get3A_720 = tpu.vector_load %arg7[%get3A_719] {strides = array<i32>} : memref<256xi32, #tpu.memory_space<vmem>>, vector<16xi32>,
        %eq3A_721 = arith.cmpf oeq, %get3A_718, %broadcast_in_dim3A_714 : vector<16xf32>
        %broadcast_in_dim3A_722 = arith.constant 2147483647 : i32
        %broadcast_in_dim3A_723 = vector.broadcast %broadcast_in_dim3A_722 : i32 to vector<16xi32>
        %select_n3A = arith.select %eq3A_721, %get3A_720, %broadcast_in_dim3A_723 : vector<16xi1>, vector<16xi32>
        %min3A = arith.minsi %broadcast_in_dim3A_716, %select_n3A : vector<16xi32>
        %get3A_724 = arith.constant 16 : index
        %get3A_725 = tpu.vector_load %arg6[%get3A_724] {strides = array<i32>} : memref<256xf32, #tpu.memory_space<vmem>>, vector<16xf32>,
        %get3A_726 = arith.constant 16 : index
        %get3A_727 = tpu.vector_load %arg7[%get3A_726] {strides = array<i32>} : memref<256xi32, #tpu.memory_space<vmem>>, vector<16xi32>,
        %eq3A_728 = arith.cmpf oeq, %get3A_725, %broadcast_in_dim3A_714 : vector<16xf32>
        %broadcast_in_dim3A_729 = arith.constant 2147483647 : i32
        %broadcast_in_dim3A_730 = vector.broadcast %broadcast_in_dim3A_729 : i32 to vector<16xi32>
        %select_n3A_731 = arith.select %eq3A_728, %get3A_727, %broadcast_in_dim3A_730 : vector<16xi1>, vector<16xi32>
        %min3A_732 = arith.minsi %min3A, %select_n3A_731 : vector<16xi32>
        %get3A_733 = arith.constant 32 : index
        %get3A_734 = tpu.vector_load %arg6[%get3A_733] {strides = array<i32>} : memref<256xf32, #tpu.memory_space<vmem>>, vector<16xf32>,
        %get3A_735 = arith.constant 32 : index
        %get3A_736 = tpu.vector_load %arg7[%get3A_735] {strides = array<i32>} : memref<256xi32, #tpu.memory_space<vmem>>, vector<16xi32>,
        %eq3A_737 = arith.cmpf oeq, %get3A_734, %broadcast_in_dim3A_714 : vector<16xf32>
        %broadcast_in_dim3A_738 = arith.constant 2147483647 : i32
        %broadcast_in_dim3A_739 = vector.broadcast %broadcast_in_dim3A_738 : i32 to vector<16xi32>
        %select_n3A_740 = arith.select %eq3A_737, %get3A_736, %broadcast_in_dim3A_739 : vector<16xi1>, vector<16xi32>
        %min3A_741 = arith.minsi %min3A_732, %select_n3A_740 : vector<16xi32>
        %get3A_742 = arith.constant 48 : index
        %get3A_743 = tpu.vector_load %arg6[%get3A_742] {strides = array<i32>} : memref<256xf32, #tpu.memory_space<vmem>>, vector<16xf32>,
        %get3A_744 = arith.constant 48 : index
        %get3A_745 = tpu.vector_load %arg7[%get3A_744] {strides = array<i32>} : memref<256xi32, #tpu.memory_space<vmem>>, vector<16xi32>,
        %eq3A_746 = arith.cmpf oeq, %get3A_743, %broadcast_in_dim3A_714 : vector<16xf32>
        %broadcast_in_dim3A_747 = arith.constant 2147483647 : i32
        %broadcast_in_dim3A_748 = vector.broadcast %broadcast_in_dim3A_747 : i32 to vector<16xi32>
        %select_n3A_749 = arith.select %eq3A_746, %get3A_745, %broadcast_in_dim3A_748 : vector<16xi1>, vector<16xi32>
        %min3A_750 = arith.minsi %min3A_741, %select_n3A_749 : vector<16xi32>
        %masked_sort3A_751 = arith.constant dense<true> : vector<16xi1>
        %masked_sort3A_752 = arith.constant -2147483648 : i32
        %masked_sort3A_753 = vector.broadcast %masked_sort3A_752 : i32 to vector<16xi32>
        %masked_sort3A_754 = arith.xori %min3A_750, %masked_sort3A_753 : vector<16xi32>
        %masked_sort3A_755, %masked_sort3A_756, %masked_sort3A_757 = tpu.sort %masked_sort3A_754, %min3A_750 masked %masked_sort3A_751 : (vector<16xi32>, vector<16xi32>, vector<16xi1>) -> (vector<16xi1>, vector<16xi32>, vector<16xi32>)
        %masked_sort3A_758 = arith.xori %masked_sort3A_756, %masked_sort3A_753 : vector<16xi32>
        %slice3A_759 = vector.extract_strided_slice %masked_sort3A_758 {offsets = [0], sizes = [1], strides = [1]} : vector<16xi32> to vector<1xi32>
        %squeeze3A_760 = vector.extract %slice3A_759[0] : i32 from vector<1xi32>
        %broadcast_in_dim3A_761 = vector.broadcast %squeeze3A_760 : i32 to vector<16xi32>
        %iota3A = tpu.iota {dimensions = array<i32: 0>} : vector<16xi32>
        %eq3A_762 = arith.constant 0 : i32
        %eq3A_763 = vector.broadcast %eq3A_762 : i32 to vector<16xi32>
        %eq3A_764 = arith.cmpi eq, %iota3A, %eq3A_763 : vector<16xi32>
        %broadcast_in_dim3A_765 = vector.broadcast %scan3A_697 : i32 to vector<16xi32>
        tpu.vector_store_idx %arg8[%broadcast_in_dim3A_765], %broadcast_in_dim3A_714 masked %eq3A_764 : memref<64xf32, #tpu.memory_space<vmem>>[vector<16xi32>], vector<16xf32>, vector<16xi1>
        tpu.vector_store_idx %arg9[%broadcast_in_dim3A_765], %broadcast_in_dim3A_761 masked %eq3A_764 : memref<64xi32, #tpu.memory_space<vmem>>[vector<16xi32>], vector<16xi32>, vector<16xi1>
        %get3A_766 = arith.constant 0 : index
        %get3A_767 = tpu.vector_load %arg6[%get3A_766] {strides = array<i32>} : memref<256xf32, #tpu.memory_space<vmem>>, vector<16xf32>,
        %get3A_768 = arith.constant 0 : index
        %get3A_769 = tpu.vector_load %arg7[%get3A_768] {strides = array<i32>} : memref<256xi32, #tpu.memory_space<vmem>>, vector<16xi32>,
        %eq3A_770 = arith.cmpi eq, %get3A_769, %broadcast_in_dim3A_761 : vector<16xi32>
        %broadcast_in_dim3A_771 = arith.constant -1.000000e+00 : f32
        %broadcast_in_dim3A_772 = vector.broadcast %broadcast_in_dim3A_771 : f32 to vector<16xf32>
        %select_n3A_773 = arith.select %eq3A_770, %broadcast_in_dim3A_772, %get3A_767 : vector<16xi1>, vector<16xf32>
        %swap3A_774 = arith.constant 0 : index
        %swap3A_775 = tpu.vector_load %arg6[%swap3A_774] {strides = array<i32>} : memref<256xf32, #tpu.memory_space<vmem>>, vector<16xf32>,
        tpu.vector_store %arg6[%swap3A_774], %select_n3A_773 {strides = array<i32>} : memref<256xf32, #tpu.memory_space<vmem>>, vector<16xf32>,
        %get3A_776 = arith.constant 16 : index
        %get3A_777 = tpu.vector_load %arg6[%get3A_776] {strides = array<i32>} : memref<256xf32, #tpu.memory_space<vmem>>, vector<16xf32>,
        %get3A_778 = arith.constant 16 : index
        %get3A_779 = tpu.vector_load %arg7[%get3A_778] {strides = array<i32>} : memref<256xi32, #tpu.memory_space<vmem>>, vector<16xi32>,
        %eq3A_780 = arith.cmpi eq, %get3A_779, %broadcast_in_dim3A_761 : vector<16xi32>
        %broadcast_in_dim3A_781 = arith.constant -1.000000e+00 : f32
        %broadcast_in_dim3A_782 = vector.broadcast %broadcast_in_dim3A_781 : f32 to vector<16xf32>
        %select_n3A_783 = arith.select %eq3A_780, %broadcast_in_dim3A_782, %get3A_777 : vector<16xi1>, vector<16xf32>
        %swap3A_784 = arith.constant 16 : index
        %swap3A_785 = tpu.vector_load %arg6[%swap3A_784] {strides = array<i32>} : memref<256xf32, #tpu.memory_space<vmem>>, vector<16xf32>,
        tpu.vector_store %arg6[%swap3A_784], %select_n3A_783 {strides = array<i32>} : memref<256xf32, #tpu.memory_space<vmem>>, vector<16xf32>,
        %get3A_786 = arith.constant 32 : index
        %get3A_787 = tpu.vector_load %arg6[%get3A_786] {strides = array<i32>} : memref<256xf32, #tpu.memory_space<vmem>>, vector<16xf32>,
        %get3A_788 = arith.constant 32 : index
        %get3A_789 = tpu.vector_load %arg7[%get3A_788] {strides = array<i32>} : memref<256xi32, #tpu.memory_space<vmem>>, vector<16xi32>,
        %eq3A_790 = arith.cmpi eq, %get3A_789, %broadcast_in_dim3A_761 : vector<16xi32>
        %broadcast_in_dim3A_791 = arith.constant -1.000000e+00 : f32
        %broadcast_in_dim3A_792 = vector.broadcast %broadcast_in_dim3A_791 : f32 to vector<16xf32>
        %select_n3A_793 = arith.select %eq3A_790, %broadcast_in_dim3A_792, %get3A_787 : vector<16xi1>, vector<16xf32>
        %swap3A_794 = arith.constant 32 : index
        %swap3A_795 = tpu.vector_load %arg6[%swap3A_794] {strides = array<i32>} : memref<256xf32, #tpu.memory_space<vmem>>, vector<16xf32>,
        tpu.vector_store %arg6[%swap3A_794], %select_n3A_793 {strides = array<i32>} : memref<256xf32, #tpu.memory_space<vmem>>, vector<16xf32>,
        %get3A_796 = arith.constant 48 : index
        %get3A_797 = tpu.vector_load %arg6[%get3A_796] {strides = array<i32>} : memref<256xf32, #tpu.memory_space<vmem>>, vector<16xf32>,
        %get3A_798 = arith.constant 48 : index
        %get3A_799 = tpu.vector_load %arg7[%get3A_798] {strides = array<i32>} : memref<256xi32, #tpu.memory_space<vmem>>, vector<16xi32>,
        %eq3A_800 = arith.cmpi eq, %get3A_799, %broadcast_in_dim3A_761 : vector<16xi32>
        %broadcast_in_dim3A_801 = arith.constant -1.000000e+00 : f32
        %broadcast_in_dim3A_802 = vector.broadcast %broadcast_in_dim3A_801 : f32 to vector<16xf32>
        %select_n3A_803 = arith.select %eq3A_800, %broadcast_in_dim3A_802, %get3A_797 : vector<16xi1>, vector<16xf32>
        %swap3A_804 = arith.constant 48 : index
        %swap3A_805 = tpu.vector_load %arg6[%swap3A_804] {strides = array<i32>} : memref<256xf32, #tpu.memory_space<vmem>>, vector<16xf32>,
        tpu.vector_store %arg6[%swap3A_804], %select_n3A_803 {strides = array<i32>} : memref<256xf32, #tpu.memory_space<vmem>>, vector<16xf32>,
        %scan3A_806 = arith.constant 0 : i32
        scf.yield %scan3A_806 : i32
      }
      %scan3A_696 = arith.constant 64 : i32
      "tpu.region"() ({
        %run_scoped3A = tpu.sem_alloc : memref<!tpu.dma_semaphore, #tpu.memory_space<semaphore_mem>>
        %dma_start3A = arith.constant 0 : i32
        %dma_start3A_697 = tpu.memref_slice %arg3[%add3A_9, %dma_start3A] : memref<4096x64xf32, #tpu.memory_space<hbm>> -> memref<1x64xf32, #tpu.memory_space<hbm>>
        %dma_start3A_698 = tpu.memref_squeeze %dma_start3A_697 : memref<1x64xf32, #tpu.memory_space<hbm>> -> memref<64xf32, #tpu.memory_space<hbm>>
        %dma_start3A_699 = arith.constant 0 : i32
        %dma_start3A_700 = tpu.memref_slice %arg3[%add3A_9, %dma_start3A_699] : memref<4096x64xf32, #tpu.memory_space<hbm>> -> memref<1x64xf32, #tpu.memory_space<hbm>>
        %dma_start3A_701 = tpu.memref_squeeze %dma_start3A_700 : memref<1x64xf32, #tpu.memory_space<hbm>> -> memref<64xf32, #tpu.memory_space<hbm>>
        tpu.enqueue_dma source(%arg8 : memref<64xf32, #tpu.memory_space<vmem>>) target(%dma_start3A_701 : memref<64xf32, #tpu.memory_space<hbm>>) target_semaphore(%run_scoped3A : memref<!tpu.dma_semaphore, #tpu.memory_space<semaphore_mem>>)
        %dma_wait3A = arith.constant 0 : i32
        %dma_wait3A_702 = tpu.memref_slice %arg3[%add3A_9, %dma_wait3A] : memref<4096x64xf32, #tpu.memory_space<hbm>> -> memref<1x64xf32, #tpu.memory_space<hbm>>
        %dma_wait3A_703 = tpu.memref_squeeze %dma_wait3A_702 : memref<1x64xf32, #tpu.memory_space<hbm>> -> memref<64xf32, #tpu.memory_space<hbm>>
        %dma_wait3A_704 = arith.constant 0 : i32
        %dma_wait3A_705 = tpu.memref_slice %arg3[%add3A_9, %dma_wait3A_704] : memref<4096x64xf32, #tpu.memory_space<hbm>> -> memref<1x64xf32, #tpu.memory_space<hbm>>
        %dma_wait3A_706 = tpu.memref_squeeze %dma_wait3A_705 : memref<1x64xf32, #tpu.memory_space<hbm>> -> memref<64xf32, #tpu.memory_space<hbm>>
        tpu.wait_dma2 semaphore(%run_scoped3A : memref<!tpu.dma_semaphore, #tpu.memory_space<semaphore_mem>>) src(%arg8 : memref<64xf32, #tpu.memory_space<vmem>>) dst(%dma_wait3A_706 : memref<64xf32, #tpu.memory_space<hbm>>)
        tpu.yield
      }) : () -> ()
      "tpu.region"() ({
        %run_scoped3A = tpu.sem_alloc : memref<!tpu.dma_semaphore, #tpu.memory_space<semaphore_mem>>
        %dma_start3A = arith.constant 0 : i32
        %dma_start3A_697 = tpu.memref_slice %arg4[%add3A_9, %dma_start3A] : memref<4096x64xi32, #tpu.memory_space<hbm>> -> memref<1x64xi32, #tpu.memory_space<hbm>>
        %dma_start3A_698 = tpu.memref_squeeze %dma_start3A_697 : memref<1x64xi32, #tpu.memory_space<hbm>> -> memref<64xi32, #tpu.memory_space<hbm>>
        %dma_start3A_699 = arith.constant 0 : i32
        %dma_start3A_700 = tpu.memref_slice %arg4[%add3A_9, %dma_start3A_699] : memref<4096x64xi32, #tpu.memory_space<hbm>> -> memref<1x64xi32, #tpu.memory_space<hbm>>
        %dma_start3A_701 = tpu.memref_squeeze %dma_start3A_700 : memref<1x64xi32, #tpu.memory_space<hbm>> -> memref<64xi32, #tpu.memory_space<hbm>>
        tpu.enqueue_dma source(%arg9 : memref<64xi32, #tpu.memory_space<vmem>>) target(%dma_start3A_701 : memref<64xi32, #tpu.memory_space<hbm>>) target_semaphore(%run_scoped3A : memref<!tpu.dma_semaphore, #tpu.memory_space<semaphore_mem>>)
        %dma_wait3A = arith.constant 0 : i32
        %dma_wait3A_702 = tpu.memref_slice %arg4[%add3A_9, %dma_wait3A] : memref<4096x64xi32, #tpu.memory_space<hbm>> -> memref<1x64xi32, #tpu.memory_space<hbm>>
        %dma_wait3A_703 = tpu.memref_squeeze %dma_wait3A_702 : memref<1x64xi32, #tpu.memory_space<hbm>> -> memref<64xi32, #tpu.memory_space<hbm>>
        %dma_wait3A_704 = arith.constant 0 : i32
        %dma_wait3A_705 = tpu.memref_slice %arg4[%add3A_9, %dma_wait3A_704] : memref<4096x64xi32, #tpu.memory_space<hbm>> -> memref<1x64xi32, #tpu.memory_space<hbm>>
        %dma_wait3A_706 = tpu.memref_squeeze %dma_wait3A_705 : memref<1x64xi32, #tpu.memory_space<hbm>> -> memref<64xi32, #tpu.memory_space<hbm>>
        tpu.wait_dma2 semaphore(%run_scoped3A : memref<!tpu.dma_semaphore, #tpu.memory_space<semaphore_mem>>) src(%arg9 : memref<64xi32, #tpu.memory_space<vmem>>) dst(%dma_wait3A_706 : memref<64xi32, #tpu.memory_space<hbm>>)
        tpu.yield
      }) : () -> ()
    }
    %scan3A_5 = arith.constant 128 : i32
    return
  }
}

module attributes {stable_mosaic.version = 14 : i64} {
  func.func @_norm_body(%arg0: i32, %arg1: memref<1024x128xf32, #tpu.memory_space<vmem>>, %arg2: memref<1024x128xf32, #tpu.memory_space<vmem>>) attributes {dimension_semantics = [#tpu.dimension_semantics<arbitrary>], iteration_bounds = array<i64: 100>, scalar_prefetch = 0 : i64, scratch_operands = 0 : i64, tpu.core_type = #tpu.core_type<tc>, window_params = [{transform_indices = @transform_0, window_bounds = array<i64: 1024, 128>}, {transform_indices = @transform_1, window_bounds = array<i64: 1024, 128>}]} {
    %get3A = arith.constant 0 : index
    %get3A_0 = arith.constant 0 : index
    %get3A_1 = vector.load %arg1[%get3A, %get3A_0] : memref<1024x128xf32, #tpu.memory_space<vmem>>, vector<1024x128xf32>
    %mul3A = arith.mulf %get3A_1, %get3A_1 : vector<1024x128xf32>
    %reduce_sum3A = arith.constant dense<0.000000e+00> : vector<1024xf32>
    %reduce_sum3A_2 = vector.multi_reduction <add>, %mul3A, %reduce_sum3A [1] : vector<1024x128xf32> to vector<1024xf32>
    %broadcast_in_dim3A = vector.shape_cast %reduce_sum3A_2 : vector<1024xf32> to vector<1024x1xf32>
    %sqrt3A = math.sqrt %broadcast_in_dim3A : vector<1024x1xf32>
    %max3A = arith.constant 9.99999996E-13 : f32
    %max3A_3 = vector.broadcast %max3A : f32 to vector<1024x1xf32>
    %max3A_4 = arith.maximumf %sqrt3A, %max3A_3 : vector<1024x1xf32>
    %div3A = vector.broadcast %max3A_4 : vector<1024x1xf32> to vector<1024x128xf32>
    %div3A_5 = arith.divf %get3A_1, %div3A : vector<1024x128xf32>
    %swap3A = arith.constant 0 : index
    %swap3A_6 = arith.constant 0 : index
    %swap3A_7 = vector.load %arg2[%swap3A, %swap3A_6] : memref<1024x128xf32, #tpu.memory_space<vmem>>, vector<1024x128xf32>
    tpu.vector_store %arg2[%swap3A, %swap3A_6], %div3A_5 {strides = array<i32>} : memref<1024x128xf32, #tpu.memory_space<vmem>>, vector<1024x128xf32>,
    return
  }
  func.func @transform_0(%arg0: i32) -> (i32, i32) {
    %c0_i32 = arith.constant 0 : i32
    %c0_i32_0 = arith.constant 0 : i32
    return %arg0, %c0_i32 : i32, i32
  }
  func.func @transform_1(%arg0: i32) -> (i32, i32) {
    %c0_i32 = arith.constant 0 : i32
    %c0_i32_0 = arith.constant 0 : i32
    return %arg0, %c0_i32 : i32, i32
  }
}

module attributes {stable_mosaic.version = 14 : i64} {
  func.func @_w_body(%arg0: i32, %arg1: i32, %arg2: memref<512x128xf32, #tpu.memory_space<vmem>>, %arg3: memref<2048x128xf32, #tpu.memory_space<vmem>>, %arg4: memref<512x2048xf32, #tpu.memory_space<vmem>>) attributes {dimension_semantics = [#tpu.dimension_semantics<arbitrary>, #tpu.dimension_semantics<arbitrary>], iteration_bounds = array<i64: 8, 50>, scalar_prefetch = 0 : i64, scratch_operands = 0 : i64, tpu.core_type = #tpu.core_type<tc>, window_params = [{transform_indices = @transform_0, window_bounds = array<i64: 512, 128>}, {transform_indices = @transform_1, window_bounds = array<i64: 2048, 128>}, {transform_indices = @transform_2, window_bounds = array<i64: 512, 2048>}]} {
    %get3A = arith.constant 0 : index
    %get3A_0 = arith.constant 0 : index
    %get3A_1 = vector.load %arg2[%get3A, %get3A_0] : memref<512x128xf32, #tpu.memory_space<vmem>>, vector<512x128xf32>
    %get3A_2 = arith.constant 0 : index
    %get3A_3 = arith.constant 0 : index
    %get3A_4 = vector.load %arg3[%get3A_2, %get3A_3] : memref<2048x128xf32, #tpu.memory_space<vmem>>, vector<2048x128xf32>
    %dot_general3A = arith.constant dense<0.000000e+00> : vector<512x2048xf32>
    %dot_general3A_5 = tpu.matmul %get3A_1, %get3A_4, %dot_general3A {dimension_numbers = #tpu.dot_dimension_numbers<[1], [1], [0], [0], [0, 0, 1, 0], [], []>, transpose_lhs_hint = false} : vector<512x128xf32>, vector<2048x128xf32>, vector<512x2048xf32> -> vector<512x2048xf32>
    %add3A = arith.constant 1.000000e+00 : f32
    %add3A_6 = vector.broadcast %add3A : f32 to vector<512x2048xf32>
    %add3A_7 = arith.addf %dot_general3A_5, %add3A_6 : vector<512x2048xf32>
    %mul3A = arith.constant 5.000000e-01 : f32
    %mul3A_8 = vector.broadcast %mul3A : f32 to vector<512x2048xf32>
    %mul3A_9 = arith.mulf %add3A_7, %mul3A_8 : vector<512x2048xf32>
    %jit3A = arith.constant 9.99999997E-7 : f32
    %jit3A_10 = arith.constant 1.000000e+00 : f32
    %max3A = vector.broadcast %jit3A : f32 to vector<512x2048xf32>
    %max3A_11 = arith.maximumf %max3A, %mul3A_9 : vector<512x2048xf32>
    %min3A = vector.broadcast %jit3A_10 : f32 to vector<512x2048xf32>
    %min3A_12 = arith.minimumf %min3A, %max3A_11 : vector<512x2048xf32>
    %swap3A = arith.constant 0 : index
    %swap3A_13 = arith.constant 0 : index
    %swap3A_14 = vector.load %arg4[%swap3A, %swap3A_13] : memref<512x2048xf32, #tpu.memory_space<vmem>>, vector<512x2048xf32>
    tpu.vector_store %arg4[%swap3A, %swap3A_13], %min3A_12 {strides = array<i32>} : memref<512x2048xf32, #tpu.memory_space<vmem>>, vector<512x2048xf32>,
    return
  }
  func.func @transform_0(%arg0: i32, %arg1: i32) -> (i32, i32) {
    %c0_i32 = arith.constant 0 : i32
    %c0_i32_0 = arith.constant 0 : i32
    return %arg0, %c0_i32 : i32, i32
  }
  func.func @transform_1(%arg0: i32, %arg1: i32) -> (i32, i32) {
    %c0_i32 = arith.constant 0 : i32
    %c0_i32_0 = arith.constant 0 : i32
    return %arg1, %c0_i32 : i32, i32
  }
  func.func @transform_2(%arg0: i32, %arg1: i32) -> (i32, i32) {
    %c0_i32 = arith.constant 0 : i32
    return %arg0, %arg1 : i32, i32
  }
}

module attributes {stable_mosaic.version = 14 : i64} {
  func.func @_norm_body(%arg0: i32, %arg1: memref<512x128xf32, #tpu.memory_space<vmem>>, %arg2: memref<512x128xf32, #tpu.memory_space<vmem>>) attributes {dimension_semantics = [#tpu.dimension_semantics<arbitrary>], iteration_bounds = array<i64: 8>, scalar_prefetch = 0 : i64, scratch_operands = 0 : i64, tpu.core_type = #tpu.core_type<tc>, window_params = [{transform_indices = @transform_0, window_bounds = array<i64: 512, 128>}, {transform_indices = @transform_1, window_bounds = array<i64: 512, 128>}]} {
    %get3A = arith.constant 0 : index
    %get3A_0 = arith.constant 0 : index
    %get3A_1 = vector.load %arg1[%get3A, %get3A_0] : memref<512x128xf32, #tpu.memory_space<vmem>>, vector<512x128xf32>
    %mul3A = arith.mulf %get3A_1, %get3A_1 : vector<512x128xf32>
    %reduce_sum3A = arith.constant dense<0.000000e+00> : vector<512xf32>
    %reduce_sum3A_2 = vector.multi_reduction <add>, %mul3A, %reduce_sum3A [1] : vector<512x128xf32> to vector<512xf32>
    %broadcast_in_dim3A = vector.shape_cast %reduce_sum3A_2 : vector<512xf32> to vector<512x1xf32>
    %sqrt3A = math.sqrt %broadcast_in_dim3A : vector<512x1xf32>
    %max3A = arith.constant 9.99999996E-13 : f32
    %max3A_3 = vector.broadcast %max3A : f32 to vector<512x1xf32>
    %max3A_4 = arith.maximumf %sqrt3A, %max3A_3 : vector<512x1xf32>
    %div3A = vector.broadcast %max3A_4 : vector<512x1xf32> to vector<512x128xf32>
    %div3A_5 = arith.divf %get3A_1, %div3A : vector<512x128xf32>
    %swap3A = arith.constant 0 : index
    %swap3A_6 = arith.constant 0 : index
    %swap3A_7 = vector.load %arg2[%swap3A, %swap3A_6] : memref<512x128xf32, #tpu.memory_space<vmem>>, vector<512x128xf32>
    tpu.vector_store %arg2[%swap3A, %swap3A_6], %div3A_5 {strides = array<i32>} : memref<512x128xf32, #tpu.memory_space<vmem>>, vector<512x128xf32>,
    return
  }
  func.func @transform_0(%arg0: i32) -> (i32, i32) {
    %c0_i32 = arith.constant 0 : i32
    %c0_i32_0 = arith.constant 0 : i32
    return %arg0, %c0_i32 : i32, i32
  }
  func.func @transform_1(%arg0: i32) -> (i32, i32) {
    %c0_i32 = arith.constant 0 : i32
    %c0_i32_0 = arith.constant 0 : i32
    return %arg0, %c0_i32 : i32, i32
  }
}

</mosaic_0001>

<sc_bundles>
// kernel: kernel.6.cloned.1.call-start
scs
__scs_entry_jumppad:
0x0: {  	(pc) =	sbr.rel $0x88, $3  }
0x1: {  	(tag) =	ssettag $0x0;
	lr =	simm.s32 $0x1  }
0x2: {  	[smem:$0x3F9F] =	sst lr;
	_ =	strace $0xD0000000  }
0x3: {  	_ = 	snop  }
0x4: {  	_ = 	snop  }
0x5: {  	_ = 	snop  }
0x6: {  	_ = 	snop  }
0x7: {  	_ = 	snop  }
__scs_overlays_trampoline_lowered:
0x8: {  	[smem:$0x3FAE] =	sst s0  }
0x9: {  	[smem:$0x3FAF] =	sst s1  }
0xa: {  	[smem:$0x3FB0] =	sst s2  }
0xb: {  	[smem:$0x3FB1] =	sst s3  }
0xc: {  	[smem:$0x3FB2] =	sst s4  }
0xd: {  	[smem:$0x3FB3] =	sst s5  }
0xe: {  	[smem:$0x3FB4] =	sst s6  }
0xf: {  	[smem:$0x3FB5] =	sst s7  }
0x10: {  	[smem:$0x3FB6] =	sst s8  }
0x11: {  	[smem:$0x3FB7] =	sst s9;
	s0 =	simm.s32 @!p0 $0x0  }
0x12: {  	s1 =	sld [smem:$0x3F9D];
	s0 =	simm.s32 @p0 $0x1  }
0x13: {  	[smem:$0x3FB8] =	sst s0;
	s0 =	simm.s32 @!p1 $0x0  }
0x14: {  	s2 =	sld [smem:$0x3F9C];
	s0 =	simm.s32 @p1 $0x1  }
0x15: {  	[smem:$0x3FB9] =	sst s0;
	s0 =	simm.s32 @!p2 $0x0  }
0x16: {  	s3 =	sld [smem:$0x3FDB];
	s0 =	simm.s32 @p2 $0x1  }
0x17: {  	s4 =	simm.s32 $0x1BF5;
	[smem:$0x3FBB] =	sst s0  }
0x18: {  	s0 =	sld [smem:$0x3F9E];
	_ =	swait.ge [sflag:s4], $0x0  }
0x19: {  	s7 =	sld [smem:$0x3F9F]  }
0x1a: {  	s8 =	sadd.s32 $0xFFFFE003, lr  }
0x1b: {  	s9 =	sadd.s32 $0xFFFFFEF7, lr;
	s5 =	simm.s32 $0xFFFFFFFF;
	p2 =	slt.u32 s8, $0xFFFFF086  }
0x1c: {  	p1 =	slt.u32 s9, $0xF7A;
	s5 =	simm.s32 @!p2 $0x0  }
0x1d: {  	s5 =	simm.s32 @p1 $0x1;
	p0 =	seq.s32 s7, s2  }
0x1e: {  	s7 =	smul.u32 @!p0 $0xF7A, s2;
	p2 =	seq.s32 @!p0 s5, $0x0  }
0x1f: {  	s9 =	smul.u32 $0xF7A, s1;
	s8 =	simm.s32 @!p0 $0x1BF5;
	p2 =	por !p2, p0  }
0x20: {  	[sflag:s8] =	ssyncset.s32 @!p0 $0xFFFFF086;
	s6 =	sadd.s32 @!p0 s3, s7;
	s7 =	simm.s32 @!p0 $0x108  }
0x21: {  	s3 =	sadd.s32 s3, s9;
	s6 =	sadd.s32 @!p0 $0x88, s6;
	s7 =	simm.s32 @p2 $0x1082  }
0x22: {  	[simem:s7], [sflag:s8] =	dma.local @!p0 [hbm:s6], $0xF7A  }
0x23: {  	s9 =	sor.u32 $0xD0000000, s2;
	s6 =	simm.s32 $0x108;
	_ =	swait.ge @!p0 [sflag:s8], $0x0  }
0x24: {  	s3 =	sadd.s32 $0x88, s3;
	s6 =	simm.s32 @!p1 $0x1082;
	[sflag:s4] =	ssyncset.s32 $0xFFFFF086  }
0x25: {  	[simem:s6], [sflag:s4] =	dma.local [hbm:s3], $0xF7A  }
0x26: {  	[smem:$0x3F9F] =	sst s1;
	(tag) =	ssettag s2;
	_ =	strace s9  }
0x27: {  	s1 =	sld [smem:$0x3FAF]  }
0x28: {  	s2 =	sld [smem:$0x3FB0]  }
0x29: {  	s4 =	sld [smem:$0x3FB2]  }
0x2a: {  	p0 =	seq.s32 s5, $0x0;
	s5 =	sld [smem:$0x3FB3]  }
0x2b: {  	s6 =	sld [smem:$0x3FB4]  }
0x2c: {  	s7 =	sld [smem:$0x3FB5]  }
0x2d: {  	s3 =	simm.s32 $0x108;
	s8 =	sld [smem:$0x3FB6]  }
0x2e: {  	s3 =	simm.s32 @!p0 $0x1082;
	s9 =	sld [smem:$0x3FB7]  }
0x2f: {  	lr =	sadd.s32 s0, s3;
	s0 =	sld [smem:$0x3FAE]  }
0x30: {  	s3 =	sld [smem:$0x3FB1]  }
0x31: {  	[smem:$0x3FBA] =	sst s10  }
0x32: {  	s10 =	sld [smem:$0x3FB8];
	_ =	sdelay $0x3  }
0x33: {  	p0 =	seq.s32 s10, $0x1;
	s10 =	sld [smem:$0x3FBA];
	_ =	sdelay $0x3  }
0x34: {  	[smem:$0x3FBA] =	sst s10  }
0x35: {  	s10 =	sld [smem:$0x3FB9];
	_ =	sdelay $0x3  }
0x36: {  	p1 =	seq.s32 s10, $0x1;
	s10 =	sld [smem:$0x3FBA];
	_ =	sdelay $0x3  }
0x37: {  	[smem:$0x3FBA] =	sst s10  }
0x38: {  	s10 =	sld [smem:$0x3FBB]  }
0x39: {  	_ = 	snop;
	(pc) =	sbr.ind lr, $3  }
0x3a: {  	_ = 	snop  }
0x3b: {  	_ = 	snop  }
0x3c: {  	p2 =	seq.s32 s10, $0x1;
	s10 =	sld [smem:$0x3FBA]  }
0x3d: {  	_ =	shalt  }
0x3e: {  	_ =	shalt  }
0x3f: {  	_ =	shalt  }
0x40: {  	_ =	shalt  }
0x41: {  	_ =	shalt  }
0x42: {  	_ =	shalt  }
0x43: {  	_ =	shalt  }
0x44: {  	_ =	shalt  }
0x45: {  	_ =	shalt  }
0x46: {  	_ =	shalt  }
0x47: {  	_ =	shalt  }
0x48: {  	_ =	shalt  }
0x49: {  	_ =	shalt  }
0x4a: {  	_ =	shalt  }
0x4b: {  	_ =	shalt  }
0x4c: {  	_ =	shalt  }
0x4d: {  	_ =	shalt  }
0x4e: {  	_ =	shalt  }
0x4f: {  	_ =	shalt  }
0x50: {  	_ =	shalt  }
0x51: {  	_ =	shalt  }
0x52: {  	_ =	shalt  }
0x53: {  	_ =	shalt  }
0x54: {  	_ =	shalt  }
0x55: {  	_ =	shalt  }
0x56: {  	_ =	shalt  }
0x57: {  	_ =	shalt  }
0x58: {  	_ =	shalt  }
0x59: {  	_ =	shalt  }
0x5a: {  	_ =	shalt  }
0x5b: {  	_ =	shalt  }
0x5c: {  	_ =	shalt  }
0x5d: {  	_ =	shalt  }
0x5e: {  	_ =	shalt  }
0x5f: {  	_ =	shalt  }
0x60: {  	_ =	shalt  }
0x61: {  	_ =	shalt  }
0x62: {  	_ =	shalt  }
0x63: {  	_ =	shalt  }
0x64: {  	_ =	shalt  }
0x65: {  	_ =	shalt  }
0x66: {  	_ =	shalt  }
0x67: {  	_ =	shalt  }
0x68: {  	_ =	shalt  }
0x69: {  	_ =	shalt  }
0x6a: {  	_ =	shalt  }
0x6b: {  	_ =	shalt  }
0x6c: {  	_ =	shalt  }
0x6d: {  	_ =	shalt  }
0x6e: {  	_ =	shalt  }
0x6f: {  	_ =	shalt  }
0x70: {  	_ =	shalt  }
0x71: {  	_ =	shalt  }
0x72: {  	_ =	shalt  }
0x73: {  	_ =	shalt  }
0x74: {  	_ =	shalt  }
0x75: {  	_ =	shalt  }
0x76: {  	_ =	shalt  }
0x77: {  	_ =	shalt  }
0x78: {  	_ =	shalt  }
0x79: {  	_ =	shalt  }
0x7a: {  	_ =	shalt  }
0x7b: {  	_ =	shalt  }
0x7c: {  	_ =	shalt  }
0x7d: {  	_ =	shalt  }
0x7e: {  	_ =	shalt  }
0x7f: {  	_ =	shalt  }
0x80: {  	_ =	shalt  }
0x81: {  	_ =	shalt  }
0x82: {  	_ =	shalt  }
0x83: {  	_ =	shalt  }
0x84: {  	_ =	shalt  }
0x85: {  	_ =	shalt  }
0x86: {  	_ =	shalt  }
0x87: {  	_ =	shalt  }
.Lfunc_end0:
.L_simem_size_0:
called_computation_lowered:
.L_overlay_start_0:
0x88: {  	s2 =	sld [smem:$0x3FD9]  }
0x89: {  	s3 =	sld [smem:$0x3FFE];
	_ =	sdelay $0x1  }
0x8a: {  	s1 =	srdreg.scid  }
0x8b: {  	s0 =	sand.u32 $0x1, s1  }
0x8c: {  	s16 =	sshll.u32 s0, $0xA;
	s2 =	sadd.s32 s3, s2  }
0x8d: {  	s2 =	sadd.s32 s2, s16  }
0x8e: {  	[smem:$0x3FC6] =	sst s2  }
0x8f: {  	_ = 	snop  }
0x90: {  	(tm) =	ssettm $0x1  }
0x91: {  	s17 =	sld [smem:$0x3FFB];
	_ =	sdelay $0x3  }
0x92: {  	_ =	strace s17  }
0x93: {  	s2 =	sld [smem:$0x3FFC];
	_ =	sdelay $0x3  }
0x94: {  	_ =	strace s2  }
0x95: {  	s2 =	sld [smem:$0x3FFD];
	_ =	sdelay $0x3  }
0x96: {  	_ =	strace s2  }
0x97: {  	_ =	strace $0x8FFFFFFF  }
0x98: {  	s18 =	sld [smem:$0x3FDB];
	_ =	sdelay $0x1  }
0x99: {  	s19 =	simm.s32 $_scs_section_size  }
0x9a: {  	s4 =	simm.s32 $_size__tile_overlayer_lowered;
	s5 =	simm.s32 $_tile_overlayer_lowered  }
0x9b: {  	s22 =	simm.s32 $0x1BFF;
	s21 =	sshll.u32 s5, $0x1;
	s2 =	sadd.s32 s19, s18  }
0x9c: {  	s6 =	simm.s32 $0x0;
	s20 =	sshll.u32 s4, $0x1;
	s4 =	sadd.s32 s21, s2  }
0x9d: {  	[timem:s6], [sflag:s22] =	dma.local [hbm:s4], s20  }
0x9e: {  	_ =	swait.ge [sflag:s22], s20  }
0x9f: {  	s3 =	ssub.s32 $0x0, s20;
	[sflag:s22] =	ssyncset.done $0x0  }
0xa0: {  	[sflag:s22] =	ssyncadd.s32 s3;
	_ =	sdelay $0x1  }
0xa1: {  	s23 =	simm.s32 $0x1B8B  }
0xa2: {  	_ =	swait.ge [sflag:s23], $0x1  }
0xa3: {  	[sflag:s23] =	ssyncset.done $0x0  }
0xa4: {  	s25 =	simm.s32 $0x1B8E;
	s24 =	sld [smem:$0x3FFE];
	[sflag:s23] =	ssyncadd.s32 $0xFFFFFFFF  }
0xa5: {  	s26 =	simm.s32 $execute0_lowered;
	[smem:$0x3FD2] =	sst s25  }
0xa6: {  	s4 =	sshll.u32 s26, $0x1;
	_ =	strace $0x80000046;
	[dreg:$0x1] =	wrdreg $0xFFFFFFFF  }
0xa7: {  	s28 =	simm.s32 $_size_execute0_lowered;
	s2 =	sadd.s32 s2, s4;
	[dreg:$0x0] =	wrdreg $0x0  }
0xa8: {  	s4 =	sshll.u32 s28, $0x1;
	[dreg:$0x2] =	wrdreg s2  }
0xa9: {  	[dreg:$0x3] =	wrdreg s4  }
0xaa: {  	[dreg:$0x4] =	wrdreg $0xC0  }
0xab: {  	_ =	task [dreg:s6], $0x5FFFF  }
0xac: {  	[dreg:$0x1] =	wrdreg $0xFFFFFFFF  }
0xad: {  	[dreg:$0x0] =	wrdreg $0x60  }
0xae: {  	[dreg:$0x2] =	wrdreg s24  }
0xaf: {  	[dreg:$0x3] =	wrdreg $0x9  }
0xb0: {  	_ =	task.clear_ibuf [dreg:s6], $0x4FFFF;
	_ =	strace $0x90000046  }
0xb1: {  	s29 =	simm.s32 $0x9;
	_ =	strace $0x80000048  }
0xb2: {  	_ =	swait.ge [sflag:s29], $0x1  }
0xb3: {  	[sflag:s29] =	ssyncadd.s32 $0xFFFFFFFF  }
0xb4: {  	_ =	strace $0x90000048  }
0xb5: {  	_ =	sfence  }
0xb6: {  	s30 =	sld [smem:$0x0];
	_ =	sdelay $0x2  }
0xb7: {  	s31 =	sshll.u32 s1, $0xD;
	s1 =	sshrl.u32 s1, $0x2  }
0xb8: {  	s3 =	sand.u32 $0x4000, s31;
	s1 =	sadd.s32 s1, s30  }
0xb9: {  	s0 =	sor.u32 s3, s0;
	s1 =	sshll.u32 s1, $0x11  }
0xba: {  	s0 =	sor.u32 s1, s0  }
0xbb: {  	s0 =	sadd.s32 $0x8F2B, s0  }
0xbc: {  	[sflag:s0] =	ssyncadd.remote.s32 $0x1  }
0xbd: {  	_ =	sfence.sel $0xFFFF  }
0xbe: {  	[dreg:$0x0] =	wrdreg $0xFFFFFFFF;
	(pc) =	sbr.abs _section_cstart, $3  }
0xbf: {  	[dreg:$0x1] =	wrdreg $0xFFFFFFFF  }
0xc0: {  	_ =	task.clear_ibuf [dreg:s6], $0x2FFFF;
	_ =	strace $0x9FFFFFFF  }
0xc1: {  	(tm) =	ssettm $0x7FFFFFFF  }
tec
execute0_lowered:
.L_overlay_start_1:
0x0: {  	(tag) =	ssettag $0x1  }
0x1: {  	s5 =	rddreg [dreg:$0x0]  }
0x2: {  	s0 =	rddreg [dreg:$0x1]  }
0x3: {  	s1 =	simm.s32 $0x0;
	s2 =	srdreg.scid;
	s10 =	simm.s32 $0x1  }
0x4: {  	s11 =	simm.s32 $0x19000;
	s12 =	simm.s32 $0x19100;
	s13 =	simm.s32 $0x19200  }
0x5: {  	s14 =	simm.s32 $0x19280;
	s15 =	simm.s32 $0x0;
	[smem:$0x7FF] =	sst s1  }
0x6: {  	s3 =	sadd.s32 $0x320A00, s5;
	s6 =	sand.u32 $0x1, s2;
	s4 =	sadd.s32 $0xA00, s5  }
0x7: {  	s2 =	stileid.u32;
	s5 =	sadd.s32 $0x10A00, s5;
	s7 =	ssub.s32 $0x2, s6  }
0x8: {  	s9 =	sshll.u32 s2, $0x8;
	s6 =	sshll.u32 s6, $0x7;
	s8 =	sshrl.u32 s7, $0x1  }
0x9: {  	_ =	strace $0x80000047;
	s6 =	sor.u32 s6, s9;
	s7 =	ssub.s32 s7, s8  }
0xa: {  	v0 =	vimm.f32 $0.0e+00;
	v1 =	vimm.s32 $0x0;
	s9 =	simm.s32 $0x400;
	s8 =	simm.s32 $0x80;
	s7 =	smax.u32 s7, $0x1  }
.LBB2_1:
0xb: {  	s16 =	simm.s32 $0x0  }
.LBB2_2:
0xc: {  	s17 =	sadd.s32 s6, s16  }
0xd: {  	s18 =	sshrl.u32 s17, $0x3  }
0xe: {  	s31 =	sshll.u32 s16, $0x7;
	s19 =	smul.u32 $0xC8000, s18  }
0xf: {  	s17 =	sand.u32 $0x380, s31  }
0x10: {  	s19 =	sor.u32 s17, s19  }
0x11: {  	s19 =	sshrl.u32 s19, $0x3  }
0x12: {  	s21 =	simm.s32 $0x0;
	s19 =	sadd.s32 s3, s19  }
0x13: {  	[tilespmem:s21], [sflag:$0x1] =	stream.strided.gather [hbm4b:s19+s8], $0x19000, s9, s8, $0x38;
	[tilespmem:$0x19300] =	vst v63  }
0x14: {  	_ =	swait.ge [sflag:s10], $0x19000  }
0x15: {  	[sflag:s10] =	ssyncset.done $0x0  }
0x16: {  	[sflag:s10] =	ssyncadd.s32 $0xFFFE7000  }
0x17: {  	[tilespmem:$0x19000] =	vst v0  }
0x18: {  	[tilespmem:$0x19010] =	vst v0  }
0x19: {  	[tilespmem:$0x19020] =	vst v0  }
0x1a: {  	[tilespmem:$0x19030] =	vst v0  }
0x1b: {  	[tilespmem:$0x19040] =	vst v0  }
0x1c: {  	[tilespmem:$0x19050] =	vst v0  }
0x1d: {  	[tilespmem:$0x19060] =	vst v0  }
0x1e: {  	[tilespmem:$0x19070] =	vst v0  }
0x1f: {  	[tilespmem:$0x19080] =	vst v0  }
0x20: {  	[tilespmem:$0x19090] =	vst v0  }
0x21: {  	[tilespmem:$0x190A0] =	vst v0  }
.Ltmp0:
0x22: {  	[tilespmem:$0x190B0] =	vst v0;
	(pc) =	sbr.rel .LBB2_3-.Ltmp0, $4  }
0x23: {  	[tilespmem:$0x190C0] =	vst v0  }
0x24: {  	[tilespmem:$0x190D0] =	vst v0  }
0x25: {  	[tilespmem:$0x190E0] =	vst v0  }
0x26: {  	s20 =	simm.f32 $-1.000000000e+00;
	s19 =	simm.s32 $0x0;
	[tilespmem:$0x190F0] =	vst v0  }
.LBB2_4:
0x27: {  	s22 =	smov.u32 @p0 s21  }
0x28: {  	s20 =	smov.u32 @p0 s20;
	s21 =	smov.u32 s22  }
.LBB2_8:
0x29: {  	s19 =	sadd.s32 $0x1, s19  }
0x2a: {  	p0 =	seq.s32 s19, $0x320  }
.Ltmp1:
0x2b: {  	_ = 	snop;
	(pc) =	sbr.rel @p0 .LBB2_9-.Ltmp1, $1  }
0x2c: {  	_ =	sdelay $0x3  }
.LBB2_3:
0x2d: {  	s22 =	sshll.u32 s19, $0x7  }
0x2e: {  	s22 =	sand.u32 $0x3FFFFF80, s22  }
0x2f: {  	v2 =	vld [tilespmem:s22+$0x10]  }
0x30: {  	v3 =	vld [tilespmem:s22+$0x20]  }
0x31: {  	v4 =	vld [tilespmem:s22+$0x30]  }
0x32: {  	v5 =	vld [tilespmem:s22+$0x40]  }
0x33: {  	v6 =	vld [tilespmem:s22+$0x50]  }
0x34: {  	v7 =	vld [tilespmem:s22+$0x60]  }
0x35: {  	vm0 =	vgt.f32 v2, s20;
	vm1 =	vgt.f32 v3, s20;
	v2 =	vld [tilespmem:s22+$0x70]  }
0x36: {  	v3 =	vld [tilespmem:s22+$0x0];
	vm11 =	vgt.f32 v4, s20;
	vm0 =	vmor vm0, vm1  }
0x37: {  	vm12 =	vgt.f32 v5, s20;
	vm0 =	vmor vm0, vm11  }
0x38: {  	vm13 =	vgt.f32 v6, s20;
	vm0 =	vmor vm0, vm12  }
0x39: {  	vm14 =	vgt.f32 v7, s20;
	vm0 =	vmor vm0, vm13  }
0x3a: {  	vm0 =	vmor vm0, vm14;
	vm15 =	vgt.f32 v2, s20  }
0x3b: {  	vm2 =	vgt.f32 v3, s20;
	vm0 =	vmor vm0, vm15  }
0x3c: {  	vm0 =	vmor vm2, vm0  }
0x3d: {  	v2 =	vmpcnt.ones.xlane vm0;
	_ =	sdelay $0x1  }
0x3e: {  	(v2sf) =	vpush v2, $0x0;
	_ =	sdelay $0xe  }
0x3f: {  	s23 =	spop (v2sf)  }
0x40: {  	v2 =	vmov s20;
	p0 =	slt.s32 s23, $0x1  }
0x41: {  	vm0 =	vgt.f32 @!p0 v3, v2;
	v4 =	vimm.s32 @!p0 $0x0  }
0x42: {  	v5 =	vsel @!p0 vm0, $0x1, v4  }
0x43: {  	(xrf0) =	vadd.scan.msk.s32 @!p0 $0xffff, v5;
	_ =	sdelay $0x2  }
0x44: {  	v5 =	vmov @!p0 s21  }
0x45: {  	v5 =	vadd.s32 @!p0 $0xFFFFFFFF, v5  }
0x46: {  	v5 =	vbroadcast @!p0 v5, $0x0  }
0x47: {  	v6, _, _ =	vpop @!p0 (xrf0)  }
0x48: {  	v6 =	vadd.s32 @!p0 v6, v5;
	_ =	sdelay $0x3  }
0x49: {  	s24 =	sshll.u32 @!p0 s19, $0x7;
	v7 =	vlaneseq.u32 @!p0;
	s23 =	simm.s32 @!p0 $0x19000  }
0x4a: {  	s25 =	simm.s32 @!p0 $0x19100;
	v8 =	vor.u32 @!p0 s24, v7;
	[tilespmem:v6+s23+$0x0] =	vst.idx.msk @!p0 vm0, v3  }
0x4b: {  	[tilespmem:v6+s25+$0x0] =	vst.idx.msk @!p0 vm0, v8  }
0x4c: {  	v3 =	vld @!p0 [tilespmem:s22+$0x10];
	_ =	sdelay $0x4  }
0x4d: {  	vm1 =	vgt.f32 @!p0 v3, v2  }
0x4e: {  	v6 =	vsel @!p0 vm1, $0x1, v4  }
0x4f: {  	(xrf0) =	vadd.scan.msk.s32 @!p0 $0xffff, v6;
	_ =	sdelay $0x3  }
0x50: {  	v6 =	vmpcnt.ones.xlane @!p0 vm0;
	_ =	sdelay $0x1  }
0x51: {  	v9 =	vadd.s32 @!p0 v6, v5;
	v8, _, _ =	vpop @!p0 (xrf0)  }
0x52: {  	v8 =	vadd.s32 @!p0 v8, v9;
	_ =	sdelay $0x3  }
0x53: {  	s26 =	sor.u32 @!p0 $0x10, s24  }
0x54: {  	v9 =	vor.u32 @!p0 s26, v7;
	[tilespmem:v8+s23+$0x0] =	vst.idx.msk @!p0 vm1, v3  }
0x55: {  	[tilespmem:v8+s25+$0x0] =	vst.idx.msk @!p0 vm1, v9  }
0x56: {  	v3 =	vld @!p0 [tilespmem:s22+$0x20];
	_ =	sdelay $0x4  }
0x57: {  	vm0 =	vgt.f32 @!p0 v3, v2  }
0x58: {  	v8 =	vsel @!p0 vm0, $0x1, v4  }
0x59: {  	(xrf0) =	vadd.scan.msk.s32 @!p0 $0xffff, v8;
	_ =	sdelay $0x1  }
0x5a: {  	v8 =	vmpcnt.ones.xlane @!p0 vm1;
	_ =	sdelay $0x2  }
0x5b: {  	v6 =	vadd.s32 @!p0 v6, v8  }
0x5c: {  	v9 =	vadd.s32 @!p0 v6, v5;
	v8, _, _ =	vpop @!p0 (xrf0)  }
0x5d: {  	v8 =	vadd.s32 @!p0 v8, v9;
	_ =	sdelay $0x3  }
0x5e: {  	s26 =	sor.u32 @!p0 $0x20, s24  }
0x5f: {  	v9 =	vor.u32 @!p0 s26, v7;
	[tilespmem:v8+s23+$0x0] =	vst.idx.msk @!p0 vm0, v3  }
0x60: {  	[tilespmem:v8+s25+$0x0] =	vst.idx.msk @!p0 vm0, v9  }
0x61: {  	v3 =	vld @!p0 [tilespmem:s22+$0x30];
	_ =	sdelay $0x4  }
0x62: {  	vm1 =	vgt.f32 @!p0 v3, v2  }
0x63: {  	v8 =	vsel @!p0 vm1, $0x1, v4  }
0x64: {  	(xrf0) =	vadd.scan.msk.s32 @!p0 $0xffff, v8;
	_ =	sdelay $0x1  }
0x65: {  	v8 =	vmpcnt.ones.xlane @!p0 vm0;
	_ =	sdelay $0x2  }
0x66: {  	v6 =	vadd.s32 @!p0 v6, v8  }
0x67: {  	v9 =	vadd.s32 @!p0 v6, v5;
	v8, _, _ =	vpop @!p0 (xrf0)  }
0x68: {  	v8 =	vadd.s32 @!p0 v8, v9;
	_ =	sdelay $0x3  }
0x69: {  	s26 =	sor.u32 @!p0 $0x30, s24  }
0x6a: {  	v9 =	vor.u32 @!p0 s26, v7;
	[tilespmem:v8+s23+$0x0] =	vst.idx.msk @!p0 vm1, v3  }
0x6b: {  	[tilespmem:v8+s25+$0x0] =	vst.idx.msk @!p0 vm1, v9  }
0x6c: {  	v3 =	vld @!p0 [tilespmem:s22+$0x40];
	_ =	sdelay $0x4  }
0x6d: {  	vm0 =	vgt.f32 @!p0 v3, v2  }
0x6e: {  	v8 =	vsel @!p0 vm0, $0x1, v4  }
0x6f: {  	(xrf0) =	vadd.scan.msk.s32 @!p0 $0xffff, v8;
	_ =	sdelay $0x1  }
0x70: {  	v8 =	vmpcnt.ones.xlane @!p0 vm1;
	_ =	sdelay $0x2  }
0x71: {  	v6 =	vadd.s32 @!p0 v6, v8  }
0x72: {  	v9 =	vadd.s32 @!p0 v6, v5;
	v8, _, _ =	vpop @!p0 (xrf0)  }
0x73: {  	v8 =	vadd.s32 @!p0 v8, v9;
	_ =	sdelay $0x3  }
0x74: {  	s26 =	sor.u32 @!p0 $0x40, s24  }
0x75: {  	v9 =	vor.u32 @!p0 s26, v7;
	[tilespmem:v8+s23+$0x0] =	vst.idx.msk @!p0 vm0, v3  }
0x76: {  	[tilespmem:v8+s25+$0x0] =	vst.idx.msk @!p0 vm0, v9  }
0x77: {  	v3 =	vld @!p0 [tilespmem:s22+$0x50];
	_ =	sdelay $0x4  }
0x78: {  	vm1 =	vgt.f32 @!p0 v3, v2  }
0x79: {  	v8 =	vsel @!p0 vm1, $0x1, v4  }
0x7a: {  	(xrf0) =	vadd.scan.msk.s32 @!p0 $0xffff, v8;
	_ =	sdelay $0x1  }
0x7b: {  	v8 =	vmpcnt.ones.xlane @!p0 vm0;
	_ =	sdelay $0x2  }
0x7c: {  	v6 =	vadd.s32 @!p0 v6, v8  }
0x7d: {  	v9 =	vadd.s32 @!p0 v6, v5;
	v8, _, _ =	vpop @!p0 (xrf0)  }
0x7e: {  	v8 =	vadd.s32 @!p0 v8, v9;
	_ =	sdelay $0x3  }
0x7f: {  	s26 =	sor.u32 @!p0 $0x50, s24  }
0x80: {  	v9 =	vor.u32 @!p0 s26, v7;
	[tilespmem:v8+s23+$0x0] =	vst.idx.msk @!p0 vm1, v3  }
0x81: {  	[tilespmem:v8+s25+$0x0] =	vst.idx.msk @!p0 vm1, v9  }
0x82: {  	v3 =	vld @!p0 [tilespmem:s22+$0x60];
	_ =	sdelay $0x4  }
0x83: {  	vm0 =	vgt.f32 @!p0 v3, v2  }
0x84: {  	v8 =	vsel @!p0 vm0, $0x1, v4  }
0x85: {  	(xrf0) =	vadd.scan.msk.s32 @!p0 $0xffff, v8;
	_ =	sdelay $0x1  }
0x86: {  	v8 =	vmpcnt.ones.xlane @!p0 vm1;
	_ =	sdelay $0x2  }
0x87: {  	v6 =	vadd.s32 @!p0 v6, v8  }
0x88: {  	v9 =	vadd.s32 @!p0 v6, v5;
	v8, _, _ =	vpop @!p0 (xrf0)  }
0x89: {  	v8 =	vadd.s32 @!p0 v8, v9;
	_ =	sdelay $0x3  }
0x8a: {  	s26 =	sor.u32 @!p0 $0x60, s24  }
0x8b: {  	v9 =	vor.u32 @!p0 s26, v7;
	[tilespmem:v8+s23+$0x0] =	vst.idx.msk @!p0 vm0, v3  }
0x8c: {  	[tilespmem:v8+s25+$0x0] =	vst.idx.msk @!p0 vm0, v9  }
0x8d: {  	v3 =	vld @!p0 [tilespmem:s22+$0x70];
	_ =	sdelay $0x4  }
0x8e: {  	v8 =	vmpcnt.ones.xlane @!p0 vm0;
	vm0 =	vgt.f32 @!p0 v3, v2  }
0x8f: {  	v2 =	vmpcnt.ones.xlane @!p0 vm0  }
0x90: {  	v6 =	vadd.s32 @!p0 v6, v8  }
0x91: {  	v2 =	vadd.s32 @!p0 v6, v2  }
0x92: {  	(v2sf) =	vpush @!p0 v2, $0x0;
	_ =	sdelay $0x8  }
0x93: {  	v2 =	vsel @!p0 vm0, $0x1, v4  }
0x94: {  	(xrf0) =	vadd.scan.msk.s32 @!p0 $0xffff, v2;
	_ =	sdelay $0x4  }
0x95: {  	s22 =	spop @!p0 (v2sf)  }
0x96: {  	v4 =	vadd.s32 @!p0 v6, v5;
	v2, _, _ =	vpop @!p0 (xrf0);
	s22 =	sadd.s32 @!p0 s21, s22  }
0x97: {  	v2 =	vadd.s32 @!p0 v2, v4;
	p1 =	slt.s32 @!p0 s22, $0x81  }
0x98: {  	p1 =	por p0, p1  }
.Ltmp2:
0x99: {  	_ = 	snop;
	(pc) =	sbr.rel @p1 .LBB2_4-.Ltmp2, $4  }
0x9a: {  	_ = 	snop  }
0x9b: {  	s24 =	sor.u32 @!p0 $0x70, s24  }
0x9c: {  	v4 =	vor.u32 @!p0 s24, v7;
	[tilespmem:v2+s23+$0x0] =	vst.idx.msk @!p0 vm0, v3  }
0x9d: {  	[tilespmem:v2+s25+$0x0] =	vst.idx.msk @!p0 vm0, v4  }
0x9e: {  	s20 =	simm.s32 $0x0;
	s23 =	simm.s32 $0x40000000  }
0x9f: {  	v3 =	vld [tilespmem:$0x19000];
	s24 =	simm.s32 $0x40000000;
	p1 =	por $0x1, $0x1;
	s21 =	simm.s32 $0x1E  }
.LBB2_6:
0xa0: {  	s22 =	smov.u32 s23;
	s25 =	simm.s32 $0x1  }
0xa1: {  	p0 =	sne.s32 s21, $0x1;
	s23 =	sshra.s32 s24, $0x1F;
	s25 =	simm.s32 @!p1 $0x0  }
0xa2: {  	s23 =	sor.u32 s25, s23;
	s25 =	sand.u32 $0x1, s24  }
0xa3: {  	s26 =	sshrl.u32 s24, $0x1F;
	p1 =	sne.s32 s23, $0x1;
	p2 =	seq.s32 s25, $0x1;
	v2 =	vld [tilespmem:$0x19010]  }
0xa4: {  	s23 =	sadd.s32 s26, s24;
	p1 =	por !p1, !p2;
	v4 =	vld [tilespmem:$0x19020]  }
0xa5: {  	s24 =	simm.s32 $0x1;
	s23 =	sshra.s32 s23, $0x1;
	p1 =	por !p1, !p1;
	v5 =	vld [tilespmem:$0x19030]  }
0xa6: {  	s23 =	sadd.s32 s20, s23;
	s24 =	simm.s32 @!p1 $0x0;
	v6 =	vld [tilespmem:$0x19040]  }
0xa7: {  	s23 =	ssub.s32 s23, s24;
	v7 =	vld [tilespmem:$0x19050]  }
0xa8: {  	vm0 =	vge.s32 v3, s23;
	vm1 =	vge.s32 v2, s23;
	v2 =	vld [tilespmem:$0x19060]  }
0xa9: {  	v8 =	vmpcnt.ones.xlane vm0;
	v9 =	vmpcnt.ones.xlane vm1;
	vm0 =	vge.s32 v4, s23;
	v4 =	vld [tilespmem:$0x19070]  }
0xaa: {  	v10 =	vmpcnt.ones.xlane vm0;
	vm0 =	vge.s32 v5, s23;
	v5 =	vld [tilespmem:$0x19080]  }
0xab: {  	v8 =	vadd.s32 v8, v9;
	v9 =	vmpcnt.ones.xlane vm0;
	vm0 =	vge.s32 v6, s23;
	v6 =	vld [tilespmem:$0x19090]  }
0xac: {  	v8 =	vadd.s32 v10, v8;
	v10 =	vmpcnt.ones.xlane vm0;
	vm0 =	vge.s32 v7, s23;
	v7 =	vld [tilespmem:$0x190A0]  }
0xad: {  	v8 =	vadd.s32 v9, v8;
	v9 =	vmpcnt.ones.xlane vm0;
	vm0 =	vge.s32 v2, s23;
	v2 =	vld [tilespmem:$0x190B0]  }
0xae: {  	v8 =	vadd.s32 v10, v8;
	v10 =	vmpcnt.ones.xlane vm0;
	vm0 =	vge.s32 v4, s23;
	v4 =	vld [tilespmem:$0x190C0]  }
0xaf: {  	v8 =	vadd.s32 v9, v8;
	v9 =	vmpcnt.ones.xlane vm0;
	vm0 =	vge.s32 v5, s23;
	v5 =	vld [tilespmem:$0x190D0]  }
0xb0: {  	v8 =	vadd.s32 v10, v8;
	v10 =	vmpcnt.ones.xlane vm0;
	vm0 =	vge.s32 v6, s23;
	v6 =	vld [tilespmem:$0x190E0]  }
0xb1: {  	v8 =	vadd.s32 v9, v8;
	v9 =	vmpcnt.ones.xlane vm0;
	vm0 =	vge.s32 v7, s23;
	v7 =	vld [tilespmem:$0x190F0]  }
0xb2: {  	v8 =	vadd.s32 v10, v8;
	v10 =	vmpcnt.ones.xlane vm0;
	vm0 =	vge.s32 v2, s23  }
0xb3: {  	v2 =	vadd.s32 v9, v8;
	v8 =	vmpcnt.ones.xlane vm0;
	vm0 =	vge.s32 v4, s23  }
0xb4: {  	v2 =	vadd.s32 v10, v2;
	v4 =	vmpcnt.ones.xlane vm0;
	vm0 =	vge.s32 v5, s23  }
0xb5: {  	v2 =	vadd.s32 v8, v2;
	v5 =	vmpcnt.ones.xlane vm0;
	vm0 =	vge.s32 v6, s23  }
0xb6: {  	v2 =	vadd.s32 v4, v2;
	v4 =	vmpcnt.ones.xlane vm0;
	vm0 =	vge.s32 v7, s23  }
0xb7: {  	v2 =	vadd.s32 v5, v2;
	v5 =	vmpcnt.ones.xlane vm0  }
0xb8: {  	v2 =	vadd.s32 v4, v2  }
0xb9: {  	v2 =	vadd.s32 v5, v2  }
0xba: {  	(v2sf) =	vpush v2, $0x0;
	_ =	sdelay $0xd  }
.Ltmp3:
0xbb: {  	(pc) =	sbr.rel @p0 .LBB2_6-.Ltmp3, $4  }
0xbc: {  	s24 =	spop (v2sf)  }
0xbd: {  	p1 =	sgt.s32 s24, $0x3F  }
0xbe: {  	s20 =	smov.u32 @p1 s23;
	s23 =	smov.u32 @p1 s22  }
0xbf: {  	s21 =	sadd.s32 $0xFFFFFFFF, s21;
	s24 =	ssub.s32 s23, s20;
	p1 =	sne.s32 s23, s20  }
0xc0: {  	s21 =	simm.s32 $0x1  }
0xc1: {  	s22 =	sshra.s32 s24, $0x1F;
	s21 =	simm.s32 @!p1 $0x0  }
0xc2: {  	s31 =	sand.u32 $0x1, s24;
	s21 =	sor.u32 s21, s22  }
0xc3: {  	s23 =	sshrl.u32 s24, $0x1F;
	v4 =	vld [tilespmem:$0x19010];
	p6 =	seq.s32 s31, $0x1;
	p0 =	sne.s32 s21, $0x1  }
0xc4: {  	v5 =	vld [tilespmem:$0x19020];
	s23 =	sadd.s32 s23, s24;
	p0 =	por !p0, !p6  }
0xc5: {  	v6 =	vld [tilespmem:$0x19030];
	s22 =	simm.s32 $0x1;
	s21 =	sshra.s32 s23, $0x1;
	p0 =	por !p0, !p0  }
0xc6: {  	v7 =	vld [tilespmem:$0x19040];
	s21 =	sadd.s32 s20, s21;
	s22 =	simm.s32 @!p0 $0x0  }
0xc7: {  	v8 =	vld [tilespmem:$0x19050];
	s21 =	ssub.s32 s21, s22  }
0xc8: {  	v9 =	vld [tilespmem:$0x19060];
	vm0 =	vge.s32 v3, s21;
	vm1 =	vge.s32 v4, s21  }
0xc9: {  	v11 =	vld [tilespmem:$0x19070];
	vm13 =	vge.s32 v5, s21;
	v2 =	vmpcnt.ones.xlane vm0;
	v10 =	vmpcnt.ones.xlane vm1  }
0xca: {  	v13 =	vld [tilespmem:$0x19080];
	vm14 =	vge.s32 v6, s21;
	v12 =	vmpcnt.ones.xlane vm13  }
0xcb: {  	v14 =	vld [tilespmem:$0x19090];
	vm15 =	vge.s32 v7, s21;
	v27 =	vmpcnt.ones.xlane vm14;
	v2 =	vadd.s32 v2, v10  }
0xcc: {  	v15 =	vld [tilespmem:$0x190A0];
	vm4 =	vge.s32 v8, s21;
	v28 =	vmpcnt.ones.xlane vm15;
	v2 =	vadd.s32 v12, v2  }
0xcd: {  	v16 =	vld [tilespmem:$0x190B0];
	vm5 =	vge.s32 v9, s21;
	v29 =	vmpcnt.ones.xlane vm4;
	v2 =	vadd.s32 v27, v2  }
0xce: {  	v17 =	vld [tilespmem:$0x190C0];
	vm6 =	vge.s32 v11, s21;
	v30 =	vmpcnt.ones.xlane vm5;
	v2 =	vadd.s32 v28, v2  }
0xcf: {  	v18 =	vld [tilespmem:$0x190D0];
	vm7 =	vge.s32 v13, s21;
	v31 =	vmpcnt.ones.xlane vm6;
	v2 =	vadd.s32 v29, v2  }
0xd0: {  	v19 =	vld [tilespmem:$0x190E0];
	vm8 =	vge.s32 v14, s21;
	v32 =	vmpcnt.ones.xlane vm7;
	v2 =	vadd.s32 v30, v2  }
0xd1: {  	v20 =	vld [tilespmem:$0x190F0];
	vm9 =	vge.s32 v15, s21;
	v33 =	vmpcnt.ones.xlane vm8;
	v2 =	vadd.s32 v31, v2  }
0xd2: {  	vm10 =	vge.s32 v16, s21;
	v34 =	vmpcnt.ones.xlane vm9;
	v2 =	vadd.s32 v32, v2  }
0xd3: {  	vm11 =	vge.s32 v17, s21;
	v35 =	vmpcnt.ones.xlane vm10;
	v2 =	vadd.s32 v33, v2  }
0xd4: {  	vm12 =	vge.s32 v18, s21;
	v36 =	vmpcnt.ones.xlane vm11;
	v2 =	vadd.s32 v34, v2  }
0xd5: {  	v37 =	vmpcnt.ones.xlane vm12;
	vm13 =	vge.s32 v19, s21;
	v2 =	vadd.s32 v35, v2  }
0xd6: {  	vm14 =	vge.s32 v20, s21;
	v38 =	vmpcnt.ones.xlane vm13;
	v2 =	vadd.s32 v36, v2  }
0xd7: {  	v39 =	vmpcnt.ones.xlane vm14;
	v2 =	vadd.s32 v37, v2  }
0xd8: {  	v2 =	vadd.s32 v38, v2  }
0xd9: {  	v2 =	vadd.s32 v39, v2  }
0xda: {  	(v2sf) =	vpush v2, $0x0;
	_ =	sdelay $0xe  }
0xdb: {  	s24 =	spop (v2sf)  }
0xdc: {  	p0 =	sgt.s32 s24, $0x3F  }
0xdd: {  	s20 =	smov.u32 @p0 s21  }
0xde: {  	v2 =	vmov s20  }
0xdf: {  	vm15 =	vgt.s32 v4, s20;
	vm0 =	vlt.s32 v2, v3  }
0xe0: {  	vm4 =	vgt.s32 v5, s20;
	v41 =	vmpcnt.ones.xlane vm15;
	v40 =	vmpcnt.ones.xlane vm0  }
0xe1: {  	vm5 =	vgt.s32 v6, s20;
	v5 =	vmpcnt.ones.xlane vm4  }
0xe2: {  	vm6 =	vgt.s32 v7, s20;
	v6 =	vmpcnt.ones.xlane vm5;
	v4 =	vadd.s32 v40, v41  }
0xe3: {  	vm7 =	vgt.s32 v8, s20;
	v42 =	vmpcnt.ones.xlane vm6;
	v4 =	vadd.s32 v5, v4  }
0xe4: {  	vm8 =	vgt.s32 v9, s20;
	v43 =	vmpcnt.ones.xlane vm7;
	v4 =	vadd.s32 v6, v4  }
0xe5: {  	vm9 =	vgt.s32 v11, s20;
	v44 =	vmpcnt.ones.xlane vm8;
	v4 =	vadd.s32 v42, v4  }
0xe6: {  	vm10 =	vgt.s32 v13, s20;
	v45 =	vmpcnt.ones.xlane vm9;
	v4 =	vadd.s32 v43, v4  }
0xe7: {  	vm11 =	vgt.s32 v14, s20;
	v46 =	vmpcnt.ones.xlane vm10;
	v4 =	vadd.s32 v44, v4  }
0xe8: {  	vm12 =	vgt.s32 v15, s20;
	v47 =	vmpcnt.ones.xlane vm11;
	v4 =	vadd.s32 v45, v4  }
0xe9: {  	vm13 =	vgt.s32 v16, s20;
	v48 =	vmpcnt.ones.xlane vm12;
	v4 =	vadd.s32 v46, v4  }
0xea: {  	vm14 =	vgt.s32 v17, s20;
	v49 =	vmpcnt.ones.xlane vm13;
	v4 =	vadd.s32 v47, v4  }
0xeb: {  	v50 =	vmpcnt.ones.xlane vm14;
	vm15 =	vgt.s32 v18, s20;
	v4 =	vadd.s32 v48, v4  }
0xec: {  	vm4 =	vgt.s32 v19, s20;
	v51 =	vmpcnt.ones.xlane vm15;
	v4 =	vadd.s32 v49, v4  }
0xed: {  	vm5 =	vgt.s32 v20, s20;
	v52 =	vmpcnt.ones.xlane vm4;
	v4 =	vadd.s32 v50, v4  }
0xee: {  	v53 =	vmpcnt.ones.xlane vm5;
	v4 =	vadd.s32 v51, v4  }
0xef: {  	v4 =	vadd.s32 v52, v4  }
0xf0: {  	v4 =	vadd.s32 v53, v4  }
0xf1: {  	(v2sf) =	vpush v4, $0x0;
	_ =	sdelay $0x7  }
0xf2: {  	vm6 =	veq.s32 v2, v3  }
0xf3: {  	v54 =	vsel vm6, $0x1, v1  }
0xf4: {  	(xrf0) =	vadd.scan.msk.s32 $0xffff, v54;
	_ =	sdelay $0x4  }
0xf5: {  	s25 =	spop (v2sf)  }
0xf6: {  	v55 =	vld [tilespmem:$0x19100];
	v56, _, _ =	vpop (xrf0);
	s21 =	ssub.s32 $0x40, s25  }
0xf7: {  	vm2 =	vle.s32 v56, s21  }
0xf8: {  	vm2 =	vmand vm6, vm2  }
0xf9: {  	vm0 =	vmor vm0, vm2  }
0xfa: {  	[tilespmem:s11+$0x0] =	vst.msk vm0, v3  }
0xfb: {  	[tilespmem:s12+$0x0] =	vst.msk vm0, v55  }
0xfc: {  	v3 =	vld [tilespmem:$0x19010];
	_ =	sdelay $0x3  }
0xfd: {  	v57 =	vmpcnt.ones.xlane vm0  }
0xfe: {  	vm7 =	veq.s32 v2, v3  }
0xff: {  	(v2sf) =	vpush v57, $0x0;
	v58 =	vsel vm7, $0x1, v1  }
0x100: {  	(xrf0) =	vadd.scan.msk.s32 $0xffff, v58;
	_ =	sdelay $0x2  }
0x101: {  	v59 =	vmpcnt.ones.xlane vm6;
	_ =	sdelay $0x1  }
0x102: {  	v60 =	vbroadcast v59, $0x0  }
0x103: {  	v61, _, _ =	vpop (xrf0)  }
0x104: {  	v5 =	vadd.s32 v60, v61  }
0x105: {  	vm8 =	vle.s32 v5, s21  }
0x106: {  	vm9 =	vlt.s32 v2, v3;
	vm1 =	vmand vm7, vm8  }
0x107: {  	vm1 =	vmor vm9, vm1  }
0x108: {  	v62 =	vld [tilespmem:$0x19110];
	v63 =	vmpcnt.ones.xlane vm1  }
0x109: {  	(v2sf) =	vpush v59, $0x0;
	v9 =	vmpcnt.ones.xlane vm7  }
0x10a: {  	(v2sf) =	vpush v63, $0x0  }
0x10b: {  	s26 =	spop (v2sf);
	(v2sf) =	vpush v9, $0x0  }
0x10c: {  	[tilespmem:s26+$0x19000] =	vst.msk vm1, v3  }
0x10d: {  	[tilespmem:s26+$0x19100] =	vst.msk vm1, v62  }
0x10e: {  	v3 =	vld [tilespmem:$0x19020];
	_ =	sdelay $0x4  }
0x10f: {  	vm10 =	veq.s32 v2, v3  }
0x110: {  	v10 =	vsel vm10, $0x1, v1  }
0x111: {  	(xrf0) =	vadd.scan.msk.s32 $0xffff, v10;
	_ =	sdelay $0x2  }
0x112: {  	s28 =	spop (v2sf)  }
0x113: {  	s29 =	spop (v2sf)  }
0x114: {  	s25 =	spop (v2sf)  }
0x115: {  	v4, _, _ =	vpop (xrf0);
	s23 =	sadd.s32 s28, s25  }
0x116: {  	v4 =	vadd.s32 s23, v4  }
0x117: {  	vm11 =	vle.s32 v4, s21  }
0x118: {  	vm12 =	vlt.s32 v2, v3;
	vm1 =	vmand vm10, vm11  }
0x119: {  	vm1 =	vmor vm12, vm1  }
0x11a: {  	v11 =	vld [tilespmem:$0x19120];
	v12 =	vmpcnt.ones.xlane vm1  }
0x11b: {  	v13 =	vmpcnt.ones.xlane vm10  }
0x11c: {  	(v2sf) =	vpush v12, $0x0  }
0x11d: {  	s22 =	sadd.s32 s26, s29;
	(v2sf) =	vpush v13, $0x0  }
0x11e: {  	[tilespmem:s22+$0x19000] =	vst.msk vm1, v3  }
0x11f: {  	[tilespmem:s22+$0x19100] =	vst.msk vm1, v11  }
0x120: {  	v3 =	vld [tilespmem:$0x19030];
	_ =	sdelay $0x4  }
0x121: {  	vm13 =	veq.s32 v2, v3  }
0x122: {  	v14 =	vsel vm13, $0x1, v1  }
0x123: {  	(xrf0) =	vadd.scan.msk.s32 $0xffff, v14;
	_ =	sdelay $0x3  }
0x124: {  	s30 =	spop (v2sf)  }
0x125: {  	s31 =	spop (v2sf)  }
0x126: {  	v4, _, _ =	vpop (xrf0);
	s23 =	sadd.s32 s23, s31  }
0x127: {  	v4 =	vadd.s32 s23, v4  }
0x128: {  	vm14 =	vle.s32 v4, s21  }
0x129: {  	vm15 =	vlt.s32 v2, v3;
	vm1 =	vmand vm13, vm14  }
0x12a: {  	vm1 =	vmor vm15, vm1  }
0x12b: {  	v15 =	vld [tilespmem:$0x19130];
	v16 =	vmpcnt.ones.xlane vm1  }
0x12c: {  	v17 =	vmpcnt.ones.xlane vm13  }
0x12d: {  	(v2sf) =	vpush v16, $0x0  }
0x12e: {  	s22 =	sadd.s32 s22, s30;
	(v2sf) =	vpush v17, $0x0  }
0x12f: {  	[tilespmem:s22+$0x19000] =	vst.msk vm1, v3  }
0x130: {  	[tilespmem:s22+$0x19100] =	vst.msk vm1, v15  }
0x131: {  	v3 =	vld [tilespmem:$0x19040];
	_ =	sdelay $0x4  }
0x132: {  	vm4 =	veq.s32 v2, v3  }
0x133: {  	v18 =	vsel vm4, $0x1, v1  }
0x134: {  	(xrf0) =	vadd.scan.msk.s32 $0xffff, v18;
	_ =	sdelay $0x3  }
0x135: {  	s26 =	spop (v2sf)  }
0x136: {  	s28 =	spop (v2sf)  }
0x137: {  	v4, _, _ =	vpop (xrf0);
	s23 =	sadd.s32 s23, s28  }
0x138: {  	v4 =	vadd.s32 s23, v4  }
0x139: {  	vm5 =	vle.s32 v4, s21  }
0x13a: {  	vm6 =	vlt.s32 v2, v3;
	vm1 =	vmand vm4, vm5  }
0x13b: {  	vm1 =	vmor vm6, vm1  }
0x13c: {  	v19 =	vld [tilespmem:$0x19140];
	v20 =	vmpcnt.ones.xlane vm1  }
0x13d: {  	v21 =	vmpcnt.ones.xlane vm4  }
0x13e: {  	(v2sf) =	vpush v20, $0x0  }
0x13f: {  	s22 =	sadd.s32 s22, s26;
	(v2sf) =	vpush v21, $0x0  }
0x140: {  	[tilespmem:s22+$0x19000] =	vst.msk vm1, v3  }
0x141: {  	[tilespmem:s22+$0x19100] =	vst.msk vm1, v19  }
0x142: {  	v3 =	vld [tilespmem:$0x19050];
	_ =	sdelay $0x4  }
0x143: {  	vm7 =	veq.s32 v2, v3  }
0x144: {  	v22 =	vsel vm7, $0x1, v1  }
0x145: {  	(xrf0) =	vadd.scan.msk.s32 $0xffff, v22;
	_ =	sdelay $0x3  }
0x146: {  	s29 =	spop (v2sf)  }
0x147: {  	s30 =	spop (v2sf)  }
0x148: {  	v4, _, _ =	vpop (xrf0);
	s23 =	sadd.s32 s23, s30  }
0x149: {  	v4 =	vadd.s32 s23, v4  }
0x14a: {  	vm8 =	vle.s32 v4, s21  }
0x14b: {  	vm9 =	vlt.s32 v2, v3;
	vm1 =	vmand vm7, vm8  }
0x14c: {  	vm1 =	vmor vm9, vm1  }
0x14d: {  	v23 =	vld [tilespmem:$0x19150];
	v24 =	vmpcnt.ones.xlane vm1  }
0x14e: {  	v25 =	vmpcnt.ones.xlane vm7  }
0x14f: {  	(v2sf) =	vpush v24, $0x0  }
0x150: {  	s22 =	sadd.s32 s22, s29;
	(v2sf) =	vpush v25, $0x0  }
0x151: {  	[tilespmem:s22+$0x19000] =	vst.msk vm1, v3  }
0x152: {  	[tilespmem:s22+$0x19100] =	vst.msk vm1, v23  }
0x153: {  	v3 =	vld [tilespmem:$0x19060];
	_ =	sdelay $0x4  }
0x154: {  	vm10 =	veq.s32 v2, v3  }
0x155: {  	v26 =	vsel vm10, $0x1, v1  }
0x156: {  	(xrf0) =	vadd.scan.msk.s32 $0xffff, v26;
	_ =	sdelay $0x3  }
0x157: {  	s31 =	spop (v2sf)  }
0x158: {  	s26 =	spop (v2sf)  }
0x159: {  	v4, _, _ =	vpop (xrf0);
	s23 =	sadd.s32 s23, s26  }
0x15a: {  	v4 =	vadd.s32 s23, v4  }
0x15b: {  	vm11 =	vle.s32 v4, s21  }
0x15c: {  	vm12 =	vlt.s32 v2, v3;
	vm1 =	vmand vm10, vm11  }
0x15d: {  	vm1 =	vmor vm12, vm1  }
0x15e: {  	v27 =	vld [tilespmem:$0x19160];
	v28 =	vmpcnt.ones.xlane vm1  }
0x15f: {  	v29 =	vmpcnt.ones.xlane vm10  }
0x160: {  	(v2sf) =	vpush v28, $0x0  }
0x161: {  	s22 =	sadd.s32 s22, s31;
	(v2sf) =	vpush v29, $0x0  }
0x162: {  	[tilespmem:s22+$0x19000] =	vst.msk vm1, v3  }
0x163: {  	[tilespmem:s22+$0x19100] =	vst.msk vm1, v27  }
0x164: {  	v3 =	vld [tilespmem:$0x19070];
	_ =	sdelay $0x4  }
0x165: {  	vm13 =	veq.s32 v2, v3  }
0x166: {  	v30 =	vsel vm13, $0x1, v1  }
0x167: {  	(xrf0) =	vadd.scan.msk.s32 $0xffff, v30;
	_ =	sdelay $0x3  }
0x168: {  	s28 =	spop (v2sf)  }
0x169: {  	s29 =	spop (v2sf)  }
0x16a: {  	v4, _, _ =	vpop (xrf0);
	s23 =	sadd.s32 s23, s29  }
0x16b: {  	v4 =	vadd.s32 s23, v4  }
0x16c: {  	vm14 =	vle.s32 v4, s21  }
0x16d: {  	vm15 =	vlt.s32 v2, v3;
	vm1 =	vmand vm13, vm14  }
0x16e: {  	vm1 =	vmor vm15, vm1  }
0x16f: {  	v31 =	vld [tilespmem:$0x19170];
	v32 =	vmpcnt.ones.xlane vm1  }
0x170: {  	v33 =	vmpcnt.ones.xlane vm13  }
0x171: {  	(v2sf) =	vpush v32, $0x0  }
0x172: {  	s22 =	sadd.s32 s22, s28;
	(v2sf) =	vpush v33, $0x0  }
0x173: {  	[tilespmem:s22+$0x19000] =	vst.msk vm1, v3  }
0x174: {  	[tilespmem:s22+$0x19100] =	vst.msk vm1, v31  }
0x175: {  	v3 =	vld [tilespmem:$0x19080];
	_ =	sdelay $0x4  }
0x176: {  	vm4 =	veq.s32 v2, v3  }
0x177: {  	v34 =	vsel vm4, $0x1, v1  }
0x178: {  	(xrf0) =	vadd.scan.msk.s32 $0xffff, v34;
	_ =	sdelay $0x3  }
0x179: {  	s30 =	spop (v2sf)  }
0x17a: {  	s31 =	spop (v2sf)  }
0x17b: {  	v4, _, _ =	vpop (xrf0);
	s23 =	sadd.s32 s23, s31  }
0x17c: {  	v4 =	vadd.s32 s23, v4  }
0x17d: {  	vm5 =	vle.s32 v4, s21  }
0x17e: {  	vm6 =	vlt.s32 v2, v3;
	vm1 =	vmand vm4, vm5  }
0x17f: {  	vm1 =	vmor vm6, vm1  }
0x180: {  	v35 =	vld [tilespmem:$0x19180];
	v36 =	vmpcnt.ones.xlane vm1  }
0x181: {  	v37 =	vmpcnt.ones.xlane vm4  }
0x182: {  	(v2sf) =	vpush v36, $0x0  }
0x183: {  	s22 =	sadd.s32 s22, s30;
	(v2sf) =	vpush v37, $0x0  }
0x184: {  	[tilespmem:s22+$0x19000] =	vst.msk vm1, v3  }
0x185: {  	[tilespmem:s22+$0x19100] =	vst.msk vm1, v35  }
0x186: {  	v3 =	vld [tilespmem:$0x19090];
	_ =	sdelay $0x4  }
0x187: {  	vm7 =	veq.s32 v2, v3  }
0x188: {  	v38 =	vsel vm7, $0x1, v1  }
0x189: {  	(xrf0) =	vadd.scan.msk.s32 $0xffff, v38;
	_ =	sdelay $0x3  }
0x18a: {  	s26 =	spop (v2sf)  }
0x18b: {  	s28 =	spop (v2sf)  }
0x18c: {  	v4, _, _ =	vpop (xrf0);
	s23 =	sadd.s32 s23, s28  }
0x18d: {  	v4 =	vadd.s32 s23, v4  }
0x18e: {  	vm8 =	vle.s32 v4, s21  }
0x18f: {  	vm9 =	vlt.s32 v2, v3;
	vm1 =	vmand vm7, vm8  }
0x190: {  	vm1 =	vmor vm9, vm1  }
0x191: {  	v39 =	vld [tilespmem:$0x19190];
	v40 =	vmpcnt.ones.xlane vm1  }
0x192: {  	v41 =	vmpcnt.ones.xlane vm7  }
0x193: {  	(v2sf) =	vpush v40, $0x0  }
0x194: {  	s22 =	sadd.s32 s22, s26;
	(v2sf) =	vpush v41, $0x0  }
0x195: {  	[tilespmem:s22+$0x19000] =	vst.msk vm1, v3  }
0x196: {  	[tilespmem:s22+$0x19100] =	vst.msk vm1, v39  }
0x197: {  	v3 =	vld [tilespmem:$0x190A0];
	_ =	sdelay $0x4  }
0x198: {  	vm10 =	veq.s32 v2, v3  }
0x199: {  	v42 =	vsel vm10, $0x1, v1  }
0x19a: {  	(xrf0) =	vadd.scan.msk.s32 $0xffff, v42;
	_ =	sdelay $0x3  }
0x19b: {  	s29 =	spop (v2sf)  }
0x19c: {  	s30 =	spop (v2sf)  }
0x19d: {  	v4, _, _ =	vpop (xrf0);
	s23 =	sadd.s32 s23, s30  }
0x19e: {  	v4 =	vadd.s32 s23, v4  }
0x19f: {  	vm11 =	vle.s32 v4, s21  }
0x1a0: {  	vm12 =	vlt.s32 v2, v3;
	vm1 =	vmand vm10, vm11  }
0x1a1: {  	vm1 =	vmor vm12, vm1  }
0x1a2: {  	v43 =	vld [tilespmem:$0x191A0];
	v44 =	vmpcnt.ones.xlane vm1  }
0x1a3: {  	v45 =	vmpcnt.ones.xlane vm10  }
0x1a4: {  	(v2sf) =	vpush v44, $0x0  }
0x1a5: {  	s22 =	sadd.s32 s22, s29;
	(v2sf) =	vpush v45, $0x0  }
0x1a6: {  	[tilespmem:s22+$0x19000] =	vst.msk vm1, v3  }
0x1a7: {  	[tilespmem:s22+$0x19100] =	vst.msk vm1, v43  }
0x1a8: {  	v3 =	vld [tilespmem:$0x190B0];
	_ =	sdelay $0x4  }
0x1a9: {  	vm13 =	veq.s32 v2, v3  }
0x1aa: {  	v46 =	vsel vm13, $0x1, v1  }
0x1ab: {  	(xrf0) =	vadd.scan.msk.s32 $0xffff, v46;
	_ =	sdelay $0x3  }
0x1ac: {  	s31 =	spop (v2sf)  }
0x1ad: {  	s26 =	spop (v2sf)  }
0x1ae: {  	v4, _, _ =	vpop (xrf0);
	s23 =	sadd.s32 s23, s26  }
0x1af: {  	v4 =	vadd.s32 s23, v4  }
0x1b0: {  	vm14 =	vle.s32 v4, s21  }
0x1b1: {  	vm15 =	vlt.s32 v2, v3;
	vm1 =	vmand vm13, vm14  }
0x1b2: {  	vm1 =	vmor vm15, vm1  }
0x1b3: {  	v47 =	vld [tilespmem:$0x191B0];
	v48 =	vmpcnt.ones.xlane vm1  }
0x1b4: {  	v49 =	vmpcnt.ones.xlane vm13  }
0x1b5: {  	(v2sf) =	vpush v48, $0x0  }
0x1b6: {  	s22 =	sadd.s32 s22, s31;
	(v2sf) =	vpush v49, $0x0  }
0x1b7: {  	[tilespmem:s22+$0x19000] =	vst.msk vm1, v3  }
0x1b8: {  	[tilespmem:s22+$0x19100] =	vst.msk vm1, v47  }
0x1b9: {  	v3 =	vld [tilespmem:$0x190C0];
	_ =	sdelay $0x4  }
0x1ba: {  	vm4 =	veq.s32 v2, v3  }
0x1bb: {  	v50 =	vsel vm4, $0x1, v1  }
0x1bc: {  	(xrf0) =	vadd.scan.msk.s32 $0xffff, v50;
	_ =	sdelay $0x3  }
0x1bd: {  	s28 =	spop (v2sf)  }
0x1be: {  	s29 =	spop (v2sf)  }
0x1bf: {  	v4, _, _ =	vpop (xrf0);
	s23 =	sadd.s32 s23, s29  }
0x1c0: {  	v4 =	vadd.s32 s23, v4  }
0x1c1: {  	vm5 =	vle.s32 v4, s21  }
0x1c2: {  	vm6 =	vlt.s32 v2, v3;
	vm1 =	vmand vm4, vm5  }
0x1c3: {  	vm1 =	vmor vm6, vm1  }
0x1c4: {  	v51 =	vld [tilespmem:$0x191C0];
	v52 =	vmpcnt.ones.xlane vm1  }
0x1c5: {  	v53 =	vmpcnt.ones.xlane vm4  }
0x1c6: {  	(v2sf) =	vpush v52, $0x0  }
0x1c7: {  	s22 =	sadd.s32 s22, s28;
	(v2sf) =	vpush v53, $0x0  }
0x1c8: {  	[tilespmem:s22+$0x19000] =	vst.msk vm1, v3  }
0x1c9: {  	[tilespmem:s22+$0x19100] =	vst.msk vm1, v51  }
0x1ca: {  	v3 =	vld [tilespmem:$0x190D0];
	_ =	sdelay $0x4  }
0x1cb: {  	vm7 =	veq.s32 v2, v3  }
0x1cc: {  	v54 =	vsel vm7, $0x1, v1  }
0x1cd: {  	(xrf0) =	vadd.scan.msk.s32 $0xffff, v54;
	_ =	sdelay $0x3  }
0x1ce: {  	s30 =	spop (v2sf)  }
0x1cf: {  	s31 =	spop (v2sf)  }
0x1d0: {  	v4, _, _ =	vpop (xrf0);
	s23 =	sadd.s32 s23, s31  }
0x1d1: {  	v4 =	vadd.s32 s23, v4  }
0x1d2: {  	vm8 =	vle.s32 v4, s21  }
0x1d3: {  	vm9 =	vlt.s32 v2, v3;
	vm1 =	vmand vm7, vm8  }
0x1d4: {  	vm1 =	vmor vm9, vm1  }
0x1d5: {  	v55 =	vld [tilespmem:$0x191D0];
	v56 =	vmpcnt.ones.xlane vm1  }
0x1d6: {  	v57 =	vmpcnt.ones.xlane vm7  }
0x1d7: {  	(v2sf) =	vpush v56, $0x0  }
0x1d8: {  	s22 =	sadd.s32 s22, s30;
	(v2sf) =	vpush v57, $0x0  }
0x1d9: {  	[tilespmem:s22+$0x19000] =	vst.msk vm1, v3  }
0x1da: {  	[tilespmem:s22+$0x19100] =	vst.msk vm1, v55  }
0x1db: {  	v3 =	vld [tilespmem:$0x190E0];
	_ =	sdelay $0x4  }
0x1dc: {  	vm10 =	veq.s32 v2, v3  }
0x1dd: {  	v58 =	vsel vm10, $0x1, v1  }
0x1de: {  	(xrf0) =	vadd.scan.msk.s32 $0xffff, v58;
	_ =	sdelay $0x3  }
0x1df: {  	s26 =	spop (v2sf)  }
0x1e0: {  	s28 =	spop (v2sf)  }
0x1e1: {  	v4, _, _ =	vpop (xrf0);
	s23 =	sadd.s32 s23, s28  }
0x1e2: {  	v4 =	vadd.s32 s23, v4  }
0x1e3: {  	vm11 =	vle.s32 v4, s21  }
0x1e4: {  	vm12 =	vlt.s32 v2, v3;
	vm1 =	vmand vm10, vm11  }
0x1e5: {  	vm1 =	vmor vm12, vm1  }
0x1e6: {  	v59 =	vld [tilespmem:$0x191E0];
	v60 =	vmpcnt.ones.xlane vm1  }
0x1e7: {  	v61 =	vmpcnt.ones.xlane vm10  }
0x1e8: {  	(v2sf) =	vpush v60, $0x0  }
0x1e9: {  	s22 =	sadd.s32 s22, s26;
	(v2sf) =	vpush v61, $0x0  }
0x1ea: {  	[tilespmem:s22+$0x19000] =	vst.msk vm1, v3  }
0x1eb: {  	[tilespmem:s22+$0x19100] =	vst.msk vm1, v59  }
0x1ec: {  	v3 =	vld [tilespmem:$0x190F0];
	_ =	sdelay $0x4  }
0x1ed: {  	vm13 =	veq.s32 v2, v3  }
0x1ee: {  	v62 =	vsel vm13, $0x1, v1  }
0x1ef: {  	(xrf0) =	vadd.scan.msk.s32 $0xffff, v62;
	_ =	sdelay $0x3  }
0x1f0: {  	s29 =	spop (v2sf)  }
0x1f1: {  	s30 =	spop (v2sf)  }
0x1f2: {  	v4, _, _ =	vpop (xrf0);
	s23 =	sadd.s32 s23, s30  }
0x1f3: {  	v63 =	vld [tilespmem:$0x191F0];
	v4 =	vadd.s32 s23, v4  }
0x1f4: {  	vm14 =	vle.s32 v4, s21  }
0x1f5: {  	vm15 =	vlt.s32 v2, v3;
	vm0 =	vmand vm13, vm14  }
0x1f6: {  	s31 =	sadd.s32 s22, s29;
	vm0 =	vmor vm15, vm0  }
0x1f7: {  	[tilespmem:s31+$0x19000] =	vst.msk vm0, v3  }
0x1f8: {  	[tilespmem:s31+$0x19100] =	vst.msk vm0, v63  }
0x1f9: {  	[tilespmem:$0x19040] =	vst v0  }
0x1fa: {  	[tilespmem:$0x19050] =	vst v0  }
0x1fb: {  	[tilespmem:$0x19060] =	vst v0  }
0x1fc: {  	[tilespmem:$0x19070] =	vst v0  }
0x1fd: {  	[tilespmem:$0x19080] =	vst v0  }
0x1fe: {  	[tilespmem:$0x19090] =	vst v0  }
0x1ff: {  	[tilespmem:$0x190A0] =	vst v0  }
.Ltmp4:
0x200: {  	[tilespmem:$0x190B0] =	vst v0;
	(pc) =	sbr.rel .LBB2_8-.Ltmp4, $4  }
0x201: {  	[tilespmem:$0x190C0] =	vst v0  }
0x202: {  	[tilespmem:$0x190D0] =	vst v0  }
0x203: {  	[tilespmem:$0x190E0] =	vst v0  }
0x204: {  	s21 =	simm.s32 $0x40;
	[tilespmem:$0x190F0] =	vst v0  }
.LBB2_9:
0x205: {  	s19 =	simm.s32 $0x0;
	s22 =	simm.s32 $0x40000000  }
0x206: {  	v3 =	vld [tilespmem:$0x19000];
	s23 =	simm.s32 $0x40000000;
	p1 =	por $0x1, $0x1;
	s20 =	simm.s32 $0x1E  }
.LBB2_10:
0x207: {  	s21 =	smov.u32 s22;
	s24 =	simm.s32 $0x1  }
0x208: {  	p0 =	sne.s32 s20, $0x1;
	s22 =	sshra.s32 s23, $0x1F;
	s24 =	simm.s32 @!p1 $0x0  }
0x209: {  	s22 =	sor.u32 s24, s22;
	s24 =	sand.u32 $0x1, s23  }
0x20a: {  	s25 =	sshrl.u32 s23, $0x1F;
	p1 =	sne.s32 s22, $0x1;
	p2 =	seq.s32 s24, $0x1;
	v2 =	vld [tilespmem:$0x19010]  }
0x20b: {  	s22 =	sadd.s32 s25, s23;
	p1 =	por !p1, !p2;
	v4 =	vld [tilespmem:$0x19020]  }
0x20c: {  	s23 =	simm.s32 $0x1;
	s22 =	sshra.s32 s22, $0x1;
	p1 =	por !p1, !p1;
	v5 =	vld [tilespmem:$0x19030]  }
0x20d: {  	s22 =	sadd.s32 s19, s22;
	s23 =	simm.s32 @!p1 $0x0;
	v6 =	vld [tilespmem:$0x19040]  }
0x20e: {  	s22 =	ssub.s32 s22, s23;
	v7 =	vld [tilespmem:$0x19050]  }
0x20f: {  	vm0 =	vge.s32 v3, s22;
	vm1 =	vge.s32 v2, s22;
	v2 =	vld [tilespmem:$0x19060]  }
0x210: {  	v8 =	vmpcnt.ones.xlane vm0;
	v9 =	vmpcnt.ones.xlane vm1;
	vm0 =	vge.s32 v4, s22;
	v4 =	vld [tilespmem:$0x19070]  }
0x211: {  	v10 =	vmpcnt.ones.xlane vm0;
	vm0 =	vge.s32 v5, s22;
	v5 =	vld [tilespmem:$0x19080]  }
0x212: {  	v8 =	vadd.s32 v8, v9;
	v9 =	vmpcnt.ones.xlane vm0;
	vm0 =	vge.s32 v6, s22;
	v6 =	vld [tilespmem:$0x19090]  }
0x213: {  	v8 =	vadd.s32 v10, v8;
	v10 =	vmpcnt.ones.xlane vm0;
	vm0 =	vge.s32 v7, s22;
	v7 =	vld [tilespmem:$0x190A0]  }
0x214: {  	v8 =	vadd.s32 v9, v8;
	v9 =	vmpcnt.ones.xlane vm0;
	vm0 =	vge.s32 v2, s22;
	v2 =	vld [tilespmem:$0x190B0]  }
0x215: {  	v8 =	vadd.s32 v10, v8;
	v10 =	vmpcnt.ones.xlane vm0;
	vm0 =	vge.s32 v4, s22;
	v4 =	vld [tilespmem:$0x190C0]  }
0x216: {  	v8 =	vadd.s32 v9, v8;
	v9 =	vmpcnt.ones.xlane vm0;
	vm0 =	vge.s32 v5, s22;
	v5 =	vld [tilespmem:$0x190D0]  }
0x217: {  	v8 =	vadd.s32 v10, v8;
	v10 =	vmpcnt.ones.xlane vm0;
	vm0 =	vge.s32 v6, s22;
	v6 =	vld [tilespmem:$0x190E0]  }
0x218: {  	v8 =	vadd.s32 v9, v8;
	v9 =	vmpcnt.ones.xlane vm0;
	vm0 =	vge.s32 v7, s22;
	v7 =	vld [tilespmem:$0x190F0]  }
0x219: {  	v8 =	vadd.s32 v10, v8;
	v10 =	vmpcnt.ones.xlane vm0;
	vm0 =	vge.s32 v2, s22  }
0x21a: {  	v2 =	vadd.s32 v9, v8;
	v8 =	vmpcnt.ones.xlane vm0;
	vm0 =	vge.s32 v4, s22  }
0x21b: {  	v2 =	vadd.s32 v10, v2;
	v4 =	vmpcnt.ones.xlane vm0;
	vm0 =	vge.s32 v5, s22  }
0x21c: {  	v2 =	vadd.s32 v8, v2;
	v5 =	vmpcnt.ones.xlane vm0;
	vm0 =	vge.s32 v6, s22  }
0x21d: {  	v2 =	vadd.s32 v4, v2;
	v4 =	vmpcnt.ones.xlane vm0;
	vm0 =	vge.s32 v7, s22  }
0x21e: {  	v2 =	vadd.s32 v5, v2;
	v5 =	vmpcnt.ones.xlane vm0  }
0x21f: {  	v2 =	vadd.s32 v4, v2  }
0x220: {  	v2 =	vadd.s32 v5, v2  }
0x221: {  	(v2sf) =	vpush v2, $0x0;
	_ =	sdelay $0xd  }
.Ltmp5:
0x222: {  	(pc) =	sbr.rel @p0 .LBB2_10-.Ltmp5, $4  }
0x223: {  	s23 =	spop (v2sf)  }
0x224: {  	p1 =	sgt.s32 s23, $0x3F  }
0x225: {  	s19 =	smov.u32 @p1 s22;
	s22 =	smov.u32 @p1 s21  }
0x226: {  	s20 =	sadd.s32 $0xFFFFFFFF, s20;
	s23 =	ssub.s32 s22, s19;
	p1 =	sne.s32 s22, s19  }
0x227: {  	s20 =	simm.s32 $0x1  }
0x228: {  	s21 =	sshra.s32 s23, $0x1F;
	s20 =	simm.s32 @!p1 $0x0  }
0x229: {  	s31 =	sand.u32 $0x1, s23;
	s20 =	sor.u32 s20, s21  }
0x22a: {  	s22 =	sshrl.u32 s23, $0x1F;
	v4 =	vld [tilespmem:$0x19010];
	p6 =	seq.s32 s31, $0x1;
	p0 =	sne.s32 s20, $0x1  }
0x22b: {  	v5 =	vld [tilespmem:$0x19020];
	s23 =	sadd.s32 s22, s23;
	p0 =	por !p0, !p6  }
0x22c: {  	v6 =	vld [tilespmem:$0x19030];
	s21 =	simm.s32 $0x1;
	s20 =	sshra.s32 s23, $0x1;
	p0 =	por !p0, !p0  }
0x22d: {  	v7 =	vld [tilespmem:$0x19040];
	s20 =	sadd.s32 s19, s20;
	s21 =	simm.s32 @!p0 $0x0  }
0x22e: {  	v8 =	vld [tilespmem:$0x19050];
	s20 =	ssub.s32 s20, s21  }
0x22f: {  	v9 =	vld [tilespmem:$0x19060];
	vm0 =	vge.s32 v3, s20;
	vm1 =	vge.s32 v4, s20  }
0x230: {  	v11 =	vld [tilespmem:$0x19070];
	vm15 =	vge.s32 v5, s20;
	v2 =	vmpcnt.ones.xlane vm0;
	v10 =	vmpcnt.ones.xlane vm1  }
0x231: {  	v13 =	vld [tilespmem:$0x19080];
	vm4 =	vge.s32 v6, s20;
	v12 =	vmpcnt.ones.xlane vm15  }
0x232: {  	v14 =	vld [tilespmem:$0x19090];
	vm5 =	vge.s32 v7, s20;
	v47 =	vmpcnt.ones.xlane vm4;
	v2 =	vadd.s32 v2, v10  }
0x233: {  	v15 =	vld [tilespmem:$0x190A0];
	vm6 =	vge.s32 v8, s20;
	v48 =	vmpcnt.ones.xlane vm5;
	v2 =	vadd.s32 v12, v2  }
0x234: {  	v16 =	vld [tilespmem:$0x190B0];
	vm7 =	vge.s32 v9, s20;
	v49 =	vmpcnt.ones.xlane vm6;
	v2 =	vadd.s32 v47, v2  }
0x235: {  	v17 =	vld [tilespmem:$0x190C0];
	vm8 =	vge.s32 v11, s20;
	v50 =	vmpcnt.ones.xlane vm7;
	v2 =	vadd.s32 v48, v2  }
0x236: {  	v18 =	vld [tilespmem:$0x190D0];
	vm9 =	vge.s32 v13, s20;
	v51 =	vmpcnt.ones.xlane vm8;
	v2 =	vadd.s32 v49, v2  }
0x237: {  	v19 =	vld [tilespmem:$0x190E0];
	vm10 =	vge.s32 v14, s20;
	v52 =	vmpcnt.ones.xlane vm9;
	v2 =	vadd.s32 v50, v2  }
0x238: {  	v20 =	vld [tilespmem:$0x190F0];
	vm11 =	vge.s32 v15, s20;
	v53 =	vmpcnt.ones.xlane vm10;
	v2 =	vadd.s32 v51, v2  }
0x239: {  	vm12 =	vge.s32 v16, s20;
	v54 =	vmpcnt.ones.xlane vm11;
	v2 =	vadd.s32 v52, v2  }
0x23a: {  	vm13 =	vge.s32 v17, s20;
	v55 =	vmpcnt.ones.xlane vm12;
	v2 =	vadd.s32 v53, v2  }
0x23b: {  	vm14 =	vge.s32 v18, s20;
	v56 =	vmpcnt.ones.xlane vm13;
	v2 =	vadd.s32 v54, v2  }
0x23c: {  	v57 =	vmpcnt.ones.xlane vm14;
	vm15 =	vge.s32 v19, s20;
	v2 =	vadd.s32 v55, v2  }
0x23d: {  	vm4 =	vge.s32 v20, s20;
	v58 =	vmpcnt.ones.xlane vm15;
	v2 =	vadd.s32 v56, v2  }
0x23e: {  	v59 =	vmpcnt.ones.xlane vm4;
	v2 =	vadd.s32 v57, v2  }
0x23f: {  	v2 =	vadd.s32 v58, v2  }
0x240: {  	v2 =	vadd.s32 v59, v2  }
0x241: {  	(v2sf) =	vpush v2, $0x0;
	_ =	sdelay $0xe  }
0x242: {  	s24 =	spop (v2sf)  }
0x243: {  	p0 =	sgt.s32 s24, $0x3F  }
0x244: {  	s19 =	smov.u32 @p0 s20  }
0x245: {  	v2 =	vmov s19  }
0x246: {  	vm5 =	vgt.s32 v4, s19;
	vm0 =	vlt.s32 v2, v3  }
0x247: {  	vm6 =	vgt.s32 v5, s19;
	v60 =	vmpcnt.ones.xlane vm5;
	v4 =	vmpcnt.ones.xlane vm0  }
0x248: {  	vm7 =	vgt.s32 v6, s19;
	v5 =	vmpcnt.ones.xlane vm6  }
0x249: {  	vm8 =	vgt.s32 v7, s19;
	v6 =	vmpcnt.ones.xlane vm7;
	v4 =	vadd.s32 v4, v60  }
0x24a: {  	vm9 =	vgt.s32 v8, s19;
	v4 =	vadd.s32 v5, v4;
	v5 =	vmpcnt.ones.xlane vm8  }
0x24b: {  	vm10 =	vgt.s32 v9, s19;
	v4 =	vadd.s32 v6, v4;
	v6 =	vmpcnt.ones.xlane vm9  }
0x24c: {  	vm11 =	vgt.s32 v11, s19;
	v4 =	vadd.s32 v5, v4;
	v5 =	vmpcnt.ones.xlane vm10  }
0x24d: {  	vm12 =	vgt.s32 v13, s19;
	v4 =	vadd.s32 v6, v4;
	v6 =	vmpcnt.ones.xlane vm11  }
0x24e: {  	vm13 =	vgt.s32 v14, s19;
	v4 =	vadd.s32 v5, v4;
	v5 =	vmpcnt.ones.xlane vm12  }
0x24f: {  	vm14 =	vgt.s32 v15, s19;
	v4 =	vadd.s32 v6, v4;
	v6 =	vmpcnt.ones.xlane vm13  }
0x250: {  	vm15 =	vgt.s32 v16, s19;
	v4 =	vadd.s32 v5, v4;
	v5 =	vmpcnt.ones.xlane vm14  }
0x251: {  	vm4 =	vgt.s32 v17, s19;
	v4 =	vadd.s32 v6, v4;
	v6 =	vmpcnt.ones.xlane vm15  }
0x252: {  	vm5 =	vgt.s32 v18, s19;
	v4 =	vadd.s32 v5, v4;
	v5 =	vmpcnt.ones.xlane vm4  }
0x253: {  	vm6 =	vgt.s32 v19, s19;
	v4 =	vadd.s32 v6, v4;
	v6 =	vmpcnt.ones.xlane vm5  }
0x254: {  	vm7 =	vgt.s32 v20, s19;
	v4 =	vadd.s32 v5, v4;
	v5 =	vmpcnt.ones.xlane vm6  }
0x255: {  	v4 =	vadd.s32 v6, v4;
	v6 =	vmpcnt.ones.xlane vm7  }
0x256: {  	v4 =	vadd.s32 v5, v4  }
0x257: {  	v4 =	vadd.s32 v6, v4  }
0x258: {  	(v2sf) =	vpush v4, $0x0;
	_ =	sdelay $0x7  }
0x259: {  	vm8 =	veq.s32 v2, v3  }
0x25a: {  	v4 =	vsel vm8, $0x1, v1  }
0x25b: {  	(xrf0) =	vadd.scan.msk.s32 $0xffff, v4;
	_ =	sdelay $0x4  }
0x25c: {  	s25 =	spop (v2sf)  }
0x25d: {  	v4 =	vld [tilespmem:$0x19100];
	v5, _, _ =	vpop (xrf0);
	s19 =	ssub.s32 $0x40, s25  }
0x25e: {  	vm2 =	vle.s32 v5, s19  }
0x25f: {  	vm2 =	vmand vm8, vm2  }
0x260: {  	vm0 =	vmor vm0, vm2  }
0x261: {  	[tilespmem:s11+$0x0] =	vst.msk vm0, v3  }
0x262: {  	[tilespmem:s12+$0x0] =	vst.msk vm0, v4  }
0x263: {  	v3 =	vld [tilespmem:$0x19010];
	_ =	sdelay $0x3  }
0x264: {  	v4 =	vmpcnt.ones.xlane vm0  }
0x265: {  	vm9 =	veq.s32 v2, v3  }
0x266: {  	(v2sf) =	vpush v4, $0x0;
	v4 =	vsel vm9, $0x1, v1  }
0x267: {  	(xrf0) =	vadd.scan.msk.s32 $0xffff, v4;
	_ =	sdelay $0x2  }
0x268: {  	v4 =	vmpcnt.ones.xlane vm8;
	_ =	sdelay $0x1  }
0x269: {  	v5 =	vbroadcast v4, $0x0  }
0x26a: {  	v6, _, _ =	vpop (xrf0)  }
0x26b: {  	v5 =	vadd.s32 v5, v6  }
0x26c: {  	vm10 =	vle.s32 v5, s19  }
0x26d: {  	vm11 =	vlt.s32 v2, v3;
	vm1 =	vmand vm9, vm10  }
0x26e: {  	vm1 =	vmor vm11, vm1  }
0x26f: {  	v5 =	vld [tilespmem:$0x19110];
	v6 =	vmpcnt.ones.xlane vm1  }
0x270: {  	(v2sf) =	vpush v4, $0x0;
	v4 =	vmpcnt.ones.xlane vm9  }
0x271: {  	(v2sf) =	vpush v6, $0x0  }
0x272: {  	s26 =	spop (v2sf);
	(v2sf) =	vpush v4, $0x0  }
0x273: {  	[tilespmem:s26+$0x19000] =	vst.msk vm1, v3  }
0x274: {  	[tilespmem:s26+$0x19100] =	vst.msk vm1, v5  }
0x275: {  	v3 =	vld [tilespmem:$0x19020];
	_ =	sdelay $0x4  }
0x276: {  	vm12 =	veq.s32 v2, v3  }
0x277: {  	v4 =	vsel vm12, $0x1, v1  }
0x278: {  	(xrf0) =	vadd.scan.msk.s32 $0xffff, v4;
	_ =	sdelay $0x2  }
0x279: {  	s28 =	spop (v2sf)  }
0x27a: {  	s29 =	spop (v2sf)  }
0x27b: {  	s30 =	spop (v2sf)  }
0x27c: {  	v4, _, _ =	vpop (xrf0);
	s21 =	sadd.s32 s28, s30  }
0x27d: {  	v4 =	vadd.s32 s21, v4  }
0x27e: {  	vm13 =	vle.s32 v4, s19  }
0x27f: {  	vm14 =	vlt.s32 v2, v3;
	vm1 =	vmand vm12, vm13  }
0x280: {  	vm1 =	vmor vm14, vm1  }
0x281: {  	v4 =	vld [tilespmem:$0x19120];
	v5 =	vmpcnt.ones.xlane vm1  }
0x282: {  	v6 =	vmpcnt.ones.xlane vm12  }
0x283: {  	(v2sf) =	vpush v5, $0x0  }
0x284: {  	s20 =	sadd.s32 s26, s29;
	(v2sf) =	vpush v6, $0x0  }
0x285: {  	[tilespmem:s20+$0x19000] =	vst.msk vm1, v3  }
0x286: {  	[tilespmem:s20+$0x19100] =	vst.msk vm1, v4  }
0x287: {  	v3 =	vld [tilespmem:$0x19030];
	_ =	sdelay $0x4  }
0x288: {  	vm15 =	veq.s32 v2, v3  }
0x289: {  	v4 =	vsel vm15, $0x1, v1  }
0x28a: {  	(xrf0) =	vadd.scan.msk.s32 $0xffff, v4;
	_ =	sdelay $0x3  }
0x28b: {  	s31 =	spop (v2sf)  }
0x28c: {  	s24 =	spop (v2sf)  }
0x28d: {  	v4, _, _ =	vpop (xrf0);
	s21 =	sadd.s32 s21, s24  }
0x28e: {  	v4 =	vadd.s32 s21, v4  }
0x28f: {  	vm4 =	vle.s32 v4, s19  }
0x290: {  	vm5 =	vlt.s32 v2, v3;
	vm1 =	vmand vm15, vm4  }
0x291: {  	vm1 =	vmor vm5, vm1  }
0x292: {  	v4 =	vld [tilespmem:$0x19130];
	v5 =	vmpcnt.ones.xlane vm1  }
0x293: {  	v6 =	vmpcnt.ones.xlane vm15  }
0x294: {  	(v2sf) =	vpush v5, $0x0  }
0x295: {  	s20 =	sadd.s32 s20, s31;
	(v2sf) =	vpush v6, $0x0  }
0x296: {  	[tilespmem:s20+$0x19000] =	vst.msk vm1, v3  }
0x297: {  	[tilespmem:s20+$0x19100] =	vst.msk vm1, v4  }
0x298: {  	v3 =	vld [tilespmem:$0x19040];
	_ =	sdelay $0x4  }
0x299: {  	vm6 =	veq.s32 v2, v3  }
0x29a: {  	v4 =	vsel vm6, $0x1, v1  }
0x29b: {  	(xrf0) =	vadd.scan.msk.s32 $0xffff, v4;
	_ =	sdelay $0x3  }
0x29c: {  	s25 =	spop (v2sf)  }
0x29d: {  	s26 =	spop (v2sf)  }
0x29e: {  	v4, _, _ =	vpop (xrf0);
	s21 =	sadd.s32 s21, s26  }
0x29f: {  	v4 =	vadd.s32 s21, v4  }
0x2a0: {  	vm7 =	vle.s32 v4, s19  }
0x2a1: {  	vm8 =	vlt.s32 v2, v3;
	vm1 =	vmand vm6, vm7  }
0x2a2: {  	vm1 =	vmor vm8, vm1  }
0x2a3: {  	v4 =	vld [tilespmem:$0x19140];
	v5 =	vmpcnt.ones.xlane vm1  }
0x2a4: {  	v6 =	vmpcnt.ones.xlane vm6  }
0x2a5: {  	(v2sf) =	vpush v5, $0x0  }
0x2a6: {  	s20 =	sadd.s32 s20, s25;
	(v2sf) =	vpush v6, $0x0  }
0x2a7: {  	[tilespmem:s20+$0x19000] =	vst.msk vm1, v3  }
0x2a8: {  	[tilespmem:s20+$0x19100] =	vst.msk vm1, v4  }
0x2a9: {  	v3 =	vld [tilespmem:$0x19050];
	_ =	sdelay $0x4  }
0x2aa: {  	vm9 =	veq.s32 v2, v3  }
0x2ab: {  	v4 =	vsel vm9, $0x1, v1  }
0x2ac: {  	(xrf0) =	vadd.scan.msk.s32 $0xffff, v4;
	_ =	sdelay $0x3  }
0x2ad: {  	s28 =	spop (v2sf)  }
0x2ae: {  	s29 =	spop (v2sf)  }
0x2af: {  	v4, _, _ =	vpop (xrf0);
	s21 =	sadd.s32 s21, s29  }
0x2b0: {  	v4 =	vadd.s32 s21, v4  }
0x2b1: {  	vm10 =	vle.s32 v4, s19  }
0x2b2: {  	vm11 =	vlt.s32 v2, v3;
	vm1 =	vmand vm9, vm10  }
0x2b3: {  	vm1 =	vmor vm11, vm1  }
0x2b4: {  	v4 =	vld [tilespmem:$0x19150];
	v5 =	vmpcnt.ones.xlane vm1  }
0x2b5: {  	v6 =	vmpcnt.ones.xlane vm9  }
0x2b6: {  	(v2sf) =	vpush v5, $0x0  }
0x2b7: {  	s20 =	sadd.s32 s20, s28;
	(v2sf) =	vpush v6, $0x0  }
0x2b8: {  	[tilespmem:s20+$0x19000] =	vst.msk vm1, v3  }
0x2b9: {  	[tilespmem:s20+$0x19100] =	vst.msk vm1, v4  }
0x2ba: {  	v3 =	vld [tilespmem:$0x19060];
	_ =	sdelay $0x4  }
0x2bb: {  	vm12 =	veq.s32 v2, v3  }
0x2bc: {  	v4 =	vsel vm12, $0x1, v1  }
0x2bd: {  	(xrf0) =	vadd.scan.msk.s32 $0xffff, v4;
	_ =	sdelay $0x3  }
0x2be: {  	s30 =	spop (v2sf)  }
0x2bf: {  	s31 =	spop (v2sf)  }
0x2c0: {  	v4, _, _ =	vpop (xrf0);
	s21 =	sadd.s32 s21, s31  }
0x2c1: {  	v4 =	vadd.s32 s21, v4  }
0x2c2: {  	vm13 =	vle.s32 v4, s19  }
0x2c3: {  	vm14 =	vlt.s32 v2, v3;
	vm1 =	vmand vm12, vm13  }
0x2c4: {  	vm1 =	vmor vm14, vm1  }
0x2c5: {  	v4 =	vld [tilespmem:$0x19160];
	v5 =	vmpcnt.ones.xlane vm1  }
0x2c6: {  	v6 =	vmpcnt.ones.xlane vm12  }
0x2c7: {  	(v2sf) =	vpush v5, $0x0  }
0x2c8: {  	s20 =	sadd.s32 s20, s30;
	(v2sf) =	vpush v6, $0x0  }
0x2c9: {  	[tilespmem:s20+$0x19000] =	vst.msk vm1, v3  }
0x2ca: {  	[tilespmem:s20+$0x19100] =	vst.msk vm1, v4  }
0x2cb: {  	v3 =	vld [tilespmem:$0x19070];
	_ =	sdelay $0x4  }
0x2cc: {  	vm15 =	veq.s32 v2, v3  }
0x2cd: {  	v4 =	vsel vm15, $0x1, v1  }
0x2ce: {  	(xrf0) =	vadd.scan.msk.s32 $0xffff, v4;
	_ =	sdelay $0x3  }
0x2cf: {  	s24 =	spop (v2sf)  }
0x2d0: {  	s25 =	spop (v2sf)  }
0x2d1: {  	v4, _, _ =	vpop (xrf0);
	s21 =	sadd.s32 s21, s25  }
0x2d2: {  	v4 =	vadd.s32 s21, v4  }
0x2d3: {  	vm4 =	vle.s32 v4, s19  }
0x2d4: {  	vm5 =	vlt.s32 v2, v3;
	vm1 =	vmand vm15, vm4  }
0x2d5: {  	vm1 =	vmor vm5, vm1  }
0x2d6: {  	v4 =	vld [tilespmem:$0x19170];
	v5 =	vmpcnt.ones.xlane vm1  }
0x2d7: {  	v6 =	vmpcnt.ones.xlane vm15  }
0x2d8: {  	(v2sf) =	vpush v5, $0x0  }
0x2d9: {  	s20 =	sadd.s32 s20, s24;
	(v2sf) =	vpush v6, $0x0  }
0x2da: {  	[tilespmem:s20+$0x19000] =	vst.msk vm1, v3  }
0x2db: {  	[tilespmem:s20+$0x19100] =	vst.msk vm1, v4  }
0x2dc: {  	v3 =	vld [tilespmem:$0x19080];
	_ =	sdelay $0x4  }
0x2dd: {  	vm6 =	veq.s32 v2, v3  }
0x2de: {  	v4 =	vsel vm6, $0x1, v1  }
0x2df: {  	(xrf0) =	vadd.scan.msk.s32 $0xffff, v4;
	_ =	sdelay $0x3  }
0x2e0: {  	s26 =	spop (v2sf)  }
0x2e1: {  	s28 =	spop (v2sf)  }
0x2e2: {  	v4, _, _ =	vpop (xrf0);
	s21 =	sadd.s32 s21, s28  }
0x2e3: {  	v4 =	vadd.s32 s21, v4  }
0x2e4: {  	vm7 =	vle.s32 v4, s19  }
0x2e5: {  	vm8 =	vlt.s32 v2, v3;
	vm1 =	vmand vm6, vm7  }
0x2e6: {  	vm1 =	vmor vm8, vm1  }
0x2e7: {  	v4 =	vld [tilespmem:$0x19180];
	v5 =	vmpcnt.ones.xlane vm1  }
0x2e8: {  	v6 =	vmpcnt.ones.xlane vm6  }
0x2e9: {  	(v2sf) =	vpush v5, $0x0  }
0x2ea: {  	s20 =	sadd.s32 s20, s26;
	(v2sf) =	vpush v6, $0x0  }
0x2eb: {  	[tilespmem:s20+$0x19000] =	vst.msk vm1, v3  }
0x2ec: {  	[tilespmem:s20+$0x19100] =	vst.msk vm1, v4  }
0x2ed: {  	v3 =	vld [tilespmem:$0x19090];
	_ =	sdelay $0x4  }
0x2ee: {  	vm9 =	veq.s32 v2, v3  }
0x2ef: {  	v4 =	vsel vm9, $0x1, v1  }
0x2f0: {  	(xrf0) =	vadd.scan.msk.s32 $0xffff, v4;
	_ =	sdelay $0x3  }
0x2f1: {  	s29 =	spop (v2sf)  }
0x2f2: {  	s30 =	spop (v2sf)  }
0x2f3: {  	v4, _, _ =	vpop (xrf0);
	s21 =	sadd.s32 s21, s30  }
0x2f4: {  	v4 =	vadd.s32 s21, v4  }
0x2f5: {  	vm10 =	vle.s32 v4, s19  }
0x2f6: {  	vm11 =	vlt.s32 v2, v3;
	vm1 =	vmand vm9, vm10  }
0x2f7: {  	vm1 =	vmor vm11, vm1  }
0x2f8: {  	v4 =	vld [tilespmem:$0x19190];
	v5 =	vmpcnt.ones.xlane vm1  }
0x2f9: {  	v6 =	vmpcnt.ones.xlane vm9  }
0x2fa: {  	(v2sf) =	vpush v5, $0x0  }
0x2fb: {  	s20 =	sadd.s32 s20, s29;
	(v2sf) =	vpush v6, $0x0  }
0x2fc: {  	[tilespmem:s20+$0x19000] =	vst.msk vm1, v3  }
0x2fd: {  	[tilespmem:s20+$0x19100] =	vst.msk vm1, v4  }
0x2fe: {  	v3 =	vld [tilespmem:$0x190A0];
	_ =	sdelay $0x4  }
0x2ff: {  	vm12 =	veq.s32 v2, v3  }
0x300: {  	v4 =	vsel vm12, $0x1, v1  }
0x301: {  	(xrf0) =	vadd.scan.msk.s32 $0xffff, v4;
	_ =	sdelay $0x3  }
0x302: {  	s31 =	spop (v2sf)  }
0x303: {  	s24 =	spop (v2sf)  }
0x304: {  	v4, _, _ =	vpop (xrf0);
	s21 =	sadd.s32 s21, s24  }
0x305: {  	v4 =	vadd.s32 s21, v4  }
0x306: {  	vm13 =	vle.s32 v4, s19  }
0x307: {  	vm14 =	vlt.s32 v2, v3;
	vm1 =	vmand vm12, vm13  }
0x308: {  	vm1 =	vmor vm14, vm1  }
0x309: {  	v4 =	vld [tilespmem:$0x191A0];
	v5 =	vmpcnt.ones.xlane vm1  }
0x30a: {  	v6 =	vmpcnt.ones.xlane vm12  }
0x30b: {  	(v2sf) =	vpush v5, $0x0  }
0x30c: {  	s20 =	sadd.s32 s20, s31;
	(v2sf) =	vpush v6, $0x0  }
0x30d: {  	[tilespmem:s20+$0x19000] =	vst.msk vm1, v3  }
0x30e: {  	[tilespmem:s20+$0x19100] =	vst.msk vm1, v4  }
0x30f: {  	v3 =	vld [tilespmem:$0x190B0];
	_ =	sdelay $0x4  }
0x310: {  	vm15 =	veq.s32 v2, v3  }
0x311: {  	v4 =	vsel vm15, $0x1, v1  }
0x312: {  	(xrf0) =	vadd.scan.msk.s32 $0xffff, v4;
	_ =	sdelay $0x3  }
0x313: {  	s25 =	spop (v2sf)  }
0x314: {  	s26 =	spop (v2sf)  }
0x315: {  	v4, _, _ =	vpop (xrf0);
	s21 =	sadd.s32 s21, s26  }
0x316: {  	v4 =	vadd.s32 s21, v4  }
0x317: {  	vm4 =	vle.s32 v4, s19  }
0x318: {  	vm5 =	vlt.s32 v2, v3;
	vm1 =	vmand vm15, vm4  }
0x319: {  	vm1 =	vmor vm5, vm1  }
0x31a: {  	v4 =	vld [tilespmem:$0x191B0];
	v5 =	vmpcnt.ones.xlane vm1  }
0x31b: {  	v6 =	vmpcnt.ones.xlane vm15  }
0x31c: {  	(v2sf) =	vpush v5, $0x0  }
0x31d: {  	s20 =	sadd.s32 s20, s25;
	(v2sf) =	vpush v6, $0x0  }
0x31e: {  	[tilespmem:s20+$0x19000] =	vst.msk vm1, v3  }
0x31f: {  	[tilespmem:s20+$0x19100] =	vst.msk vm1, v4  }
0x320: {  	v3 =	vld [tilespmem:$0x190C0];
	_ =	sdelay $0x4  }
0x321: {  	vm6 =	veq.s32 v2, v3  }
0x322: {  	v4 =	vsel vm6, $0x1, v1  }
0x323: {  	(xrf0) =	vadd.scan.msk.s32 $0xffff, v4;
	_ =	sdelay $0x3  }
0x324: {  	s28 =	spop (v2sf)  }
0x325: {  	s29 =	spop (v2sf)  }
0x326: {  	v4, _, _ =	vpop (xrf0);
	s21 =	sadd.s32 s21, s29  }
0x327: {  	v4 =	vadd.s32 s21, v4  }
0x328: {  	vm7 =	vle.s32 v4, s19  }
0x329: {  	vm8 =	vlt.s32 v2, v3;
	vm1 =	vmand vm6, vm7  }
0x32a: {  	vm1 =	vmor vm8, vm1  }
0x32b: {  	v4 =	vld [tilespmem:$0x191C0];
	v5 =	vmpcnt.ones.xlane vm1  }
0x32c: {  	v6 =	vmpcnt.ones.xlane vm6  }
0x32d: {  	(v2sf) =	vpush v5, $0x0  }
0x32e: {  	s20 =	sadd.s32 s20, s28;
	(v2sf) =	vpush v6, $0x0  }
0x32f: {  	[tilespmem:s20+$0x19000] =	vst.msk vm1, v3  }
0x330: {  	[tilespmem:s20+$0x19100] =	vst.msk vm1, v4  }
0x331: {  	v3 =	vld [tilespmem:$0x190D0];
	_ =	sdelay $0x4  }
0x332: {  	vm9 =	veq.s32 v2, v3  }
0x333: {  	v4 =	vsel vm9, $0x1, v1  }
0x334: {  	(xrf0) =	vadd.scan.msk.s32 $0xffff, v4;
	_ =	sdelay $0x3  }
0x335: {  	s30 =	spop (v2sf)  }
0x336: {  	s31 =	spop (v2sf)  }
0x337: {  	v4, _, _ =	vpop (xrf0);
	s21 =	sadd.s32 s21, s31  }
0x338: {  	v4 =	vadd.s32 s21, v4  }
0x339: {  	vm10 =	vle.s32 v4, s19  }
0x33a: {  	vm11 =	vlt.s32 v2, v3;
	vm1 =	vmand vm9, vm10  }
0x33b: {  	vm1 =	vmor vm11, vm1  }
0x33c: {  	v4 =	vld [tilespmem:$0x191D0];
	v5 =	vmpcnt.ones.xlane vm1  }
0x33d: {  	v6 =	vmpcnt.ones.xlane vm9  }
0x33e: {  	(v2sf) =	vpush v5, $0x0  }
0x33f: {  	s20 =	sadd.s32 s20, s30;
	(v2sf) =	vpush v6, $0x0  }
0x340: {  	[tilespmem:s20+$0x19000] =	vst.msk vm1, v3  }
0x341: {  	[tilespmem:s20+$0x19100] =	vst.msk vm1, v4  }
0x342: {  	v3 =	vld [tilespmem:$0x190E0];
	_ =	sdelay $0x4  }
0x343: {  	vm12 =	veq.s32 v2, v3  }
0x344: {  	v4 =	vsel vm12, $0x1, v1  }
0x345: {  	(xrf0) =	vadd.scan.msk.s32 $0xffff, v4;
	_ =	sdelay $0x3  }
0x346: {  	s24 =	spop (v2sf)  }
0x347: {  	s25 =	spop (v2sf)  }
0x348: {  	v4, _, _ =	vpop (xrf0);
	s21 =	sadd.s32 s21, s25  }
0x349: {  	v4 =	vadd.s32 s21, v4  }
0x34a: {  	vm13 =	vle.s32 v4, s19  }
0x34b: {  	vm14 =	vlt.s32 v2, v3;
	vm1 =	vmand vm12, vm13  }
0x34c: {  	vm1 =	vmor vm14, vm1  }
0x34d: {  	v4 =	vld [tilespmem:$0x191E0];
	v5 =	vmpcnt.ones.xlane vm1  }
0x34e: {  	v6 =	vmpcnt.ones.xlane vm12  }
0x34f: {  	(v2sf) =	vpush v5, $0x0  }
0x350: {  	s20 =	sadd.s32 s20, s24;
	(v2sf) =	vpush v6, $0x0  }
0x351: {  	[tilespmem:s20+$0x19000] =	vst.msk vm1, v3  }
0x352: {  	[tilespmem:s20+$0x19100] =	vst.msk vm1, v4  }
0x353: {  	v3 =	vld [tilespmem:$0x190F0];
	_ =	sdelay $0x4  }
0x354: {  	vm15 =	veq.s32 v2, v3  }
0x355: {  	v4 =	vsel vm15, $0x1, v1  }
0x356: {  	(xrf0) =	vadd.scan.msk.s32 $0xffff, v4;
	_ =	sdelay $0x3  }
0x357: {  	s26 =	spop (v2sf)  }
0x358: {  	s28 =	spop (v2sf)  }
0x359: {  	v4, _, _ =	vpop (xrf0);
	s21 =	sadd.s32 s21, s28  }
0x35a: {  	v5 =	vld [tilespmem:$0x191F0];
	v4 =	vadd.s32 s21, v4  }
0x35b: {  	vm4 =	vle.s32 v4, s19  }
0x35c: {  	vm5 =	vlt.s32 v2, v3;
	vm0 =	vmand vm15, vm4  }
0x35d: {  	s29 =	sadd.s32 s20, s26;
	vm0 =	vmor vm5, vm0  }
0x35e: {  	[tilespmem:s29+$0x19000] =	vst.msk vm0, v3  }
0x35f: {  	[tilespmem:s29+$0x19100] =	vst.msk vm0, v5  }
0x360: {  	v2 =	vld [tilespmem:$0x19000]  }
0x361: {  	v3 =	vld [tilespmem:$0x19010]  }
0x362: {  	v4 =	vld [tilespmem:$0x19020]  }
0x363: {  	v5 =	vld [tilespmem:$0x19030];
	_ =	sdelay $0x2  }
0x364: {  	v6 =	vmax.f32 v2, v3  }
0x365: {  	v6 =	vmax.f32 v6, v4  }
0x366: {  	v6 =	vmax.f32 v6, v5  }
0x367: {  	(xrf1) =	vsort.dscd.msk.f32 $0xffff, v6, v6;
	_ =	sdelay $0xc  }
0x368: {  	v6 =	vld [tilespmem:$0x19110]  }
0x369: {  	v7 =	vld [tilespmem:$0x19100];
	v61, _, _ =	vpop (xrf1)  }
0x36a: {  	v8 =	vbroadcast v61, $0x0;
	_ =	sdelay $0x1  }
0x36b: {  	vm6 =	veq.f32 v3, v8;
	v3 =	vld [tilespmem:$0x19120]  }
0x36c: {  	v6 =	vnsel vm6, $0x7FFFFFFF, v6  }
0x36d: {  	vm0 =	vlt.s32 v7, v6  }
0x36e: {  	v62 =	vld [tilespmem:$0x19130];
	vm7 =	veq.f32 v2, v8;
	v2 =	vsel vm0, v7, v6  }
0x36f: {  	v2 =	vsel vm7, v2, v6  }
0x370: {  	vm8 =	vlt.s32 v2, v3  }
0x371: {  	vm9 =	veq.f32 v4, v8;
	v3 =	vsel vm8, v2, v3  }
0x372: {  	v2 =	vsel vm9, v3, v2  }
0x373: {  	vm10 =	vlt.s32 v2, v62  }
0x374: {  	vm11 =	veq.f32 v5, v8;
	v3 =	vsel vm10, v2, v62  }
0x375: {  	v2 =	vsel vm11, v3, v2  }
0x376: {  	v3 =	vxor.u32 $0x80000000, v2  }
0x377: {  	(xrf1) =	vsort.ascd.msk.u32 $0xffff, v3, v2;
	_ =	sdelay $0xd  }
0x378: {  	v2, _, _ =	vpop (xrf1)  }
0x379: {  	(v2sf) =	vpush v2, $0x0;
	_ =	sdelay $0x4  }
0x37a: {  	[tilespmem:$0x19040] =	vst v0  }
0x37b: {  	[tilespmem:$0x19050] =	vst v0  }
0x37c: {  	[tilespmem:$0x19060] =	vst v0  }
0x37d: {  	[tilespmem:$0x19070] =	vst v0  }
0x37e: {  	[tilespmem:$0x19080] =	vst v0  }
0x37f: {  	[tilespmem:$0x19090] =	vst v0  }
0x380: {  	s30 =	simm.s32 $0x0;
	[tilespmem:$0x190A0] =	vst v0  }
0x381: {  	[tilespmem:$0x190B0] =	vst v0;
	v2 =	vmov s30  }
0x382: {  	[tilespmem:$0x190C0] =	vst v0  }
0x383: {  	[tilespmem:$0x190D0] =	vst v0  }
0x384: {  	[tilespmem:$0x190E0] =	vst v0;
	s31 =	spop (v2sf)  }
0x385: {  	[tilespmem:$0x190F0] =	vst v0;
	s19 =	sxor.u32 $0x80000000, s31  }
0x386: {  	[tilespmem:v2+s13+$0x0] =	vst.idx.msk $0x1, v8;
	v3 =	vmov s19  }
0x387: {  	[tilespmem:v2+s14+$0x0] =	vst.idx.msk $0x1, v3  }
0x388: {  	v2 =	vld [tilespmem:$0x19100]  }
0x389: {  	v3 =	vld [tilespmem:$0x19000]  }
0x38a: {  	v4 =	vld [tilespmem:$0x19110]  }
0x38b: {  	v5 =	vld [tilespmem:$0x19010]  }
0x38c: {  	v6 =	vld [tilespmem:$0x19120]  }
0x38d: {  	v7 =	vld [tilespmem:$0x19020]  }
0x38e: {  	v8 =	vld [tilespmem:$0x19130]  }
0x38f: {  	v63 =	vld [tilespmem:$0x19030]  }
0x390: {  	vm12 =	veq.s32 v2, s19  }
0x391: {  	vm13 =	veq.s32 v4, s19;
	v2 =	vsel vm12, $0xBF800000, v3  }
0x392: {  	vm14 =	veq.s32 v6, s19;
	v3 =	vsel vm13, $0xBF800000, v5;
	[tilespmem:$0x19000] =	vst v2  }
0x393: {  	vm15 =	veq.s32 v8, s19;
	[tilespmem:$0x19010] =	vst v3;
	v3 =	vsel vm14, $0xBF800000, v7;
	v2 =	vld [tilespmem:$0x19000]  }
0x394: {  	s20 =	simm.s32 $0x2;
	s19 =	simm.s32 $0x1;
	v4 =	vsel vm15, $0xBF800000, v63;
	[tilespmem:$0x19020] =	vst v3;
	v3 =	vld [tilespmem:$0x19010]  }
.LBB2_12:
0x395: {  	p0 =	sne.s32 s20, $0x3F;
	v5 =	vld [tilespmem:$0x19020];
	[tilespmem:$0x19030] =	vst v4  }
0x396: {  	v4 =	vld [tilespmem:$0x19030];
	_ =	sdelay $0x2  }
0x397: {  	v6 =	vmax.f32 v2, v3  }
0x398: {  	v6 =	vmax.f32 v6, v5  }
0x399: {  	v6 =	vmax.f32 v6, v4  }
0x39a: {  	(xrf1) =	vsort.dscd.msk.f32 $0xffff, v6, v6;
	_ =	sdelay $0xb  }
0x39b: {  	v6 =	vmov s19;
	s19 =	smov.u32 s20  }
0x39c: {  	v7 =	vld [tilespmem:$0x19110]  }
0x39d: {  	v8 =	vld [tilespmem:$0x19100];
	v9, _, _ =	vpop (xrf1)  }
0x39e: {  	v9 =	vbroadcast v9, $0x0  }
0x39f: {  	v10 =	vld [tilespmem:$0x19130]  }
0x3a0: {  	vm0 =	veq.f32 v3, v9;
	v3 =	vld [tilespmem:$0x19120];
	[tilespmem:v6+s13+$0x0] =	vst.idx.msk $0x1, v9  }
0x3a1: {  	v7 =	vnsel vm0, $0x7FFFFFFF, v7  }
0x3a2: {  	vm0 =	vlt.s32 v8, v7  }
0x3a3: {  	vm1 =	veq.f32 v2, v9;
	v2 =	vsel vm0, v8, v7  }
0x3a4: {  	v2 =	vsel vm1, v2, v7  }
0x3a5: {  	vm0 =	vlt.s32 v2, v3  }
0x3a6: {  	vm1 =	veq.f32 v5, v9;
	v3 =	vsel vm0, v2, v3  }
0x3a7: {  	v2 =	vsel vm1, v3, v2  }
0x3a8: {  	vm0 =	vlt.s32 v2, v10  }
0x3a9: {  	vm1 =	veq.f32 v4, v9;
	v3 =	vsel vm0, v2, v10  }
0x3aa: {  	v2 =	vsel vm1, v3, v2  }
0x3ab: {  	v3 =	vxor.u32 $0x80000000, v2  }
0x3ac: {  	(xrf1) =	vsort.ascd.msk.u32 $0xffff, v3, v2;
	_ =	sdelay $0xd  }
0x3ad: {  	v2, _, _ =	vpop (xrf1)  }
0x3ae: {  	(v2sf) =	vpush v2, $0x0;
	_ =	sdelay $0xe  }
0x3af: {  	s21 =	spop (v2sf)  }
0x3b0: {  	s21 =	sxor.u32 $0x80000000, s21  }
0x3b1: {  	v2 =	vmov s21  }
0x3b2: {  	[tilespmem:v6+s14+$0x0] =	vst.idx.msk $0x1, v2  }
0x3b3: {  	v2 =	vld [tilespmem:$0x19100]  }
0x3b4: {  	v3 =	vld [tilespmem:$0x19000]  }
0x3b5: {  	v4 =	vld [tilespmem:$0x19110]  }
0x3b6: {  	v5 =	vld [tilespmem:$0x19010]  }
0x3b7: {  	v6 =	vld [tilespmem:$0x19120]  }
0x3b8: {  	vm0 =	veq.s32 v2, s21;
	v7 =	vld [tilespmem:$0x19020]  }
0x3b9: {  	v2 =	vsel vm0, $0xBF800000, v3;
	v3 =	vld [tilespmem:$0x19130]  }
0x3ba: {  	[tilespmem:$0x19000] =	vst v2;
	vm0 =	veq.s32 v4, s21;
	v4 =	vld [tilespmem:$0x19030]  }
.Ltmp6:
0x3bb: {  	v2 =	vld [tilespmem:$0x19000];
	v5 =	vsel vm0, $0xBF800000, v5;
	(pc) =	sbr.rel @p0 .LBB2_12-.Ltmp6, $4  }
0x3bc: {  	[tilespmem:$0x19010] =	vst v5;
	vm0 =	veq.s32 v6, s21  }
0x3bd: {  	v5 =	vsel vm0, $0xBF800000, v7  }
0x3be: {  	[tilespmem:$0x19020] =	vst v5;
	vm0 =	veq.s32 v3, s21  }
0x3bf: {  	s20 =	sadd.s32 $0x1, s20;
	v3 =	vld [tilespmem:$0x19010];
	v4 =	vsel vm0, $0xBF800000, v4  }
0x3c0: {  	v5 =	vld [tilespmem:$0x19020];
	[tilespmem:$0x19030] =	vst v4  }
0x3c1: {  	v4 =	vld [tilespmem:$0x19030];
	_ =	sdelay $0x2  }
0x3c2: {  	v6 =	vmax.f32 v2, v3  }
0x3c3: {  	v6 =	vmax.f32 v6, v5  }
0x3c4: {  	v6 =	vmax.f32 v6, v4  }
0x3c5: {  	(xrf1) =	vsort.dscd.msk.f32 $0xffff, v6, v6;
	_ =	sdelay $0xc  }
0x3c6: {  	v58 =	vld [tilespmem:$0x19110]  }
0x3c7: {  	v7 =	vld [tilespmem:$0x19100];
	v8, _, _ =	vpop (xrf1)  }
0x3c8: {  	v8 =	vbroadcast v8, $0x0;
	_ =	sdelay $0x1  }
0x3c9: {  	vm0 =	veq.f32 v3, v8;
	v3 =	vld [tilespmem:$0x19120]  }
0x3ca: {  	v6 =	vnsel vm0, $0x7FFFFFFF, v58  }
0x3cb: {  	vm0 =	vlt.s32 v7, v6  }
0x3cc: {  	v9 =	vld [tilespmem:$0x19130];
	vm1 =	veq.f32 v2, v8;
	v2 =	vsel vm0, v7, v6  }
0x3cd: {  	v2 =	vsel vm1, v2, v6  }
0x3ce: {  	vm8 =	vlt.s32 v2, v3  }
0x3cf: {  	vm9 =	veq.f32 v5, v8;
	v3 =	vsel vm8, v2, v3  }
0x3d0: {  	v2 =	vsel vm9, v3, v2  }
0x3d1: {  	vm10 =	vlt.s32 v2, v9  }
0x3d2: {  	vm11 =	veq.f32 v4, v8;
	v3 =	vsel vm10, v2, v9  }
0x3d3: {  	v2 =	vsel vm11, v3, v2  }
0x3d4: {  	v3 =	vxor.u32 $0x80000000, v2  }
0x3d5: {  	(xrf1) =	vsort.ascd.msk.u32 $0xffff, v3, v2;
	_ =	sdelay $0xd  }
0x3d6: {  	v2, _, _ =	vpop (xrf1)  }
0x3d7: {  	(v2sf) =	vpush v2, $0x0;
	_ =	sdelay $0xb  }
0x3d8: {  	v2 =	vmov s19;
	_ =	sdelay $0x2  }
0x3d9: {  	s30 =	spop (v2sf)  }
0x3da: {  	s19 =	sxor.u32 $0x80000000, s30  }
0x3db: {  	[tilespmem:v2+s13+$0x0] =	vst.idx.msk $0x1, v8;
	v3 =	vmov s19  }
0x3dc: {  	[tilespmem:v2+s14+$0x0] =	vst.idx.msk $0x1, v3  }
0x3dd: {  	v2 =	vld [tilespmem:$0x19100]  }
0x3de: {  	v3 =	vld [tilespmem:$0x19000]  }
0x3df: {  	v59 =	vld [tilespmem:$0x19110]  }
0x3e0: {  	v60 =	vld [tilespmem:$0x19010]  }
0x3e1: {  	v61 =	vld [tilespmem:$0x19120]  }
0x3e2: {  	v62 =	vld [tilespmem:$0x19020]  }
0x3e3: {  	v8 =	vld [tilespmem:$0x19130]  }
0x3e4: {  	v63 =	vld [tilespmem:$0x19030]  }
0x3e5: {  	vm12 =	veq.s32 v2, s19  }
0x3e6: {  	vm13 =	veq.s32 v59, s19;
	v2 =	vsel vm12, $0xBF800000, v3  }
0x3e7: {  	s18 =	sshll.u32 s18, $0xA;
	vm14 =	veq.s32 v61, s19;
	[tilespmem:$0x19000] =	vst v2;
	v2 =	vsel vm13, $0xBF800000, v60  }
0x3e8: {  	s17 =	sor.u32 s17, s18;
	vm15 =	veq.s32 v8, s19;
	[tilespmem:$0x19010] =	vst v2;
	v2 =	vsel vm14, $0xBF800000, v62  }
0x3e9: {  	s17 =	sshrl.u32 s17, $0x3;
	[tilespmem:$0x19020] =	vst v2;
	v2 =	vsel vm15, $0xBF800000, v63  }
0x3ea: {  	s31 =	sadd.s32 s4, s17;
	[tilespmem:$0x19030] =	vst v2  }
0x3eb: {  	[hbm4b:s31+s1] =	stream.linear.scatter [tilespmem:s13], [sflag:$0x1], $0x80, $0x38;
	[tilespmem:$0x19300] =	vst v63  }
0x3ec: {  	s16 =	sadd.s32 $0x1, s16;
	_ =	swait.ge [sflag:s10], $0x80  }
0x3ed: {  	p0 =	sne.s32 s16, $0x80;
	[sflag:s10] =	ssyncset.done $0x0  }
.Ltmp7:
0x3ee: {  	s17 =	sadd.s32 s5, s17;
	[sflag:s10] =	ssyncadd.s32 $0xFFFFFF80;
	(pc) =	sbr.rel @p0 .LBB2_2-.Ltmp7, $4  }
0x3ef: {  	[hbm4b:s17+s1] =	stream.linear.scatter [tilespmem:s14], [sflag:$0x1], $0x80, $0x38;
	[tilespmem:$0x19300] =	vst v63  }
0x3f0: {  	_ =	swait.ge [sflag:s10], $0x80  }
0x3f1: {  	[sflag:s10] =	ssyncset.done $0x0  }
0x3f2: {  	[sflag:s10] =	ssyncadd.s32 $0xFFFFFF80  }
0x3f3: {  	s15 =	sadd.s32 $0x1, s15  }
0x3f4: {  	p0 =	sne.s32 s15, s7  }
.Ltmp8:
0x3f5: {  	_ = 	snop;
	(pc) =	sbr.rel @p0 .LBB2_1-.Ltmp8, $1  }
0x3f6: {  	_ =	sdelay $0x3  }
0x3f7: {  	_ =	sfence.sel $0x180000  }
0x3f8: {  	[bflag:$0x0] =	sbarrier.arrive $0xFFFF  }
0x3f9: {  	p0 =	sne.s32 s2, $0x0;
	_ =	strace $0x90000047  }
0x3fa: {  	s0 =	sadd.s32 @!p0 $0x100000, s0;
	[bflag:$0x2] =	sbarrier.arrive $0xFFFF  }
0x3fb: {  	[sflag:s0] =	ssyncadd.tile.s32 @!p0 $0x1;
	_ =	shalt  }
.Lfunc_end2:
_tile_overlayer_lowered:
.L_overlay_start_2:
0x3fc: {  	(tag) =	ssettag $0x2  }
0x3fd: {  	s0 =	rddreg [dreg:$0x0];
	s2 =	stileid.u32  }
0x3fe: {  	s1 =	rddreg [dreg:$0x1];
	p0 =	sne.s32 s2, $0x0  }
0x3ff: {  	s3 =	rddreg [dreg:$0x2];
	[bflag:$0x3] =	sbarrier.arrive $0xFFFF;
	s2 =	simm.s32 @!p0 $0x1C01  }
0x400: {  	[timem:s3], [sflag:s2] =	dma.local @!p0 [hbm:s0], s1  }
0x401: {  	s0 =	simm.s32 @!p0 $0x1  }
0x402: {  	_ =	swait.ge @!p0 [sflag:s0], s1  }
0x403: {  	s1 =	ssub.s32 @!p0 $0x0, s1;
	[sflag:s0] =	ssyncset.done @!p0 $0x0  }
0x404: {  	[sflag:s0] =	ssyncadd.s32 @!p0 s1  }
0x405: {  	[bflag:$0x3] =	sbarrier.arrive $0xFFFF  }
0x406: {  	_ =	shalt  }

</sc_bundles>
